<compile_context>
chip_gen: v7x
topology: tpu7x:2x2x1
jax: 0.10.2.dev20260603
libtpu: 0.0.44.dev20260713+nightly
codegen_flags: <defaults>
</compile_context>

<pallas_src>
import functools

import jax
import jax.numpy as jnp
from jax import lax
from jax.experimental import pallas as pl
from jax.experimental.pallas import tpu as pltpu
from jax.experimental.pallas import tpu_sc as plsc

NUM_ROWS = 1000000
DIM = 64
ROWS_PER_BLOCK = 8000
NUM_BLOCKS = NUM_ROWS // ROWS_PER_BLOCK

NW = 32
XROWS = 16384
XCOLS = 26
XR_PER_W = XROWS // NW
G_XR = 4
CHUNK = G_XR * XCOLS
NCHUNK = XR_PER_W // G_XR
PER_W = XR_PER_W * XCOLS


PHALF = ROWS_PER_BLOCK // 2


def _sigma_body(p_ref, ua_ref, ub_ref, o_ref, g_acc, ta_acc, tb_acc):
    i = pl.program_id(0)

    @pl.when(i == 0)
    def _init():
        g_acc[...] = jnp.zeros_like(g_acc)
        ta_acc[...] = jnp.zeros_like(ta_acc)
        tb_acc[...] = jnp.zeros_like(tb_acc)

    p = p_ref[...]
    ua = ua_ref[...].reshape(1, PHALF)
    ub = ub_ref[...].reshape(1, PHALF)
    g_acc[...] += lax.dot_general(
        p, p, (((0,), (0,)), ((), ())), preferred_element_type=jnp.float32)
    ta_acc[...] += jnp.dot(ua, p, preferred_element_type=jnp.float32)
    tb_acc[...] += jnp.dot(ub, p, preferred_element_type=jnp.float32)

    @pl.when(i == NUM_BLOCKS - 1)
    def _fini():
        eps = 1e-12
        t = ta_acc[0:1, 0:DIM] + tb_acc[0:1, DIM:2 * DIM]
        g = g_acc[0:DIM, 0:DIM] + g_acc[DIM:2 * DIM, DIM:2 * DIM]
        nt = jnp.sqrt(jnp.sum(t * t))
        v = t / (nt + eps)
        gv = jnp.dot(v, g, preferred_element_type=jnp.float32)
        s2 = jnp.sum(gv * v)
        sigma = s2 / (jnp.sqrt(s2) + eps)
        o_ref[...] = jnp.broadcast_to(1.0 / sigma, (8, 128))


def _sigma_pass(w2, ua, ub):
    return pl.pallas_call(
        _sigma_body,
        grid=(NUM_BLOCKS,),
        in_specs=[
            pl.BlockSpec((PHALF, 2 * DIM), lambda i: (i, 0)),
            pl.BlockSpec((1, 1, PHALF), lambda i: (i, 0, 0)),
            pl.BlockSpec((1, 1, PHALF), lambda i: (i, 0, 0)),
        ],
        out_specs=pl.BlockSpec((8, 128), lambda i: (0, 0)),
        out_shape=jax.ShapeDtypeStruct((8, 128), jnp.float32),
        scratch_shapes=[
            pltpu.VMEM((2 * DIM, 2 * DIM), jnp.float32),
            pltpu.VMEM((1, 2 * DIM), jnp.float32),
            pltpu.VMEM((1, 2 * DIM), jnp.float32),
        ],
    )(w2, ua.reshape(NUM_BLOCKS, 1, PHALF), ub.reshape(NUM_BLOCKS, 1, PHALF))


@functools.cache
def _make_gather():
    mesh = plsc.VectorSubcoreMesh(
        core_axis_name="c", subcore_axis_name="s", num_cores=2, num_subcores=16)

    NBUF = 4

    @functools.partial(
        pl.kernel,
        out_type=jax.ShapeDtypeStruct((XROWS, XCOLS, DIM), jnp.float32),
        mesh=mesh,
        scratch_types=[
            pltpu.VMEM((PER_W,), jnp.int32),
            pltpu.VMEM((PER_W,), jnp.int32),
            pltpu.VMEM((16,), jnp.float32),
            [pltpu.VMEM((CHUNK, 2 * DIM), jnp.float32) for _ in range(NBUF)],
            [pltpu.VMEM((CHUNK, DIM), jnp.float32) for _ in range(2)],
            [pltpu.SemaphoreType.DMA for _ in range(NBUF)],
            [pltpu.SemaphoreType.DMA for _ in range(2)],
        ],
        compiler_params=pltpu.CompilerParams(needs_layout_passes=False),
    )
    def _gather(pack_hbm, pidx_hbm, colb_hbm, scale_hbm, out_hbm,
                pidx_v, colb_v, scale_v, gbufs, outbs, gsems, osems):
        wid = lax.axis_index("s") * 2 + lax.axis_index("c")
        base = wid * PER_W
        pltpu.sync_copy(pidx_hbm.at[pl.ds(base, PER_W)], pidx_v)
        pltpu.sync_copy(colb_hbm.at[pl.ds(base, PER_W)], colb_v)
        pltpu.sync_copy(scale_hbm, scale_v)
        s = scale_v[...]

        def gather_chunk(c, b):
            pltpu.async_copy(
                pack_hbm.at[pidx_v.at[pl.ds(c * CHUNK, CHUNK)]],
                gbufs[b], gsems[b])

        def wait_gather(b):
            pltpu.make_async_copy(
                pack_hbm.at[pidx_v.at[pl.ds(0, CHUNK)]],
                gbufs[b], gsems[b]).wait()

        xrow0 = wid * XR_PER_W

        def put_chunk(c, b):
            for j in range(G_XR):
                pltpu.async_copy(outbs[b % 2].at[pl.ds(j * XCOLS, XCOLS)],
                                 out_hbm.at[xrow0 + c * G_XR + j],
                                 osems[b % 2])

        def wait_put(b):
            for j in range(G_XR):
                pltpu.make_async_copy(outbs[b % 2].at[pl.ds(0, XCOLS)],
                                      out_hbm.at[xrow0],
                                      osems[b % 2]).wait()

        def select_chunk(c, b):
            gb, ob = gbufs[b], outbs[b % 2]
            off = c * CHUNK

            def row(r, carry):
                pb = plsc.load_gather(colb_v, [jnp.full((16,), off, jnp.int32) + r])
                m = pb > 0
                for k in range(DIM // 16):
                    lo = gb[r, pl.ds(16 * k, 16)]
                    hi = gb[r, pl.ds(DIM + 16 * k, 16)]
                    ob[r, pl.ds(16 * k, 16)] = jnp.where(m, hi, lo) * s
                return carry

            lax.fori_loop(0, CHUNK, row, 0, unroll=2)

        for b in range(NBUF):
            gather_chunk(b, b)

        def step(i, carry):
            for b in range(NBUF):
                c = i * NBUF + b
                wait_gather(b)

                @pl.when((i > 0) | (b >= 2))
                def _drain():
                    wait_put(b)

                select_chunk(c, b)
                put_chunk(c, b)

                @pl.when(c + NBUF < NCHUNK)
                def _prefetch():
                    gather_chunk(c + NBUF, b)
            return carry

        lax.fori_loop(0, NCHUNK // NBUF, step, 0)
        for b in range(2):
            wait_put(b)

    return _gather


def kernel(x, weight, u):
    w2 = weight.reshape(NUM_ROWS // 2, 2 * DIM)
    u2 = u.reshape(NUM_ROWS // 2, 2)
    ua = u2[:, 0].reshape(-1)
    ub = u2[:, 1].reshape(-1)
    inv_blk = _sigma_pass(w2, ua, ub)
    scale16 = inv_blk[0, :16]
    pidx = (x >> 1).reshape(-1)
    colb = ((x & 1) * DIM).reshape(-1)
    return _make_gather()(w2, pidx, colb, scale16)

# --- scband reference (transcript-rebuilt; emitter-appended) ---
"""Pipeline reference for scband-sn-embedding-37641093382319 (READ-ONLY COPY).

The authoritative reference and input builder live on the scoring server;
editing this copy changes nothing except your own understanding.
"""

import jax, jax.numpy as jnp
import numpy as np

NUM_CLASSES = 1000000
EMBED_DIM = 64


def setup_inputs(seed: int = 0) -> dict:
    key = jax.random.key(seed)
    k1, k2, k3 = jax.random.split(key, 3)
    # xavier_uniform_ init: bound = sqrt(6 / (fan_in + fan_out))
    bound = float(np.sqrt(6.0 / (NUM_CLASSES + EMBED_DIM)))
    weight = jax.random.uniform(k1, (NUM_CLASSES, EMBED_DIM), minval=-bound, maxval=bound, dtype=jnp.float32)
    # spectral_norm 'u' buffer: random normal, L2-normalized, shape = weight_mat.shape[0]
    u = jax.random.normal(k2, (NUM_CLASSES,), dtype=jnp.float32)
    u = u / (jnp.linalg.norm(u) + 1e-12)
    x = jax.random.randint(k3, (16384, 26), 0, NUM_CLASSES).astype(jnp.int32)
    return {"x": x, "weight": weight, "u": u}


def reference(x, weight, u):
    eps = 1e-12
    # one power iteration (n_power_iterations=1), mirroring torch.nn.utils.spectral_norm
    v = weight.T @ u
    v = v / (jnp.linalg.norm(v) + eps)
    u_new = weight @ v
    u_new = u_new / (jnp.linalg.norm(u_new) + eps)
    sigma = u_new @ (weight @ v)
    w_sn = weight / sigma
    # embedding lookup
    return jnp.take(w_sn, x, axis=0)

if __name__ == "__main__":
    import jax
    _d = setup_inputs()
    print(jax.jit(kernel)(*tuple(_d.values())))

</pallas_src>

<mosaic_0001>
#map = affine_map<(d0, d1) -> (0, 0)>
#map1 = affine_map<(d0, d1) -> (0)>
#map2 = affine_map<(d0, d1) -> (0, 0, 0)>
module attributes {stable_mosaic.version = 14 : i64} {
  func.func @_gather(%arg0: i32, %arg1: i32, %arg2: memref<500000x128xf32, #tpu.memory_space<hbm>>, %arg3: memref<425984xi32, #tpu.memory_space<hbm>>, %arg4: memref<425984xi32, #tpu.memory_space<hbm>>, %arg5: memref<16xf32, #tpu.memory_space<hbm>>, %arg6: memref<16384x26x64xf32, #tpu.memory_space<hbm>>, %arg7: memref<13312xi32, #tpu.memory_space<vmem>>, %arg8: memref<13312xi32, #tpu.memory_space<vmem>>, %arg9: memref<16xf32, #tpu.memory_space<vmem>>, %arg10: memref<104x128xf32, #tpu.memory_space<vmem>>, %arg11: memref<104x128xf32, #tpu.memory_space<vmem>>, %arg12: memref<104x128xf32, #tpu.memory_space<vmem>>, %arg13: memref<104x128xf32, #tpu.memory_space<vmem>>, %arg14: memref<104x64xf32, #tpu.memory_space<vmem>>, %arg15: memref<104x64xf32, #tpu.memory_space<vmem>>, %arg16: memref<!tpu.dma_semaphore, #tpu.memory_space<semaphore_mem>>, %arg17: memref<!tpu.dma_semaphore, #tpu.memory_space<semaphore_mem>>, %arg18: memref<!tpu.dma_semaphore, #tpu.memory_space<semaphore_mem>>, %arg19: memref<!tpu.dma_semaphore, #tpu.memory_space<semaphore_mem>>, %arg20: memref<!tpu.dma_semaphore, #tpu.memory_space<semaphore_mem>>, %arg21: memref<!tpu.dma_semaphore, #tpu.memory_space<semaphore_mem>>) attributes {dimension_semantics = [#tpu.dimension_semantics<core_parallel>, #tpu.dimension_semantics<subcore_parallel>], iteration_bounds = array<i64: 2, 16>, scalar_prefetch = 0 : i64, scratch_operands = 15 : i64, tpu.core_type = #tpu.core_type<sc_vector_subcore>, window_params = [{transform_indices = #map}, {transform_indices = #map1}, {transform_indices = #map1}, {transform_indices = #map1}, {transform_indices = #map2}]} {
    %mul3A = arith.constant 2 : i32
    %mul3A_0 = arith.muli %arg1, %mul3A : i32
    %add3A = arith.addi %mul3A_0, %arg0 : i32
    %mul3A_1 = arith.constant 13312 : i32
    %mul3A_2 = arith.muli %add3A, %mul3A_1 : i32
    "tpu.region"() ({
      %run_scoped3A = tpu.sem_alloc : memref<!tpu.dma_semaphore, #tpu.memory_space<semaphore_mem>>
      %dma_start3A_141 = tpu.memref_slice %arg3[%mul3A_2] : memref<425984xi32, #tpu.memory_space<hbm>> -> memref<13312xi32, #tpu.memory_space<hbm>>
      %dma_start3A_142 = tpu.memref_slice %arg3[%mul3A_2] : memref<425984xi32, #tpu.memory_space<hbm>> -> memref<13312xi32, #tpu.memory_space<hbm>>
      tpu.enqueue_dma source(%dma_start3A_142 : memref<13312xi32, #tpu.memory_space<hbm>>) target(%arg7 : memref<13312xi32, #tpu.memory_space<vmem>>) target_semaphore(%run_scoped3A : memref<!tpu.dma_semaphore, #tpu.memory_space<semaphore_mem>>)
      %dma_wait3A_143 = tpu.memref_slice %arg3[%mul3A_2] : memref<425984xi32, #tpu.memory_space<hbm>> -> memref<13312xi32, #tpu.memory_space<hbm>>
      %dma_wait3A_144 = tpu.memref_slice %arg3[%mul3A_2] : memref<425984xi32, #tpu.memory_space<hbm>> -> memref<13312xi32, #tpu.memory_space<hbm>>
      tpu.wait_dma2 semaphore(%run_scoped3A : memref<!tpu.dma_semaphore, #tpu.memory_space<semaphore_mem>>) src(%dma_wait3A_144 : memref<13312xi32, #tpu.memory_space<hbm>>) dst(%arg7 : memref<13312xi32, #tpu.memory_space<vmem>>)
      tpu.yield
    }) : () -> ()
    "tpu.region"() ({
      %run_scoped3A = tpu.sem_alloc : memref<!tpu.dma_semaphore, #tpu.memory_space<semaphore_mem>>
      %dma_start3A_141 = tpu.memref_slice %arg4[%mul3A_2] : memref<425984xi32, #tpu.memory_space<hbm>> -> memref<13312xi32, #tpu.memory_space<hbm>>
      %dma_start3A_142 = tpu.memref_slice %arg4[%mul3A_2] : memref<425984xi32, #tpu.memory_space<hbm>> -> memref<13312xi32, #tpu.memory_space<hbm>>
      tpu.enqueue_dma source(%dma_start3A_142 : memref<13312xi32, #tpu.memory_space<hbm>>) target(%arg8 : memref<13312xi32, #tpu.memory_space<vmem>>) target_semaphore(%run_scoped3A : memref<!tpu.dma_semaphore, #tpu.memory_space<semaphore_mem>>)
      %dma_wait3A_143 = tpu.memref_slice %arg4[%mul3A_2] : memref<425984xi32, #tpu.memory_space<hbm>> -> memref<13312xi32, #tpu.memory_space<hbm>>
      %dma_wait3A_144 = tpu.memref_slice %arg4[%mul3A_2] : memref<425984xi32, #tpu.memory_space<hbm>> -> memref<13312xi32, #tpu.memory_space<hbm>>
      tpu.wait_dma2 semaphore(%run_scoped3A : memref<!tpu.dma_semaphore, #tpu.memory_space<semaphore_mem>>) src(%dma_wait3A_144 : memref<13312xi32, #tpu.memory_space<hbm>>) dst(%arg8 : memref<13312xi32, #tpu.memory_space<vmem>>)
      tpu.yield
    }) : () -> ()
    "tpu.region"() ({
      %run_scoped3A = tpu.sem_alloc : memref<!tpu.dma_semaphore, #tpu.memory_space<semaphore_mem>>
      tpu.enqueue_dma source(%arg5 : memref<16xf32, #tpu.memory_space<hbm>>) target(%arg9 : memref<16xf32, #tpu.memory_space<vmem>>) target_semaphore(%run_scoped3A : memref<!tpu.dma_semaphore, #tpu.memory_space<semaphore_mem>>)
      tpu.wait_dma2 semaphore(%run_scoped3A : memref<!tpu.dma_semaphore, #tpu.memory_space<semaphore_mem>>) src(%arg5 : memref<16xf32, #tpu.memory_space<hbm>>) dst(%arg9 : memref<16xf32, #tpu.memory_space<vmem>>)
      tpu.yield
    }) : () -> ()
    %get3A = arith.constant 0 : index
    %get3A_3 = tpu.vector_load %arg9[%get3A] {strides = array<i32>} : memref<16xf32, #tpu.memory_space<vmem>>, vector<16xf32>,
    %mul3A_4 = arith.constant 512 : i32
    %mul3A_5 = arith.muli %add3A, %mul3A_4 : i32
    %dma_start3A = arith.constant 0 : i32
    %dma_start3A_6 = tpu.memref_slice %arg7[%dma_start3A] : memref<13312xi32, #tpu.memory_space<vmem>> -> memref<104xi32, #tpu.memory_space<vmem>>
    %dma_start3A_7 = arith.constant 0 : i32
    %dma_start3A_8 = arith.constant 0 : i32
    %dma_start3A_9 = tpu.memref_slice %arg2[%dma_start3A_7, %dma_start3A_8] : memref<500000x128xf32, #tpu.memory_space<hbm>> -> memref<500000x128xf32, #tpu.memory_space<hbm>>
    tpu.enqueue_indirect_dma source(%dma_start3A_9 : memref<500000x128xf32, #tpu.memory_space<hbm>>) target(%arg10 : memref<104x128xf32, #tpu.memory_space<vmem>>) offsets(%dma_start3A_6 : memref<104xi32, #tpu.memory_space<vmem>>) semaphore(%arg16 : memref<!tpu.dma_semaphore, #tpu.memory_space<semaphore_mem>>)
    %dma_start3A_10 = arith.constant 104 : i32
    %dma_start3A_11 = tpu.memref_slice %arg7[%dma_start3A_10] : memref<13312xi32, #tpu.memory_space<vmem>> -> memref<104xi32, #tpu.memory_space<vmem>>
    %dma_start3A_12 = arith.constant 0 : i32
    %dma_start3A_13 = arith.constant 0 : i32
    %dma_start3A_14 = tpu.memref_slice %arg2[%dma_start3A_12, %dma_start3A_13] : memref<500000x128xf32, #tpu.memory_space<hbm>> -> memref<500000x128xf32, #tpu.memory_space<hbm>>
    tpu.enqueue_indirect_dma source(%dma_start3A_14 : memref<500000x128xf32, #tpu.memory_space<hbm>>) target(%arg11 : memref<104x128xf32, #tpu.memory_space<vmem>>) offsets(%dma_start3A_11 : memref<104xi32, #tpu.memory_space<vmem>>) semaphore(%arg17 : memref<!tpu.dma_semaphore, #tpu.memory_space<semaphore_mem>>)
    %dma_start3A_15 = arith.constant 208 : i32
    %dma_start3A_16 = tpu.memref_slice %arg7[%dma_start3A_15] : memref<13312xi32, #tpu.memory_space<vmem>> -> memref<104xi32, #tpu.memory_space<vmem>>
    %dma_start3A_17 = arith.constant 0 : i32
    %dma_start3A_18 = arith.constant 0 : i32
    %dma_start3A_19 = tpu.memref_slice %arg2[%dma_start3A_17, %dma_start3A_18] : memref<500000x128xf32, #tpu.memory_space<hbm>> -> memref<500000x128xf32, #tpu.memory_space<hbm>>
    tpu.enqueue_indirect_dma source(%dma_start3A_19 : memref<500000x128xf32, #tpu.memory_space<hbm>>) target(%arg12 : memref<104x128xf32, #tpu.memory_space<vmem>>) offsets(%dma_start3A_16 : memref<104xi32, #tpu.memory_space<vmem>>) semaphore(%arg18 : memref<!tpu.dma_semaphore, #tpu.memory_space<semaphore_mem>>)
    %dma_start3A_20 = arith.constant 312 : i32
    %dma_start3A_21 = tpu.memref_slice %arg7[%dma_start3A_20] : memref<13312xi32, #tpu.memory_space<vmem>> -> memref<104xi32, #tpu.memory_space<vmem>>
    %dma_start3A_22 = arith.constant 0 : i32
    %dma_start3A_23 = arith.constant 0 : i32
    %dma_start3A_24 = tpu.memref_slice %arg2[%dma_start3A_22, %dma_start3A_23] : memref<500000x128xf32, #tpu.memory_space<hbm>> -> memref<500000x128xf32, #tpu.memory_space<hbm>>
    tpu.enqueue_indirect_dma source(%dma_start3A_24 : memref<500000x128xf32, #tpu.memory_space<hbm>>) target(%arg13 : memref<104x128xf32, #tpu.memory_space<vmem>>) offsets(%dma_start3A_21 : memref<104xi32, #tpu.memory_space<vmem>>) semaphore(%arg19 : memref<!tpu.dma_semaphore, #tpu.memory_space<semaphore_mem>>)
    %scan3A = arith.constant 0 : i32
    %scan3A_25 = arith.constant 0 : i32
    %scan3A_26 = arith.constant 32 : i32
    %scan3A_27 = arith.addi %scan3A_25, %scan3A_26 : i32
    %scan3A_28 = arith.constant 1 : i32
    scf.for %scan3A_141 = %scan3A_25 to %scan3A_27 step %scan3A_28  : i32 {
      %mul3A_142 = arith.constant 4 : i32
      %mul3A_143 = arith.muli %scan3A_141, %mul3A_142 : i32
      %add3A_144 = arith.constant 0 : i32
      %add3A_145 = arith.addi %mul3A_143, %add3A_144 : i32
      %dma_wait3A_146 = arith.constant 0 : i32
      %dma_wait3A_147 = tpu.memref_slice %arg7[%dma_wait3A_146] : memref<13312xi32, #tpu.memory_space<vmem>> -> memref<104xi32, #tpu.memory_space<vmem>>
      %dma_wait3A_148 = arith.constant 0 : i32
      %dma_wait3A_149 = arith.constant 0 : i32
      %dma_wait3A_150 = tpu.memref_slice %arg2[%dma_wait3A_148, %dma_wait3A_149] : memref<500000x128xf32, #tpu.memory_space<hbm>> -> memref<500000x128xf32, #tpu.memory_space<hbm>>
      tpu.wait_indirect_dma semaphore(%arg16 : memref<!tpu.dma_semaphore, #tpu.memory_space<semaphore_mem>>) src(%dma_wait3A_150 : memref<500000x128xf32, #tpu.memory_space<hbm>>) dst(%arg10 : memref<104x128xf32, #tpu.memory_space<vmem>>)
      %gt3A = arith.constant 0 : i32
      %gt3A_151 = arith.cmpi sgt, %scan3A_141, %gt3A : i32
      %or3A = arith.constant false
      %or3A_152 = arith.ori %gt3A_151, %or3A : i1
      %convert_element_type3A = arith.extui %or3A_152 : i1 to i32
      %cond3A = arith.constant 0 : i32
      %cond3A_153 = arith.cmpi ne, %convert_element_type3A, %cond3A : i32
      scf.if %cond3A_153 {
        %dma_wait3A_565 = arith.constant 0 : i32
        %dma_wait3A_566 = arith.constant 0 : i32
        %dma_wait3A_567 = tpu.memref_slice %arg14[%dma_wait3A_565, %dma_wait3A_566] : memref<104x64xf32, #tpu.memory_space<vmem>> -> memref<26x64xf32, #tpu.memory_space<vmem>>
        %dma_wait3A_568 = arith.constant 0 : i32
        %dma_wait3A_569 = arith.constant 0 : i32
        %dma_wait3A_570 = tpu.memref_slice %arg6[%mul3A_5, %dma_wait3A_568, %dma_wait3A_569] : memref<16384x26x64xf32, #tpu.memory_space<hbm>> -> memref<1x26x64xf32, #tpu.memory_space<hbm>>
        %dma_wait3A_571 = tpu.memref_squeeze %dma_wait3A_570 : memref<1x26x64xf32, #tpu.memory_space<hbm>> -> memref<26x64xf32, #tpu.memory_space<hbm>>
        %dma_wait3A_572 = arith.constant 0 : i32
        %dma_wait3A_573 = arith.constant 0 : i32
        %dma_wait3A_574 = tpu.memref_slice %arg6[%mul3A_5, %dma_wait3A_572, %dma_wait3A_573] : memref<16384x26x64xf32, #tpu.memory_space<hbm>> -> memref<1x26x64xf32, #tpu.memory_space<hbm>>
        %dma_wait3A_575 = tpu.memref_squeeze %dma_wait3A_574 : memref<1x26x64xf32, #tpu.memory_space<hbm>> -> memref<26x64xf32, #tpu.memory_space<hbm>>
        %dma_wait3A_576 = arith.constant 0 : i32
        %dma_wait3A_577 = arith.constant 0 : i32
        %dma_wait3A_578 = tpu.memref_slice %arg14[%dma_wait3A_576, %dma_wait3A_577] : memref<104x64xf32, #tpu.memory_space<vmem>> -> memref<26x64xf32, #tpu.memory_space<vmem>>
        tpu.wait_dma2 semaphore(%arg20 : memref<!tpu.dma_semaphore, #tpu.memory_space<semaphore_mem>>) src(%dma_wait3A_578 : memref<26x64xf32, #tpu.memory_space<vmem>>) dst(%dma_wait3A_575 : memref<26x64xf32, #tpu.memory_space<hbm>>)
        %dma_wait3A_579 = arith.constant 0 : i32
        %dma_wait3A_580 = arith.constant 0 : i32
        %dma_wait3A_581 = tpu.memref_slice %arg14[%dma_wait3A_579, %dma_wait3A_580] : memref<104x64xf32, #tpu.memory_space<vmem>> -> memref<26x64xf32, #tpu.memory_space<vmem>>
        %dma_wait3A_582 = arith.constant 0 : i32
        %dma_wait3A_583 = arith.constant 0 : i32
        %dma_wait3A_584 = tpu.memref_slice %arg6[%mul3A_5, %dma_wait3A_582, %dma_wait3A_583] : memref<16384x26x64xf32, #tpu.memory_space<hbm>> -> memref<1x26x64xf32, #tpu.memory_space<hbm>>
        %dma_wait3A_585 = tpu.memref_squeeze %dma_wait3A_584 : memref<1x26x64xf32, #tpu.memory_space<hbm>> -> memref<26x64xf32, #tpu.memory_space<hbm>>
        %dma_wait3A_586 = arith.constant 0 : i32
        %dma_wait3A_587 = arith.constant 0 : i32
        %dma_wait3A_588 = tpu.memref_slice %arg6[%mul3A_5, %dma_wait3A_586, %dma_wait3A_587] : memref<16384x26x64xf32, #tpu.memory_space<hbm>> -> memref<1x26x64xf32, #tpu.memory_space<hbm>>
        %dma_wait3A_589 = tpu.memref_squeeze %dma_wait3A_588 : memref<1x26x64xf32, #tpu.memory_space<hbm>> -> memref<26x64xf32, #tpu.memory_space<hbm>>
        %dma_wait3A_590 = arith.constant 0 : i32
        %dma_wait3A_591 = arith.constant 0 : i32
        %dma_wait3A_592 = tpu.memref_slice %arg14[%dma_wait3A_590, %dma_wait3A_591] : memref<104x64xf32, #tpu.memory_space<vmem>> -> memref<26x64xf32, #tpu.memory_space<vmem>>
        tpu.wait_dma2 semaphore(%arg20 : memref<!tpu.dma_semaphore, #tpu.memory_space<semaphore_mem>>) src(%dma_wait3A_592 : memref<26x64xf32, #tpu.memory_space<vmem>>) dst(%dma_wait3A_589 : memref<26x64xf32, #tpu.memory_space<hbm>>)
        %dma_wait3A_593 = arith.constant 0 : i32
        %dma_wait3A_594 = arith.constant 0 : i32
        %dma_wait3A_595 = tpu.memref_slice %arg14[%dma_wait3A_593, %dma_wait3A_594] : memref<104x64xf32, #tpu.memory_space<vmem>> -> memref<26x64xf32, #tpu.memory_space<vmem>>
        %dma_wait3A_596 = arith.constant 0 : i32
        %dma_wait3A_597 = arith.constant 0 : i32
        %dma_wait3A_598 = tpu.memref_slice %arg6[%mul3A_5, %dma_wait3A_596, %dma_wait3A_597] : memref<16384x26x64xf32, #tpu.memory_space<hbm>> -> memref<1x26x64xf32, #tpu.memory_space<hbm>>
        %dma_wait3A_599 = tpu.memref_squeeze %dma_wait3A_598 : memref<1x26x64xf32, #tpu.memory_space<hbm>> -> memref<26x64xf32, #tpu.memory_space<hbm>>
        %dma_wait3A_600 = arith.constant 0 : i32
        %dma_wait3A_601 = arith.constant 0 : i32
        %dma_wait3A_602 = tpu.memref_slice %arg6[%mul3A_5, %dma_wait3A_600, %dma_wait3A_601] : memref<16384x26x64xf32, #tpu.memory_space<hbm>> -> memref<1x26x64xf32, #tpu.memory_space<hbm>>
        %dma_wait3A_603 = tpu.memref_squeeze %dma_wait3A_602 : memref<1x26x64xf32, #tpu.memory_space<hbm>> -> memref<26x64xf32, #tpu.memory_space<hbm>>
        %dma_wait3A_604 = arith.constant 0 : i32
        %dma_wait3A_605 = arith.constant 0 : i32
        %dma_wait3A_606 = tpu.memref_slice %arg14[%dma_wait3A_604, %dma_wait3A_605] : memref<104x64xf32, #tpu.memory_space<vmem>> -> memref<26x64xf32, #tpu.memory_space<vmem>>
        tpu.wait_dma2 semaphore(%arg20 : memref<!tpu.dma_semaphore, #tpu.memory_space<semaphore_mem>>) src(%dma_wait3A_606 : memref<26x64xf32, #tpu.memory_space<vmem>>) dst(%dma_wait3A_603 : memref<26x64xf32, #tpu.memory_space<hbm>>)
        %dma_wait3A_607 = arith.constant 0 : i32
        %dma_wait3A_608 = arith.constant 0 : i32
        %dma_wait3A_609 = tpu.memref_slice %arg14[%dma_wait3A_607, %dma_wait3A_608] : memref<104x64xf32, #tpu.memory_space<vmem>> -> memref<26x64xf32, #tpu.memory_space<vmem>>
        %dma_wait3A_610 = arith.constant 0 : i32
        %dma_wait3A_611 = arith.constant 0 : i32
        %dma_wait3A_612 = tpu.memref_slice %arg6[%mul3A_5, %dma_wait3A_610, %dma_wait3A_611] : memref<16384x26x64xf32, #tpu.memory_space<hbm>> -> memref<1x26x64xf32, #tpu.memory_space<hbm>>
        %dma_wait3A_613 = tpu.memref_squeeze %dma_wait3A_612 : memref<1x26x64xf32, #tpu.memory_space<hbm>> -> memref<26x64xf32, #tpu.memory_space<hbm>>
        %dma_wait3A_614 = arith.constant 0 : i32
        %dma_wait3A_615 = arith.constant 0 : i32
        %dma_wait3A_616 = tpu.memref_slice %arg6[%mul3A_5, %dma_wait3A_614, %dma_wait3A_615] : memref<16384x26x64xf32, #tpu.memory_space<hbm>> -> memref<1x26x64xf32, #tpu.memory_space<hbm>>
        %dma_wait3A_617 = tpu.memref_squeeze %dma_wait3A_616 : memref<1x26x64xf32, #tpu.memory_space<hbm>> -> memref<26x64xf32, #tpu.memory_space<hbm>>
        %dma_wait3A_618 = arith.constant 0 : i32
        %dma_wait3A_619 = arith.constant 0 : i32
        %dma_wait3A_620 = tpu.memref_slice %arg14[%dma_wait3A_618, %dma_wait3A_619] : memref<104x64xf32, #tpu.memory_space<vmem>> -> memref<26x64xf32, #tpu.memory_space<vmem>>
        tpu.wait_dma2 semaphore(%arg20 : memref<!tpu.dma_semaphore, #tpu.memory_space<semaphore_mem>>) src(%dma_wait3A_620 : memref<26x64xf32, #tpu.memory_space<vmem>>) dst(%dma_wait3A_617 : memref<26x64xf32, #tpu.memory_space<hbm>>)
      } else {
      }
      %mul3A_154 = arith.constant 104 : i32
      %mul3A_155 = arith.muli %add3A_145, %mul3A_154 : i32
      %scan3A_156 = arith.constant 0 : i32
      %scan3A_157 = arith.constant 0 : i32
      %scan3A_158 = arith.constant 104 : i32
      %scan3A_159 = arith.addi %scan3A_157, %scan3A_158 : i32
      %scan3A_160 = arith.constant 2 : i32
      scf.for %scan3A_565 = %scan3A_157 to %scan3A_159 step %scan3A_160  : i32 {
        %broadcast_in_dim3A = vector.broadcast %mul3A_155 : i32 to vector<16xi32>
        %add3A_566 = vector.broadcast %scan3A_565 : i32 to vector<16xi32>
        %add3A_567 = arith.addi %broadcast_in_dim3A, %add3A_566 : vector<16xi32>
        %gather3A = tpu.vector_load_idx %arg8[%add3A_567] : memref<13312xi32, #tpu.memory_space<vmem>>[vector<16xi32>], vector<16xi32>,
        %gt3A_568 = arith.constant 0 : i32
        %gt3A_569 = vector.broadcast %gt3A_568 : i32 to vector<16xi32>
        %gt3A_570 = arith.cmpi sgt, %gather3A, %gt3A_569 : vector<16xi32>
        %get3A_571 = arith.index_cast %scan3A_565 : i32 to index
        %get3A_572 = arith.constant 0 : index
        %get3A_573 = tpu.vector_load %arg10[%get3A_571, %get3A_572] {strides = array<i32>} : memref<104x128xf32, #tpu.memory_space<vmem>>, vector<16xf32>,
        %get3A_574 = arith.index_cast %scan3A_565 : i32 to index
        %get3A_575 = arith.constant 64 : index
        %get3A_576 = tpu.vector_load %arg10[%get3A_574, %get3A_575] {strides = array<i32>} : memref<104x128xf32, #tpu.memory_space<vmem>>, vector<16xf32>,
        %select_n3A = arith.select %gt3A_570, %get3A_576, %get3A_573 : vector<16xi1>, vector<16xf32>
        %mul3A_577 = arith.mulf %select_n3A, %get3A_3 : vector<16xf32>
        %swap3A = arith.index_cast %scan3A_565 : i32 to index
        %swap3A_578 = arith.constant 0 : index
        %swap3A_579 = tpu.vector_load %arg14[%swap3A, %swap3A_578] {strides = array<i32>} : memref<104x64xf32, #tpu.memory_space<vmem>>, vector<16xf32>,
        tpu.vector_store %arg14[%swap3A, %swap3A_578], %mul3A_577 {strides = array<i32>} : memref<104x64xf32, #tpu.memory_space<vmem>>, vector<16xf32>,
        %get3A_580 = arith.index_cast %scan3A_565 : i32 to index
        %get3A_581 = arith.constant 16 : index
        %get3A_582 = tpu.vector_load %arg10[%get3A_580, %get3A_581] {strides = array<i32>} : memref<104x128xf32, #tpu.memory_space<vmem>>, vector<16xf32>,
        %get3A_583 = arith.index_cast %scan3A_565 : i32 to index
        %get3A_584 = arith.constant 80 : index
        %get3A_585 = tpu.vector_load %arg10[%get3A_583, %get3A_584] {strides = array<i32>} : memref<104x128xf32, #tpu.memory_space<vmem>>, vector<16xf32>,
        %select_n3A_586 = arith.select %gt3A_570, %get3A_585, %get3A_582 : vector<16xi1>, vector<16xf32>
        %mul3A_587 = arith.mulf %select_n3A_586, %get3A_3 : vector<16xf32>
        %swap3A_588 = arith.index_cast %scan3A_565 : i32 to index
        %swap3A_589 = arith.constant 16 : index
        %swap3A_590 = tpu.vector_load %arg14[%swap3A_588, %swap3A_589] {strides = array<i32>} : memref<104x64xf32, #tpu.memory_space<vmem>>, vector<16xf32>,
        tpu.vector_store %arg14[%swap3A_588, %swap3A_589], %mul3A_587 {strides = array<i32>} : memref<104x64xf32, #tpu.memory_space<vmem>>, vector<16xf32>,
        %get3A_591 = arith.index_cast %scan3A_565 : i32 to index
        %get3A_592 = arith.constant 32 : index
        %get3A_593 = tpu.vector_load %arg10[%get3A_591, %get3A_592] {strides = array<i32>} : memref<104x128xf32, #tpu.memory_space<vmem>>, vector<16xf32>,
        %get3A_594 = arith.index_cast %scan3A_565 : i32 to index
        %get3A_595 = arith.constant 96 : index
        %get3A_596 = tpu.vector_load %arg10[%get3A_594, %get3A_595] {strides = array<i32>} : memref<104x128xf32, #tpu.memory_space<vmem>>, vector<16xf32>,
        %select_n3A_597 = arith.select %gt3A_570, %get3A_596, %get3A_593 : vector<16xi1>, vector<16xf32>
        %mul3A_598 = arith.mulf %select_n3A_597, %get3A_3 : vector<16xf32>
        %swap3A_599 = arith.index_cast %scan3A_565 : i32 to index
        %swap3A_600 = arith.constant 32 : index
        %swap3A_601 = tpu.vector_load %arg14[%swap3A_599, %swap3A_600] {strides = array<i32>} : memref<104x64xf32, #tpu.memory_space<vmem>>, vector<16xf32>,
        tpu.vector_store %arg14[%swap3A_599, %swap3A_600], %mul3A_598 {strides = array<i32>} : memref<104x64xf32, #tpu.memory_space<vmem>>, vector<16xf32>,
        %get3A_602 = arith.index_cast %scan3A_565 : i32 to index
        %get3A_603 = arith.constant 48 : index
        %get3A_604 = tpu.vector_load %arg10[%get3A_602, %get3A_603] {strides = array<i32>} : memref<104x128xf32, #tpu.memory_space<vmem>>, vector<16xf32>,
        %get3A_605 = arith.index_cast %scan3A_565 : i32 to index
        %get3A_606 = arith.constant 112 : index
        %get3A_607 = tpu.vector_load %arg10[%get3A_605, %get3A_606] {strides = array<i32>} : memref<104x128xf32, #tpu.memory_space<vmem>>, vector<16xf32>,
        %select_n3A_608 = arith.select %gt3A_570, %get3A_607, %get3A_604 : vector<16xi1>, vector<16xf32>
        %mul3A_609 = arith.mulf %select_n3A_608, %get3A_3 : vector<16xf32>
        %swap3A_610 = arith.index_cast %scan3A_565 : i32 to index
        %swap3A_611 = arith.constant 48 : index
        %swap3A_612 = tpu.vector_load %arg14[%swap3A_610, %swap3A_611] {strides = array<i32>} : memref<104x64xf32, #tpu.memory_space<vmem>>, vector<16xf32>,
        tpu.vector_store %arg14[%swap3A_610, %swap3A_611], %mul3A_609 {strides = array<i32>} : memref<104x64xf32, #tpu.memory_space<vmem>>, vector<16xf32>,
        %scan3A_613 = arith.constant 1 : i32
        %scan3A_614 = arith.addi %scan3A_565, %scan3A_613 : i32
        %broadcast_in_dim3A_615 = vector.broadcast %mul3A_155 : i32 to vector<16xi32>
        %add3A_616 = vector.broadcast %scan3A_614 : i32 to vector<16xi32>
        %add3A_617 = arith.addi %broadcast_in_dim3A_615, %add3A_616 : vector<16xi32>
        %gather3A_618 = tpu.vector_load_idx %arg8[%add3A_617] : memref<13312xi32, #tpu.memory_space<vmem>>[vector<16xi32>], vector<16xi32>,
        %gt3A_619 = arith.constant 0 : i32
        %gt3A_620 = vector.broadcast %gt3A_619 : i32 to vector<16xi32>
        %gt3A_621 = arith.cmpi sgt, %gather3A_618, %gt3A_620 : vector<16xi32>
        %get3A_622 = arith.index_cast %scan3A_614 : i32 to index
        %get3A_623 = arith.constant 0 : index
        %get3A_624 = tpu.vector_load %arg10[%get3A_622, %get3A_623] {strides = array<i32>} : memref<104x128xf32, #tpu.memory_space<vmem>>, vector<16xf32>,
        %get3A_625 = arith.index_cast %scan3A_614 : i32 to index
        %get3A_626 = arith.constant 64 : index
        %get3A_627 = tpu.vector_load %arg10[%get3A_625, %get3A_626] {strides = array<i32>} : memref<104x128xf32, #tpu.memory_space<vmem>>, vector<16xf32>,
        %select_n3A_628 = arith.select %gt3A_621, %get3A_627, %get3A_624 : vector<16xi1>, vector<16xf32>
        %mul3A_629 = arith.mulf %select_n3A_628, %get3A_3 : vector<16xf32>
        %swap3A_630 = arith.index_cast %scan3A_614 : i32 to index
        %swap3A_631 = arith.constant 0 : index
        %swap3A_632 = tpu.vector_load %arg14[%swap3A_630, %swap3A_631] {strides = array<i32>} : memref<104x64xf32, #tpu.memory_space<vmem>>, vector<16xf32>,
        tpu.vector_store %arg14[%swap3A_630, %swap3A_631], %mul3A_629 {strides = array<i32>} : memref<104x64xf32, #tpu.memory_space<vmem>>, vector<16xf32>,
        %get3A_633 = arith.index_cast %scan3A_614 : i32 to index
        %get3A_634 = arith.constant 16 : index
        %get3A_635 = tpu.vector_load %arg10[%get3A_633, %get3A_634] {strides = array<i32>} : memref<104x128xf32, #tpu.memory_space<vmem>>, vector<16xf32>,
        %get3A_636 = arith.index_cast %scan3A_614 : i32 to index
        %get3A_637 = arith.constant 80 : index
        %get3A_638 = tpu.vector_load %arg10[%get3A_636, %get3A_637] {strides = array<i32>} : memref<104x128xf32, #tpu.memory_space<vmem>>, vector<16xf32>,
        %select_n3A_639 = arith.select %gt3A_621, %get3A_638, %get3A_635 : vector<16xi1>, vector<16xf32>
        %mul3A_640 = arith.mulf %select_n3A_639, %get3A_3 : vector<16xf32>
        %swap3A_641 = arith.index_cast %scan3A_614 : i32 to index
        %swap3A_642 = arith.constant 16 : index
        %swap3A_643 = tpu.vector_load %arg14[%swap3A_641, %swap3A_642] {strides = array<i32>} : memref<104x64xf32, #tpu.memory_space<vmem>>, vector<16xf32>,
        tpu.vector_store %arg14[%swap3A_641, %swap3A_642], %mul3A_640 {strides = array<i32>} : memref<104x64xf32, #tpu.memory_space<vmem>>, vector<16xf32>,
        %get3A_644 = arith.index_cast %scan3A_614 : i32 to index
        %get3A_645 = arith.constant 32 : index
        %get3A_646 = tpu.vector_load %arg10[%get3A_644, %get3A_645] {strides = array<i32>} : memref<104x128xf32, #tpu.memory_space<vmem>>, vector<16xf32>,
        %get3A_647 = arith.index_cast %scan3A_614 : i32 to index
        %get3A_648 = arith.constant 96 : index
        %get3A_649 = tpu.vector_load %arg10[%get3A_647, %get3A_648] {strides = array<i32>} : memref<104x128xf32, #tpu.memory_space<vmem>>, vector<16xf32>,
        %select_n3A_650 = arith.select %gt3A_621, %get3A_649, %get3A_646 : vector<16xi1>, vector<16xf32>
        %mul3A_651 = arith.mulf %select_n3A_650, %get3A_3 : vector<16xf32>
        %swap3A_652 = arith.index_cast %scan3A_614 : i32 to index
        %swap3A_653 = arith.constant 32 : index
        %swap3A_654 = tpu.vector_load %arg14[%swap3A_652, %swap3A_653] {strides = array<i32>} : memref<104x64xf32, #tpu.memory_space<vmem>>, vector<16xf32>,
        tpu.vector_store %arg14[%swap3A_652, %swap3A_653], %mul3A_651 {strides = array<i32>} : memref<104x64xf32, #tpu.memory_space<vmem>>, vector<16xf32>,
        %get3A_655 = arith.index_cast %scan3A_614 : i32 to index
        %get3A_656 = arith.constant 48 : index
        %get3A_657 = tpu.vector_load %arg10[%get3A_655, %get3A_656] {strides = array<i32>} : memref<104x128xf32, #tpu.memory_space<vmem>>, vector<16xf32>,
        %get3A_658 = arith.index_cast %scan3A_614 : i32 to index
        %get3A_659 = arith.constant 112 : index
        %get3A_660 = tpu.vector_load %arg10[%get3A_658, %get3A_659] {strides = array<i32>} : memref<104x128xf32, #tpu.memory_space<vmem>>, vector<16xf32>,
        %select_n3A_661 = arith.select %gt3A_621, %get3A_660, %get3A_657 : vector<16xi1>, vector<16xf32>
        %mul3A_662 = arith.mulf %select_n3A_661, %get3A_3 : vector<16xf32>
        %swap3A_663 = arith.index_cast %scan3A_614 : i32 to index
        %swap3A_664 = arith.constant 48 : index
        %swap3A_665 = tpu.vector_load %arg14[%swap3A_663, %swap3A_664] {strides = array<i32>} : memref<104x64xf32, #tpu.memory_space<vmem>>, vector<16xf32>,
        tpu.vector_store %arg14[%swap3A_663, %swap3A_664], %mul3A_662 {strides = array<i32>} : memref<104x64xf32, #tpu.memory_space<vmem>>, vector<16xf32>,
      }
      %scan3A_161 = arith.constant 104 : i32
      %mul3A_162 = arith.constant 4 : i32
      %mul3A_163 = arith.muli %add3A_145, %mul3A_162 : i32
      %add3A_164 = arith.addi %mul3A_5, %mul3A_163 : i32
      %add3A_165 = arith.constant 0 : i32
      %add3A_166 = arith.addi %add3A_164, %add3A_165 : i32
      %dma_start3A_167 = arith.constant 0 : i32
      %dma_start3A_168 = arith.constant 0 : i32
      %dma_start3A_169 = tpu.memref_slice %arg14[%dma_start3A_167, %dma_start3A_168] : memref<104x64xf32, #tpu.memory_space<vmem>> -> memref<26x64xf32, #tpu.memory_space<vmem>>
      %dma_start3A_170 = arith.constant 0 : i32
      %dma_start3A_171 = arith.constant 0 : i32
      %dma_start3A_172 = tpu.memref_slice %arg6[%add3A_166, %dma_start3A_170, %dma_start3A_171] : memref<16384x26x64xf32, #tpu.memory_space<hbm>> -> memref<1x26x64xf32, #tpu.memory_space<hbm>>
      %dma_start3A_173 = tpu.memref_squeeze %dma_start3A_172 : memref<1x26x64xf32, #tpu.memory_space<hbm>> -> memref<26x64xf32, #tpu.memory_space<hbm>>
      %dma_start3A_174 = arith.constant 0 : i32
      %dma_start3A_175 = arith.constant 0 : i32
      %dma_start3A_176 = tpu.memref_slice %arg6[%add3A_166, %dma_start3A_174, %dma_start3A_175] : memref<16384x26x64xf32, #tpu.memory_space<hbm>> -> memref<1x26x64xf32, #tpu.memory_space<hbm>>
      %dma_start3A_177 = tpu.memref_squeeze %dma_start3A_176 : memref<1x26x64xf32, #tpu.memory_space<hbm>> -> memref<26x64xf32, #tpu.memory_space<hbm>>
      %dma_start3A_178 = arith.constant 0 : i32
      %dma_start3A_179 = arith.constant 0 : i32
      %dma_start3A_180 = tpu.memref_slice %arg14[%dma_start3A_178, %dma_start3A_179] : memref<104x64xf32, #tpu.memory_space<vmem>> -> memref<26x64xf32, #tpu.memory_space<vmem>>
      tpu.enqueue_dma source(%dma_start3A_180 : memref<26x64xf32, #tpu.memory_space<vmem>>) target(%dma_start3A_177 : memref<26x64xf32, #tpu.memory_space<hbm>>) target_semaphore(%arg20 : memref<!tpu.dma_semaphore, #tpu.memory_space<semaphore_mem>>)
      %mul3A_181 = arith.constant 4 : i32
      %mul3A_182 = arith.muli %add3A_145, %mul3A_181 : i32
      %add3A_183 = arith.addi %mul3A_5, %mul3A_182 : i32
      %add3A_184 = arith.constant 1 : i32
      %add3A_185 = arith.addi %add3A_183, %add3A_184 : i32
      %dma_start3A_186 = arith.constant 26 : i32
      %dma_start3A_187 = arith.constant 0 : i32
      %dma_start3A_188 = tpu.memref_slice %arg14[%dma_start3A_186, %dma_start3A_187] : memref<104x64xf32, #tpu.memory_space<vmem>> -> memref<26x64xf32, #tpu.memory_space<vmem>>
      %dma_start3A_189 = arith.constant 0 : i32
      %dma_start3A_190 = arith.constant 0 : i32
      %dma_start3A_191 = tpu.memref_slice %arg6[%add3A_185, %dma_start3A_189, %dma_start3A_190] : memref<16384x26x64xf32, #tpu.memory_space<hbm>> -> memref<1x26x64xf32, #tpu.memory_space<hbm>>
      %dma_start3A_192 = tpu.memref_squeeze %dma_start3A_191 : memref<1x26x64xf32, #tpu.memory_space<hbm>> -> memref<26x64xf32, #tpu.memory_space<hbm>>
      %dma_start3A_193 = arith.constant 0 : i32
      %dma_start3A_194 = arith.constant 0 : i32
      %dma_start3A_195 = tpu.memref_slice %arg6[%add3A_185, %dma_start3A_193, %dma_start3A_194] : memref<16384x26x64xf32, #tpu.memory_space<hbm>> -> memref<1x26x64xf32, #tpu.memory_space<hbm>>
      %dma_start3A_196 = tpu.memref_squeeze %dma_start3A_195 : memref<1x26x64xf32, #tpu.memory_space<hbm>> -> memref<26x64xf32, #tpu.memory_space<hbm>>
      %dma_start3A_197 = arith.constant 26 : i32
      %dma_start3A_198 = arith.constant 0 : i32
      %dma_start3A_199 = tpu.memref_slice %arg14[%dma_start3A_197, %dma_start3A_198] : memref<104x64xf32, #tpu.memory_space<vmem>> -> memref<26x64xf32, #tpu.memory_space<vmem>>
      tpu.enqueue_dma source(%dma_start3A_199 : memref<26x64xf32, #tpu.memory_space<vmem>>) target(%dma_start3A_196 : memref<26x64xf32, #tpu.memory_space<hbm>>) target_semaphore(%arg20 : memref<!tpu.dma_semaphore, #tpu.memory_space<semaphore_mem>>)
      %mul3A_200 = arith.constant 4 : i32
      %mul3A_201 = arith.muli %add3A_145, %mul3A_200 : i32
      %add3A_202 = arith.addi %mul3A_5, %mul3A_201 : i32
      %add3A_203 = arith.constant 2 : i32
      %add3A_204 = arith.addi %add3A_202, %add3A_203 : i32
      %dma_start3A_205 = arith.constant 52 : i32
      %dma_start3A_206 = arith.constant 0 : i32
      %dma_start3A_207 = tpu.memref_slice %arg14[%dma_start3A_205, %dma_start3A_206] : memref<104x64xf32, #tpu.memory_space<vmem>> -> memref<26x64xf32, #tpu.memory_space<vmem>>
      %dma_start3A_208 = arith.constant 0 : i32
      %dma_start3A_209 = arith.constant 0 : i32
      %dma_start3A_210 = tpu.memref_slice %arg6[%add3A_204, %dma_start3A_208, %dma_start3A_209] : memref<16384x26x64xf32, #tpu.memory_space<hbm>> -> memref<1x26x64xf32, #tpu.memory_space<hbm>>
      %dma_start3A_211 = tpu.memref_squeeze %dma_start3A_210 : memref<1x26x64xf32, #tpu.memory_space<hbm>> -> memref<26x64xf32, #tpu.memory_space<hbm>>
      %dma_start3A_212 = arith.constant 0 : i32
      %dma_start3A_213 = arith.constant 0 : i32
      %dma_start3A_214 = tpu.memref_slice %arg6[%add3A_204, %dma_start3A_212, %dma_start3A_213] : memref<16384x26x64xf32, #tpu.memory_space<hbm>> -> memref<1x26x64xf32, #tpu.memory_space<hbm>>
      %dma_start3A_215 = tpu.memref_squeeze %dma_start3A_214 : memref<1x26x64xf32, #tpu.memory_space<hbm>> -> memref<26x64xf32, #tpu.memory_space<hbm>>
      %dma_start3A_216 = arith.constant 52 : i32
      %dma_start3A_217 = arith.constant 0 : i32
      %dma_start3A_218 = tpu.memref_slice %arg14[%dma_start3A_216, %dma_start3A_217] : memref<104x64xf32, #tpu.memory_space<vmem>> -> memref<26x64xf32, #tpu.memory_space<vmem>>
      tpu.enqueue_dma source(%dma_start3A_218 : memref<26x64xf32, #tpu.memory_space<vmem>>) target(%dma_start3A_215 : memref<26x64xf32, #tpu.memory_space<hbm>>) target_semaphore(%arg20 : memref<!tpu.dma_semaphore, #tpu.memory_space<semaphore_mem>>)
      %mul3A_219 = arith.constant 4 : i32
      %mul3A_220 = arith.muli %add3A_145, %mul3A_219 : i32
      %add3A_221 = arith.addi %mul3A_5, %mul3A_220 : i32
      %add3A_222 = arith.constant 3 : i32
      %add3A_223 = arith.addi %add3A_221, %add3A_222 : i32
      %dma_start3A_224 = arith.constant 78 : i32
      %dma_start3A_225 = arith.constant 0 : i32
      %dma_start3A_226 = tpu.memref_slice %arg14[%dma_start3A_224, %dma_start3A_225] : memref<104x64xf32, #tpu.memory_space<vmem>> -> memref<26x64xf32, #tpu.memory_space<vmem>>
      %dma_start3A_227 = arith.constant 0 : i32
      %dma_start3A_228 = arith.constant 0 : i32
      %dma_start3A_229 = tpu.memref_slice %arg6[%add3A_223, %dma_start3A_227, %dma_start3A_228] : memref<16384x26x64xf32, #tpu.memory_space<hbm>> -> memref<1x26x64xf32, #tpu.memory_space<hbm>>
      %dma_start3A_230 = tpu.memref_squeeze %dma_start3A_229 : memref<1x26x64xf32, #tpu.memory_space<hbm>> -> memref<26x64xf32, #tpu.memory_space<hbm>>
      %dma_start3A_231 = arith.constant 0 : i32
      %dma_start3A_232 = arith.constant 0 : i32
      %dma_start3A_233 = tpu.memref_slice %arg6[%add3A_223, %dma_start3A_231, %dma_start3A_232] : memref<16384x26x64xf32, #tpu.memory_space<hbm>> -> memref<1x26x64xf32, #tpu.memory_space<hbm>>
      %dma_start3A_234 = tpu.memref_squeeze %dma_start3A_233 : memref<1x26x64xf32, #tpu.memory_space<hbm>> -> memref<26x64xf32, #tpu.memory_space<hbm>>
      %dma_start3A_235 = arith.constant 78 : i32
      %dma_start3A_236 = arith.constant 0 : i32
      %dma_start3A_237 = tpu.memref_slice %arg14[%dma_start3A_235, %dma_start3A_236] : memref<104x64xf32, #tpu.memory_space<vmem>> -> memref<26x64xf32, #tpu.memory_space<vmem>>
      tpu.enqueue_dma source(%dma_start3A_237 : memref<26x64xf32, #tpu.memory_space<vmem>>) target(%dma_start3A_234 : memref<26x64xf32, #tpu.memory_space<hbm>>) target_semaphore(%arg20 : memref<!tpu.dma_semaphore, #tpu.memory_space<semaphore_mem>>)
      %add3A_238 = arith.constant 4 : i32
      %add3A_239 = arith.addi %add3A_145, %add3A_238 : i32
      %lt3A = arith.constant 128 : i32
      %lt3A_240 = arith.cmpi slt, %add3A_239, %lt3A : i32
      %convert_element_type3A_241 = arith.extui %lt3A_240 : i1 to i32
      %cond3A_242 = arith.constant 0 : i32
      %cond3A_243 = arith.cmpi ne, %convert_element_type3A_241, %cond3A_242 : i32
      scf.if %cond3A_243 {
        %add3A_565 = arith.constant 4 : i32
        %add3A_566 = arith.addi %add3A_145, %add3A_565 : i32
        %mul3A_567 = arith.constant 104 : i32
        %mul3A_568 = arith.muli %add3A_566, %mul3A_567 : i32
        %dma_start3A_569 = tpu.memref_slice %arg7[%mul3A_568] : memref<13312xi32, #tpu.memory_space<vmem>> -> memref<104xi32, #tpu.memory_space<vmem>>
        %dma_start3A_570 = arith.constant 0 : i32
        %dma_start3A_571 = arith.constant 0 : i32
        %dma_start3A_572 = tpu.memref_slice %arg2[%dma_start3A_570, %dma_start3A_571] : memref<500000x128xf32, #tpu.memory_space<hbm>> -> memref<500000x128xf32, #tpu.memory_space<hbm>>
        tpu.enqueue_indirect_dma source(%dma_start3A_572 : memref<500000x128xf32, #tpu.memory_space<hbm>>) target(%arg10 : memref<104x128xf32, #tpu.memory_space<vmem>>) offsets(%dma_start3A_569 : memref<104xi32, #tpu.memory_space<vmem>>) semaphore(%arg16 : memref<!tpu.dma_semaphore, #tpu.memory_space<semaphore_mem>>)
      } else {
      }
      %mul3A_244 = arith.constant 4 : i32
      %mul3A_245 = arith.muli %scan3A_141, %mul3A_244 : i32
      %add3A_246 = arith.constant 1 : i32
      %add3A_247 = arith.addi %mul3A_245, %add3A_246 : i32
      %dma_wait3A_248 = arith.constant 0 : i32
      %dma_wait3A_249 = tpu.memref_slice %arg7[%dma_wait3A_248] : memref<13312xi32, #tpu.memory_space<vmem>> -> memref<104xi32, #tpu.memory_space<vmem>>
      %dma_wait3A_250 = arith.constant 0 : i32
      %dma_wait3A_251 = arith.constant 0 : i32
      %dma_wait3A_252 = tpu.memref_slice %arg2[%dma_wait3A_250, %dma_wait3A_251] : memref<500000x128xf32, #tpu.memory_space<hbm>> -> memref<500000x128xf32, #tpu.memory_space<hbm>>
      tpu.wait_indirect_dma semaphore(%arg17 : memref<!tpu.dma_semaphore, #tpu.memory_space<semaphore_mem>>) src(%dma_wait3A_252 : memref<500000x128xf32, #tpu.memory_space<hbm>>) dst(%arg11 : memref<104x128xf32, #tpu.memory_space<vmem>>)
      %gt3A_253 = arith.constant 0 : i32
      %gt3A_254 = arith.cmpi sgt, %scan3A_141, %gt3A_253 : i32
      %or3A_255 = arith.constant false
      %or3A_256 = arith.ori %gt3A_254, %or3A_255 : i1
      %convert_element_type3A_257 = arith.extui %or3A_256 : i1 to i32
      %cond3A_258 = arith.constant 0 : i32
      %cond3A_259 = arith.cmpi ne, %convert_element_type3A_257, %cond3A_258 : i32
      scf.if %cond3A_259 {
        %dma_wait3A_565 = arith.constant 0 : i32
        %dma_wait3A_566 = arith.constant 0 : i32
        %dma_wait3A_567 = tpu.memref_slice %arg15[%dma_wait3A_565, %dma_wait3A_566] : memref<104x64xf32, #tpu.memory_space<vmem>> -> memref<26x64xf32, #tpu.memory_space<vmem>>
        %dma_wait3A_568 = arith.constant 0 : i32
        %dma_wait3A_569 = arith.constant 0 : i32
        %dma_wait3A_570 = tpu.memref_slice %arg6[%mul3A_5, %dma_wait3A_568, %dma_wait3A_569] : memref<16384x26x64xf32, #tpu.memory_space<hbm>> -> memref<1x26x64xf32, #tpu.memory_space<hbm>>
        %dma_wait3A_571 = tpu.memref_squeeze %dma_wait3A_570 : memref<1x26x64xf32, #tpu.memory_space<hbm>> -> memref<26x64xf32, #tpu.memory_space<hbm>>
        %dma_wait3A_572 = arith.constant 0 : i32
        %dma_wait3A_573 = arith.constant 0 : i32
        %dma_wait3A_574 = tpu.memref_slice %arg6[%mul3A_5, %dma_wait3A_572, %dma_wait3A_573] : memref<16384x26x64xf32, #tpu.memory_space<hbm>> -> memref<1x26x64xf32, #tpu.memory_space<hbm>>
        %dma_wait3A_575 = tpu.memref_squeeze %dma_wait3A_574 : memref<1x26x64xf32, #tpu.memory_space<hbm>> -> memref<26x64xf32, #tpu.memory_space<hbm>>
        %dma_wait3A_576 = arith.constant 0 : i32
        %dma_wait3A_577 = arith.constant 0 : i32
        %dma_wait3A_578 = tpu.memref_slice %arg15[%dma_wait3A_576, %dma_wait3A_577] : memref<104x64xf32, #tpu.memory_space<vmem>> -> memref<26x64xf32, #tpu.memory_space<vmem>>
        tpu.wait_dma2 semaphore(%arg21 : memref<!tpu.dma_semaphore, #tpu.memory_space<semaphore_mem>>) src(%dma_wait3A_578 : memref<26x64xf32, #tpu.memory_space<vmem>>) dst(%dma_wait3A_575 : memref<26x64xf32, #tpu.memory_space<hbm>>)
        %dma_wait3A_579 = arith.constant 0 : i32
        %dma_wait3A_580 = arith.constant 0 : i32
        %dma_wait3A_581 = tpu.memref_slice %arg15[%dma_wait3A_579, %dma_wait3A_580] : memref<104x64xf32, #tpu.memory_space<vmem>> -> memref<26x64xf32, #tpu.memory_space<vmem>>
        %dma_wait3A_582 = arith.constant 0 : i32
        %dma_wait3A_583 = arith.constant 0 : i32
        %dma_wait3A_584 = tpu.memref_slice %arg6[%mul3A_5, %dma_wait3A_582, %dma_wait3A_583] : memref<16384x26x64xf32, #tpu.memory_space<hbm>> -> memref<1x26x64xf32, #tpu.memory_space<hbm>>
        %dma_wait3A_585 = tpu.memref_squeeze %dma_wait3A_584 : memref<1x26x64xf32, #tpu.memory_space<hbm>> -> memref<26x64xf32, #tpu.memory_space<hbm>>
        %dma_wait3A_586 = arith.constant 0 : i32
        %dma_wait3A_587 = arith.constant 0 : i32
        %dma_wait3A_588 = tpu.memref_slice %arg6[%mul3A_5, %dma_wait3A_586, %dma_wait3A_587] : memref<16384x26x64xf32, #tpu.memory_space<hbm>> -> memref<1x26x64xf32, #tpu.memory_space<hbm>>
        %dma_wait3A_589 = tpu.memref_squeeze %dma_wait3A_588 : memref<1x26x64xf32, #tpu.memory_space<hbm>> -> memref<26x64xf32, #tpu.memory_space<hbm>>
        %dma_wait3A_590 = arith.constant 0 : i32
        %dma_wait3A_591 = arith.constant 0 : i32
        %dma_wait3A_592 = tpu.memref_slice %arg15[%dma_wait3A_590, %dma_wait3A_591] : memref<104x64xf32, #tpu.memory_space<vmem>> -> memref<26x64xf32, #tpu.memory_space<vmem>>
        tpu.wait_dma2 semaphore(%arg21 : memref<!tpu.dma_semaphore, #tpu.memory_space<semaphore_mem>>) src(%dma_wait3A_592 : memref<26x64xf32, #tpu.memory_space<vmem>>) dst(%dma_wait3A_589 : memref<26x64xf32, #tpu.memory_space<hbm>>)
        %dma_wait3A_593 = arith.constant 0 : i32
        %dma_wait3A_594 = arith.constant 0 : i32
        %dma_wait3A_595 = tpu.memref_slice %arg15[%dma_wait3A_593, %dma_wait3A_594] : memref<104x64xf32, #tpu.memory_space<vmem>> -> memref<26x64xf32, #tpu.memory_space<vmem>>
        %dma_wait3A_596 = arith.constant 0 : i32
        %dma_wait3A_597 = arith.constant 0 : i32
        %dma_wait3A_598 = tpu.memref_slice %arg6[%mul3A_5, %dma_wait3A_596, %dma_wait3A_597] : memref<16384x26x64xf32, #tpu.memory_space<hbm>> -> memref<1x26x64xf32, #tpu.memory_space<hbm>>
        %dma_wait3A_599 = tpu.memref_squeeze %dma_wait3A_598 : memref<1x26x64xf32, #tpu.memory_space<hbm>> -> memref<26x64xf32, #tpu.memory_space<hbm>>
        %dma_wait3A_600 = arith.constant 0 : i32
        %dma_wait3A_601 = arith.constant 0 : i32
        %dma_wait3A_602 = tpu.memref_slice %arg6[%mul3A_5, %dma_wait3A_600, %dma_wait3A_601] : memref<16384x26x64xf32, #tpu.memory_space<hbm>> -> memref<1x26x64xf32, #tpu.memory_space<hbm>>
        %dma_wait3A_603 = tpu.memref_squeeze %dma_wait3A_602 : memref<1x26x64xf32, #tpu.memory_space<hbm>> -> memref<26x64xf32, #tpu.memory_space<hbm>>
        %dma_wait3A_604 = arith.constant 0 : i32
        %dma_wait3A_605 = arith.constant 0 : i32
        %dma_wait3A_606 = tpu.memref_slice %arg15[%dma_wait3A_604, %dma_wait3A_605] : memref<104x64xf32, #tpu.memory_space<vmem>> -> memref<26x64xf32, #tpu.memory_space<vmem>>
        tpu.wait_dma2 semaphore(%arg21 : memref<!tpu.dma_semaphore, #tpu.memory_space<semaphore_mem>>) src(%dma_wait3A_606 : memref<26x64xf32, #tpu.memory_space<vmem>>) dst(%dma_wait3A_603 : memref<26x64xf32, #tpu.memory_space<hbm>>)
        %dma_wait3A_607 = arith.constant 0 : i32
        %dma_wait3A_608 = arith.constant 0 : i32
        %dma_wait3A_609 = tpu.memref_slice %arg15[%dma_wait3A_607, %dma_wait3A_608] : memref<104x64xf32, #tpu.memory_space<vmem>> -> memref<26x64xf32, #tpu.memory_space<vmem>>
        %dma_wait3A_610 = arith.constant 0 : i32
        %dma_wait3A_611 = arith.constant 0 : i32
        %dma_wait3A_612 = tpu.memref_slice %arg6[%mul3A_5, %dma_wait3A_610, %dma_wait3A_611] : memref<16384x26x64xf32, #tpu.memory_space<hbm>> -> memref<1x26x64xf32, #tpu.memory_space<hbm>>
        %dma_wait3A_613 = tpu.memref_squeeze %dma_wait3A_612 : memref<1x26x64xf32, #tpu.memory_space<hbm>> -> memref<26x64xf32, #tpu.memory_space<hbm>>
        %dma_wait3A_614 = arith.constant 0 : i32
        %dma_wait3A_615 = arith.constant 0 : i32
        %dma_wait3A_616 = tpu.memref_slice %arg6[%mul3A_5, %dma_wait3A_614, %dma_wait3A_615] : memref<16384x26x64xf32, #tpu.memory_space<hbm>> -> memref<1x26x64xf32, #tpu.memory_space<hbm>>
        %dma_wait3A_617 = tpu.memref_squeeze %dma_wait3A_616 : memref<1x26x64xf32, #tpu.memory_space<hbm>> -> memref<26x64xf32, #tpu.memory_space<hbm>>
        %dma_wait3A_618 = arith.constant 0 : i32
        %dma_wait3A_619 = arith.constant 0 : i32
        %dma_wait3A_620 = tpu.memref_slice %arg15[%dma_wait3A_618, %dma_wait3A_619] : memref<104x64xf32, #tpu.memory_space<vmem>> -> memref<26x64xf32, #tpu.memory_space<vmem>>
        tpu.wait_dma2 semaphore(%arg21 : memref<!tpu.dma_semaphore, #tpu.memory_space<semaphore_mem>>) src(%dma_wait3A_620 : memref<26x64xf32, #tpu.memory_space<vmem>>) dst(%dma_wait3A_617 : memref<26x64xf32, #tpu.memory_space<hbm>>)
      } else {
      }
      %mul3A_260 = arith.constant 104 : i32
      %mul3A_261 = arith.muli %add3A_247, %mul3A_260 : i32
      %scan3A_262 = arith.constant 0 : i32
      %scan3A_263 = arith.constant 0 : i32
      %scan3A_264 = arith.constant 104 : i32
      %scan3A_265 = arith.addi %scan3A_263, %scan3A_264 : i32
      %scan3A_266 = arith.constant 2 : i32
      scf.for %scan3A_565 = %scan3A_263 to %scan3A_265 step %scan3A_266  : i32 {
        %broadcast_in_dim3A = vector.broadcast %mul3A_261 : i32 to vector<16xi32>
        %add3A_566 = vector.broadcast %scan3A_565 : i32 to vector<16xi32>
        %add3A_567 = arith.addi %broadcast_in_dim3A, %add3A_566 : vector<16xi32>
        %gather3A = tpu.vector_load_idx %arg8[%add3A_567] : memref<13312xi32, #tpu.memory_space<vmem>>[vector<16xi32>], vector<16xi32>,
        %gt3A_568 = arith.constant 0 : i32
        %gt3A_569 = vector.broadcast %gt3A_568 : i32 to vector<16xi32>
        %gt3A_570 = arith.cmpi sgt, %gather3A, %gt3A_569 : vector<16xi32>
        %get3A_571 = arith.index_cast %scan3A_565 : i32 to index
        %get3A_572 = arith.constant 0 : index
        %get3A_573 = tpu.vector_load %arg11[%get3A_571, %get3A_572] {strides = array<i32>} : memref<104x128xf32, #tpu.memory_space<vmem>>, vector<16xf32>,
        %get3A_574 = arith.index_cast %scan3A_565 : i32 to index
        %get3A_575 = arith.constant 64 : index
        %get3A_576 = tpu.vector_load %arg11[%get3A_574, %get3A_575] {strides = array<i32>} : memref<104x128xf32, #tpu.memory_space<vmem>>, vector<16xf32>,
        %select_n3A = arith.select %gt3A_570, %get3A_576, %get3A_573 : vector<16xi1>, vector<16xf32>
        %mul3A_577 = arith.mulf %select_n3A, %get3A_3 : vector<16xf32>
        %swap3A = arith.index_cast %scan3A_565 : i32 to index
        %swap3A_578 = arith.constant 0 : index
        %swap3A_579 = tpu.vector_load %arg15[%swap3A, %swap3A_578] {strides = array<i32>} : memref<104x64xf32, #tpu.memory_space<vmem>>, vector<16xf32>,
        tpu.vector_store %arg15[%swap3A, %swap3A_578], %mul3A_577 {strides = array<i32>} : memref<104x64xf32, #tpu.memory_space<vmem>>, vector<16xf32>,
        %get3A_580 = arith.index_cast %scan3A_565 : i32 to index
        %get3A_581 = arith.constant 16 : index
        %get3A_582 = tpu.vector_load %arg11[%get3A_580, %get3A_581] {strides = array<i32>} : memref<104x128xf32, #tpu.memory_space<vmem>>, vector<16xf32>,
        %get3A_583 = arith.index_cast %scan3A_565 : i32 to index
        %get3A_584 = arith.constant 80 : index
        %get3A_585 = tpu.vector_load %arg11[%get3A_583, %get3A_584] {strides = array<i32>} : memref<104x128xf32, #tpu.memory_space<vmem>>, vector<16xf32>,
        %select_n3A_586 = arith.select %gt3A_570, %get3A_585, %get3A_582 : vector<16xi1>, vector<16xf32>
        %mul3A_587 = arith.mulf %select_n3A_586, %get3A_3 : vector<16xf32>
        %swap3A_588 = arith.index_cast %scan3A_565 : i32 to index
        %swap3A_589 = arith.constant 16 : index
        %swap3A_590 = tpu.vector_load %arg15[%swap3A_588, %swap3A_589] {strides = array<i32>} : memref<104x64xf32, #tpu.memory_space<vmem>>, vector<16xf32>,
        tpu.vector_store %arg15[%swap3A_588, %swap3A_589], %mul3A_587 {strides = array<i32>} : memref<104x64xf32, #tpu.memory_space<vmem>>, vector<16xf32>,
        %get3A_591 = arith.index_cast %scan3A_565 : i32 to index
        %get3A_592 = arith.constant 32 : index
        %get3A_593 = tpu.vector_load %arg11[%get3A_591, %get3A_592] {strides = array<i32>} : memref<104x128xf32, #tpu.memory_space<vmem>>, vector<16xf32>,
        %get3A_594 = arith.index_cast %scan3A_565 : i32 to index
        %get3A_595 = arith.constant 96 : index
        %get3A_596 = tpu.vector_load %arg11[%get3A_594, %get3A_595] {strides = array<i32>} : memref<104x128xf32, #tpu.memory_space<vmem>>, vector<16xf32>,
        %select_n3A_597 = arith.select %gt3A_570, %get3A_596, %get3A_593 : vector<16xi1>, vector<16xf32>
        %mul3A_598 = arith.mulf %select_n3A_597, %get3A_3 : vector<16xf32>
        %swap3A_599 = arith.index_cast %scan3A_565 : i32 to index
        %swap3A_600 = arith.constant 32 : index
        %swap3A_601 = tpu.vector_load %arg15[%swap3A_599, %swap3A_600] {strides = array<i32>} : memref<104x64xf32, #tpu.memory_space<vmem>>, vector<16xf32>,
        tpu.vector_store %arg15[%swap3A_599, %swap3A_600], %mul3A_598 {strides = array<i32>} : memref<104x64xf32, #tpu.memory_space<vmem>>, vector<16xf32>,
        %get3A_602 = arith.index_cast %scan3A_565 : i32 to index
        %get3A_603 = arith.constant 48 : index
        %get3A_604 = tpu.vector_load %arg11[%get3A_602, %get3A_603] {strides = array<i32>} : memref<104x128xf32, #tpu.memory_space<vmem>>, vector<16xf32>,
        %get3A_605 = arith.index_cast %scan3A_565 : i32 to index
        %get3A_606 = arith.constant 112 : index
        %get3A_607 = tpu.vector_load %arg11[%get3A_605, %get3A_606] {strides = array<i32>} : memref<104x128xf32, #tpu.memory_space<vmem>>, vector<16xf32>,
        %select_n3A_608 = arith.select %gt3A_570, %get3A_607, %get3A_604 : vector<16xi1>, vector<16xf32>
        %mul3A_609 = arith.mulf %select_n3A_608, %get3A_3 : vector<16xf32>
        %swap3A_610 = arith.index_cast %scan3A_565 : i32 to index
        %swap3A_611 = arith.constant 48 : index
        %swap3A_612 = tpu.vector_load %arg15[%swap3A_610, %swap3A_611] {strides = array<i32>} : memref<104x64xf32, #tpu.memory_space<vmem>>, vector<16xf32>,
        tpu.vector_store %arg15[%swap3A_610, %swap3A_611], %mul3A_609 {strides = array<i32>} : memref<104x64xf32, #tpu.memory_space<vmem>>, vector<16xf32>,
        %scan3A_613 = arith.constant 1 : i32
        %scan3A_614 = arith.addi %scan3A_565, %scan3A_613 : i32
        %broadcast_in_dim3A_615 = vector.broadcast %mul3A_261 : i32 to vector<16xi32>
        %add3A_616 = vector.broadcast %scan3A_614 : i32 to vector<16xi32>
        %add3A_617 = arith.addi %broadcast_in_dim3A_615, %add3A_616 : vector<16xi32>
        %gather3A_618 = tpu.vector_load_idx %arg8[%add3A_617] : memref<13312xi32, #tpu.memory_space<vmem>>[vector<16xi32>], vector<16xi32>,
        %gt3A_619 = arith.constant 0 : i32
        %gt3A_620 = vector.broadcast %gt3A_619 : i32 to vector<16xi32>
        %gt3A_621 = arith.cmpi sgt, %gather3A_618, %gt3A_620 : vector<16xi32>
        %get3A_622 = arith.index_cast %scan3A_614 : i32 to index
        %get3A_623 = arith.constant 0 : index
        %get3A_624 = tpu.vector_load %arg11[%get3A_622, %get3A_623] {strides = array<i32>} : memref<104x128xf32, #tpu.memory_space<vmem>>, vector<16xf32>,
        %get3A_625 = arith.index_cast %scan3A_614 : i32 to index
        %get3A_626 = arith.constant 64 : index
        %get3A_627 = tpu.vector_load %arg11[%get3A_625, %get3A_626] {strides = array<i32>} : memref<104x128xf32, #tpu.memory_space<vmem>>, vector<16xf32>,
        %select_n3A_628 = arith.select %gt3A_621, %get3A_627, %get3A_624 : vector<16xi1>, vector<16xf32>
        %mul3A_629 = arith.mulf %select_n3A_628, %get3A_3 : vector<16xf32>
        %swap3A_630 = arith.index_cast %scan3A_614 : i32 to index
        %swap3A_631 = arith.constant 0 : index
        %swap3A_632 = tpu.vector_load %arg15[%swap3A_630, %swap3A_631] {strides = array<i32>} : memref<104x64xf32, #tpu.memory_space<vmem>>, vector<16xf32>,
        tpu.vector_store %arg15[%swap3A_630, %swap3A_631], %mul3A_629 {strides = array<i32>} : memref<104x64xf32, #tpu.memory_space<vmem>>, vector<16xf32>,
        %get3A_633 = arith.index_cast %scan3A_614 : i32 to index
        %get3A_634 = arith.constant 16 : index
        %get3A_635 = tpu.vector_load %arg11[%get3A_633, %get3A_634] {strides = array<i32>} : memref<104x128xf32, #tpu.memory_space<vmem>>, vector<16xf32>,
        %get3A_636 = arith.index_cast %scan3A_614 : i32 to index
        %get3A_637 = arith.constant 80 : index
        %get3A_638 = tpu.vector_load %arg11[%get3A_636, %get3A_637] {strides = array<i32>} : memref<104x128xf32, #tpu.memory_space<vmem>>, vector<16xf32>,
        %select_n3A_639 = arith.select %gt3A_621, %get3A_638, %get3A_635 : vector<16xi1>, vector<16xf32>
        %mul3A_640 = arith.mulf %select_n3A_639, %get3A_3 : vector<16xf32>
        %swap3A_641 = arith.index_cast %scan3A_614 : i32 to index
        %swap3A_642 = arith.constant 16 : index
        %swap3A_643 = tpu.vector_load %arg15[%swap3A_641, %swap3A_642] {strides = array<i32>} : memref<104x64xf32, #tpu.memory_space<vmem>>, vector<16xf32>,
        tpu.vector_store %arg15[%swap3A_641, %swap3A_642], %mul3A_640 {strides = array<i32>} : memref<104x64xf32, #tpu.memory_space<vmem>>, vector<16xf32>,
        %get3A_644 = arith.index_cast %scan3A_614 : i32 to index
        %get3A_645 = arith.constant 32 : index
        %get3A_646 = tpu.vector_load %arg11[%get3A_644, %get3A_645] {strides = array<i32>} : memref<104x128xf32, #tpu.memory_space<vmem>>, vector<16xf32>,
        %get3A_647 = arith.index_cast %scan3A_614 : i32 to index
        %get3A_648 = arith.constant 96 : index
        %get3A_649 = tpu.vector_load %arg11[%get3A_647, %get3A_648] {strides = array<i32>} : memref<104x128xf32, #tpu.memory_space<vmem>>, vector<16xf32>,
        %select_n3A_650 = arith.select %gt3A_621, %get3A_649, %get3A_646 : vector<16xi1>, vector<16xf32>
        %mul3A_651 = arith.mulf %select_n3A_650, %get3A_3 : vector<16xf32>
        %swap3A_652 = arith.index_cast %scan3A_614 : i32 to index
        %swap3A_653 = arith.constant 32 : index
        %swap3A_654 = tpu.vector_load %arg15[%swap3A_652, %swap3A_653] {strides = array<i32>} : memref<104x64xf32, #tpu.memory_space<vmem>>, vector<16xf32>,
        tpu.vector_store %arg15[%swap3A_652, %swap3A_653], %mul3A_651 {strides = array<i32>} : memref<104x64xf32, #tpu.memory_space<vmem>>, vector<16xf32>,
        %get3A_655 = arith.index_cast %scan3A_614 : i32 to index
        %get3A_656 = arith.constant 48 : index
        %get3A_657 = tpu.vector_load %arg11[%get3A_655, %get3A_656] {strides = array<i32>} : memref<104x128xf32, #tpu.memory_space<vmem>>, vector<16xf32>,
        %get3A_658 = arith.index_cast %scan3A_614 : i32 to index
        %get3A_659 = arith.constant 112 : index
        %get3A_660 = tpu.vector_load %arg11[%get3A_658, %get3A_659] {strides = array<i32>} : memref<104x128xf32, #tpu.memory_space<vmem>>, vector<16xf32>,
        %select_n3A_661 = arith.select %gt3A_621, %get3A_660, %get3A_657 : vector<16xi1>, vector<16xf32>
        %mul3A_662 = arith.mulf %select_n3A_661, %get3A_3 : vector<16xf32>
        %swap3A_663 = arith.index_cast %scan3A_614 : i32 to index
        %swap3A_664 = arith.constant 48 : index
        %swap3A_665 = tpu.vector_load %arg15[%swap3A_663, %swap3A_664] {strides = array<i32>} : memref<104x64xf32, #tpu.memory_space<vmem>>, vector<16xf32>,
        tpu.vector_store %arg15[%swap3A_663, %swap3A_664], %mul3A_662 {strides = array<i32>} : memref<104x64xf32, #tpu.memory_space<vmem>>, vector<16xf32>,
      }
      %scan3A_267 = arith.constant 104 : i32
      %mul3A_268 = arith.constant 4 : i32
      %mul3A_269 = arith.muli %add3A_247, %mul3A_268 : i32
      %add3A_270 = arith.addi %mul3A_5, %mul3A_269 : i32
      %add3A_271 = arith.constant 0 : i32
      %add3A_272 = arith.addi %add3A_270, %add3A_271 : i32
      %dma_start3A_273 = arith.constant 0 : i32
      %dma_start3A_274 = arith.constant 0 : i32
      %dma_start3A_275 = tpu.memref_slice %arg15[%dma_start3A_273, %dma_start3A_274] : memref<104x64xf32, #tpu.memory_space<vmem>> -> memref<26x64xf32, #tpu.memory_space<vmem>>
      %dma_start3A_276 = arith.constant 0 : i32
      %dma_start3A_277 = arith.constant 0 : i32
      %dma_start3A_278 = tpu.memref_slice %arg6[%add3A_272, %dma_start3A_276, %dma_start3A_277] : memref<16384x26x64xf32, #tpu.memory_space<hbm>> -> memref<1x26x64xf32, #tpu.memory_space<hbm>>
      %dma_start3A_279 = tpu.memref_squeeze %dma_start3A_278 : memref<1x26x64xf32, #tpu.memory_space<hbm>> -> memref<26x64xf32, #tpu.memory_space<hbm>>
      %dma_start3A_280 = arith.constant 0 : i32
      %dma_start3A_281 = arith.constant 0 : i32
      %dma_start3A_282 = tpu.memref_slice %arg6[%add3A_272, %dma_start3A_280, %dma_start3A_281] : memref<16384x26x64xf32, #tpu.memory_space<hbm>> -> memref<1x26x64xf32, #tpu.memory_space<hbm>>
      %dma_start3A_283 = tpu.memref_squeeze %dma_start3A_282 : memref<1x26x64xf32, #tpu.memory_space<hbm>> -> memref<26x64xf32, #tpu.memory_space<hbm>>
      %dma_start3A_284 = arith.constant 0 : i32
      %dma_start3A_285 = arith.constant 0 : i32
      %dma_start3A_286 = tpu.memref_slice %arg15[%dma_start3A_284, %dma_start3A_285] : memref<104x64xf32, #tpu.memory_space<vmem>> -> memref<26x64xf32, #tpu.memory_space<vmem>>
      tpu.enqueue_dma source(%dma_start3A_286 : memref<26x64xf32, #tpu.memory_space<vmem>>) target(%dma_start3A_283 : memref<26x64xf32, #tpu.memory_space<hbm>>) target_semaphore(%arg21 : memref<!tpu.dma_semaphore, #tpu.memory_space<semaphore_mem>>)
      %mul3A_287 = arith.constant 4 : i32
      %mul3A_288 = arith.muli %add3A_247, %mul3A_287 : i32
      %add3A_289 = arith.addi %mul3A_5, %mul3A_288 : i32
      %add3A_290 = arith.constant 1 : i32
      %add3A_291 = arith.addi %add3A_289, %add3A_290 : i32
      %dma_start3A_292 = arith.constant 26 : i32
      %dma_start3A_293 = arith.constant 0 : i32
      %dma_start3A_294 = tpu.memref_slice %arg15[%dma_start3A_292, %dma_start3A_293] : memref<104x64xf32, #tpu.memory_space<vmem>> -> memref<26x64xf32, #tpu.memory_space<vmem>>
      %dma_start3A_295 = arith.constant 0 : i32
      %dma_start3A_296 = arith.constant 0 : i32
      %dma_start3A_297 = tpu.memref_slice %arg6[%add3A_291, %dma_start3A_295, %dma_start3A_296] : memref<16384x26x64xf32, #tpu.memory_space<hbm>> -> memref<1x26x64xf32, #tpu.memory_space<hbm>>
      %dma_start3A_298 = tpu.memref_squeeze %dma_start3A_297 : memref<1x26x64xf32, #tpu.memory_space<hbm>> -> memref<26x64xf32, #tpu.memory_space<hbm>>
      %dma_start3A_299 = arith.constant 0 : i32
      %dma_start3A_300 = arith.constant 0 : i32
      %dma_start3A_301 = tpu.memref_slice %arg6[%add3A_291, %dma_start3A_299, %dma_start3A_300] : memref<16384x26x64xf32, #tpu.memory_space<hbm>> -> memref<1x26x64xf32, #tpu.memory_space<hbm>>
      %dma_start3A_302 = tpu.memref_squeeze %dma_start3A_301 : memref<1x26x64xf32, #tpu.memory_space<hbm>> -> memref<26x64xf32, #tpu.memory_space<hbm>>
      %dma_start3A_303 = arith.constant 26 : i32
      %dma_start3A_304 = arith.constant 0 : i32
      %dma_start3A_305 = tpu.memref_slice %arg15[%dma_start3A_303, %dma_start3A_304] : memref<104x64xf32, #tpu.memory_space<vmem>> -> memref<26x64xf32, #tpu.memory_space<vmem>>
      tpu.enqueue_dma source(%dma_start3A_305 : memref<26x64xf32, #tpu.memory_space<vmem>>) target(%dma_start3A_302 : memref<26x64xf32, #tpu.memory_space<hbm>>) target_semaphore(%arg21 : memref<!tpu.dma_semaphore, #tpu.memory_space<semaphore_mem>>)
      %mul3A_306 = arith.constant 4 : i32
      %mul3A_307 = arith.muli %add3A_247, %mul3A_306 : i32
      %add3A_308 = arith.addi %mul3A_5, %mul3A_307 : i32
      %add3A_309 = arith.constant 2 : i32
      %add3A_310 = arith.addi %add3A_308, %add3A_309 : i32
      %dma_start3A_311 = arith.constant 52 : i32
      %dma_start3A_312 = arith.constant 0 : i32
      %dma_start3A_313 = tpu.memref_slice %arg15[%dma_start3A_311, %dma_start3A_312] : memref<104x64xf32, #tpu.memory_space<vmem>> -> memref<26x64xf32, #tpu.memory_space<vmem>>
      %dma_start3A_314 = arith.constant 0 : i32
      %dma_start3A_315 = arith.constant 0 : i32
      %dma_start3A_316 = tpu.memref_slice %arg6[%add3A_310, %dma_start3A_314, %dma_start3A_315] : memref<16384x26x64xf32, #tpu.memory_space<hbm>> -> memref<1x26x64xf32, #tpu.memory_space<hbm>>
      %dma_start3A_317 = tpu.memref_squeeze %dma_start3A_316 : memref<1x26x64xf32, #tpu.memory_space<hbm>> -> memref<26x64xf32, #tpu.memory_space<hbm>>
      %dma_start3A_318 = arith.constant 0 : i32
      %dma_start3A_319 = arith.constant 0 : i32
      %dma_start3A_320 = tpu.memref_slice %arg6[%add3A_310, %dma_start3A_318, %dma_start3A_319] : memref<16384x26x64xf32, #tpu.memory_space<hbm>> -> memref<1x26x64xf32, #tpu.memory_space<hbm>>
      %dma_start3A_321 = tpu.memref_squeeze %dma_start3A_320 : memref<1x26x64xf32, #tpu.memory_space<hbm>> -> memref<26x64xf32, #tpu.memory_space<hbm>>
      %dma_start3A_322 = arith.constant 52 : i32
      %dma_start3A_323 = arith.constant 0 : i32
      %dma_start3A_324 = tpu.memref_slice %arg15[%dma_start3A_322, %dma_start3A_323] : memref<104x64xf32, #tpu.memory_space<vmem>> -> memref<26x64xf32, #tpu.memory_space<vmem>>
      tpu.enqueue_dma source(%dma_start3A_324 : memref<26x64xf32, #tpu.memory_space<vmem>>) target(%dma_start3A_321 : memref<26x64xf32, #tpu.memory_space<hbm>>) target_semaphore(%arg21 : memref<!tpu.dma_semaphore, #tpu.memory_space<semaphore_mem>>)
      %mul3A_325 = arith.constant 4 : i32
      %mul3A_326 = arith.muli %add3A_247, %mul3A_325 : i32
      %add3A_327 = arith.addi %mul3A_5, %mul3A_326 : i32
      %add3A_328 = arith.constant 3 : i32
      %add3A_329 = arith.addi %add3A_327, %add3A_328 : i32
      %dma_start3A_330 = arith.constant 78 : i32
      %dma_start3A_331 = arith.constant 0 : i32
      %dma_start3A_332 = tpu.memref_slice %arg15[%dma_start3A_330, %dma_start3A_331] : memref<104x64xf32, #tpu.memory_space<vmem>> -> memref<26x64xf32, #tpu.memory_space<vmem>>
      %dma_start3A_333 = arith.constant 0 : i32
      %dma_start3A_334 = arith.constant 0 : i32
      %dma_start3A_335 = tpu.memref_slice %arg6[%add3A_329, %dma_start3A_333, %dma_start3A_334] : memref<16384x26x64xf32, #tpu.memory_space<hbm>> -> memref<1x26x64xf32, #tpu.memory_space<hbm>>
      %dma_start3A_336 = tpu.memref_squeeze %dma_start3A_335 : memref<1x26x64xf32, #tpu.memory_space<hbm>> -> memref<26x64xf32, #tpu.memory_space<hbm>>
      %dma_start3A_337 = arith.constant 0 : i32
      %dma_start3A_338 = arith.constant 0 : i32
      %dma_start3A_339 = tpu.memref_slice %arg6[%add3A_329, %dma_start3A_337, %dma_start3A_338] : memref<16384x26x64xf32, #tpu.memory_space<hbm>> -> memref<1x26x64xf32, #tpu.memory_space<hbm>>
      %dma_start3A_340 = tpu.memref_squeeze %dma_start3A_339 : memref<1x26x64xf32, #tpu.memory_space<hbm>> -> memref<26x64xf32, #tpu.memory_space<hbm>>
      %dma_start3A_341 = arith.constant 78 : i32
      %dma_start3A_342 = arith.constant 0 : i32
      %dma_start3A_343 = tpu.memref_slice %arg15[%dma_start3A_341, %dma_start3A_342] : memref<104x64xf32, #tpu.memory_space<vmem>> -> memref<26x64xf32, #tpu.memory_space<vmem>>
      tpu.enqueue_dma source(%dma_start3A_343 : memref<26x64xf32, #tpu.memory_space<vmem>>) target(%dma_start3A_340 : memref<26x64xf32, #tpu.memory_space<hbm>>) target_semaphore(%arg21 : memref<!tpu.dma_semaphore, #tpu.memory_space<semaphore_mem>>)
      %add3A_344 = arith.constant 4 : i32
      %add3A_345 = arith.addi %add3A_247, %add3A_344 : i32
      %lt3A_346 = arith.constant 128 : i32
      %lt3A_347 = arith.cmpi slt, %add3A_345, %lt3A_346 : i32
      %convert_element_type3A_348 = arith.extui %lt3A_347 : i1 to i32
      %cond3A_349 = arith.constant 0 : i32
      %cond3A_350 = arith.cmpi ne, %convert_element_type3A_348, %cond3A_349 : i32
      scf.if %cond3A_350 {
        %add3A_565 = arith.constant 4 : i32
        %add3A_566 = arith.addi %add3A_247, %add3A_565 : i32
        %mul3A_567 = arith.constant 104 : i32
        %mul3A_568 = arith.muli %add3A_566, %mul3A_567 : i32
        %dma_start3A_569 = tpu.memref_slice %arg7[%mul3A_568] : memref<13312xi32, #tpu.memory_space<vmem>> -> memref<104xi32, #tpu.memory_space<vmem>>
        %dma_start3A_570 = arith.constant 0 : i32
        %dma_start3A_571 = arith.constant 0 : i32
        %dma_start3A_572 = tpu.memref_slice %arg2[%dma_start3A_570, %dma_start3A_571] : memref<500000x128xf32, #tpu.memory_space<hbm>> -> memref<500000x128xf32, #tpu.memory_space<hbm>>
        tpu.enqueue_indirect_dma source(%dma_start3A_572 : memref<500000x128xf32, #tpu.memory_space<hbm>>) target(%arg11 : memref<104x128xf32, #tpu.memory_space<vmem>>) offsets(%dma_start3A_569 : memref<104xi32, #tpu.memory_space<vmem>>) semaphore(%arg17 : memref<!tpu.dma_semaphore, #tpu.memory_space<semaphore_mem>>)
      } else {
      }
      %mul3A_351 = arith.constant 4 : i32
      %mul3A_352 = arith.muli %scan3A_141, %mul3A_351 : i32
      %add3A_353 = arith.constant 2 : i32
      %add3A_354 = arith.addi %mul3A_352, %add3A_353 : i32
      %dma_wait3A_355 = arith.constant 0 : i32
      %dma_wait3A_356 = tpu.memref_slice %arg7[%dma_wait3A_355] : memref<13312xi32, #tpu.memory_space<vmem>> -> memref<104xi32, #tpu.memory_space<vmem>>
      %dma_wait3A_357 = arith.constant 0 : i32
      %dma_wait3A_358 = arith.constant 0 : i32
      %dma_wait3A_359 = tpu.memref_slice %arg2[%dma_wait3A_357, %dma_wait3A_358] : memref<500000x128xf32, #tpu.memory_space<hbm>> -> memref<500000x128xf32, #tpu.memory_space<hbm>>
      tpu.wait_indirect_dma semaphore(%arg18 : memref<!tpu.dma_semaphore, #tpu.memory_space<semaphore_mem>>) src(%dma_wait3A_359 : memref<500000x128xf32, #tpu.memory_space<hbm>>) dst(%arg12 : memref<104x128xf32, #tpu.memory_space<vmem>>)
      %gt3A_360 = arith.constant 0 : i32
      %gt3A_361 = arith.cmpi sgt, %scan3A_141, %gt3A_360 : i32
      %or3A_362 = arith.constant true
      %or3A_363 = arith.ori %gt3A_361, %or3A_362 : i1
      %convert_element_type3A_364 = arith.extui %or3A_363 : i1 to i32
      %cond3A_365 = arith.constant 0 : i32
      %cond3A_366 = arith.cmpi ne, %convert_element_type3A_364, %cond3A_365 : i32
      scf.if %cond3A_366 {
        %dma_wait3A_565 = arith.constant 0 : i32
        %dma_wait3A_566 = arith.constant 0 : i32
        %dma_wait3A_567 = tpu.memref_slice %arg14[%dma_wait3A_565, %dma_wait3A_566] : memref<104x64xf32, #tpu.memory_space<vmem>> -> memref<26x64xf32, #tpu.memory_space<vmem>>
        %dma_wait3A_568 = arith.constant 0 : i32
        %dma_wait3A_569 = arith.constant 0 : i32
        %dma_wait3A_570 = tpu.memref_slice %arg6[%mul3A_5, %dma_wait3A_568, %dma_wait3A_569] : memref<16384x26x64xf32, #tpu.memory_space<hbm>> -> memref<1x26x64xf32, #tpu.memory_space<hbm>>
        %dma_wait3A_571 = tpu.memref_squeeze %dma_wait3A_570 : memref<1x26x64xf32, #tpu.memory_space<hbm>> -> memref<26x64xf32, #tpu.memory_space<hbm>>
        %dma_wait3A_572 = arith.constant 0 : i32
        %dma_wait3A_573 = arith.constant 0 : i32
        %dma_wait3A_574 = tpu.memref_slice %arg6[%mul3A_5, %dma_wait3A_572, %dma_wait3A_573] : memref<16384x26x64xf32, #tpu.memory_space<hbm>> -> memref<1x26x64xf32, #tpu.memory_space<hbm>>
        %dma_wait3A_575 = tpu.memref_squeeze %dma_wait3A_574 : memref<1x26x64xf32, #tpu.memory_space<hbm>> -> memref<26x64xf32, #tpu.memory_space<hbm>>
        %dma_wait3A_576 = arith.constant 0 : i32
        %dma_wait3A_577 = arith.constant 0 : i32
        %dma_wait3A_578 = tpu.memref_slice %arg14[%dma_wait3A_576, %dma_wait3A_577] : memref<104x64xf32, #tpu.memory_space<vmem>> -> memref<26x64xf32, #tpu.memory_space<vmem>>
        tpu.wait_dma2 semaphore(%arg20 : memref<!tpu.dma_semaphore, #tpu.memory_space<semaphore_mem>>) src(%dma_wait3A_578 : memref<26x64xf32, #tpu.memory_space<vmem>>) dst(%dma_wait3A_575 : memref<26x64xf32, #tpu.memory_space<hbm>>)
        %dma_wait3A_579 = arith.constant 0 : i32
        %dma_wait3A_580 = arith.constant 0 : i32
        %dma_wait3A_581 = tpu.memref_slice %arg14[%dma_wait3A_579, %dma_wait3A_580] : memref<104x64xf32, #tpu.memory_space<vmem>> -> memref<26x64xf32, #tpu.memory_space<vmem>>
        %dma_wait3A_582 = arith.constant 0 : i32
        %dma_wait3A_583 = arith.constant 0 : i32
        %dma_wait3A_584 = tpu.memref_slice %arg6[%mul3A_5, %dma_wait3A_582, %dma_wait3A_583] : memref<16384x26x64xf32, #tpu.memory_space<hbm>> -> memref<1x26x64xf32, #tpu.memory_space<hbm>>
        %dma_wait3A_585 = tpu.memref_squeeze %dma_wait3A_584 : memref<1x26x64xf32, #tpu.memory_space<hbm>> -> memref<26x64xf32, #tpu.memory_space<hbm>>
        %dma_wait3A_586 = arith.constant 0 : i32
        %dma_wait3A_587 = arith.constant 0 : i32
        %dma_wait3A_588 = tpu.memref_slice %arg6[%mul3A_5, %dma_wait3A_586, %dma_wait3A_587] : memref<16384x26x64xf32, #tpu.memory_space<hbm>> -> memref<1x26x64xf32, #tpu.memory_space<hbm>>
        %dma_wait3A_589 = tpu.memref_squeeze %dma_wait3A_588 : memref<1x26x64xf32, #tpu.memory_space<hbm>> -> memref<26x64xf32, #tpu.memory_space<hbm>>
        %dma_wait3A_590 = arith.constant 0 : i32
        %dma_wait3A_591 = arith.constant 0 : i32
        %dma_wait3A_592 = tpu.memref_slice %arg14[%dma_wait3A_590, %dma_wait3A_591] : memref<104x64xf32, #tpu.memory_space<vmem>> -> memref<26x64xf32, #tpu.memory_space<vmem>>
        tpu.wait_dma2 semaphore(%arg20 : memref<!tpu.dma_semaphore, #tpu.memory_space<semaphore_mem>>) src(%dma_wait3A_592 : memref<26x64xf32, #tpu.memory_space<vmem>>) dst(%dma_wait3A_589 : memref<26x64xf32, #tpu.memory_space<hbm>>)
        %dma_wait3A_593 = arith.constant 0 : i32
        %dma_wait3A_594 = arith.constant 0 : i32
        %dma_wait3A_595 = tpu.memref_slice %arg14[%dma_wait3A_593, %dma_wait3A_594] : memref<104x64xf32, #tpu.memory_space<vmem>> -> memref<26x64xf32, #tpu.memory_space<vmem>>
        %dma_wait3A_596 = arith.constant 0 : i32
        %dma_wait3A_597 = arith.constant 0 : i32
        %dma_wait3A_598 = tpu.memref_slice %arg6[%mul3A_5, %dma_wait3A_596, %dma_wait3A_597] : memref<16384x26x64xf32, #tpu.memory_space<hbm>> -> memref<1x26x64xf32, #tpu.memory_space<hbm>>
        %dma_wait3A_599 = tpu.memref_squeeze %dma_wait3A_598 : memref<1x26x64xf32, #tpu.memory_space<hbm>> -> memref<26x64xf32, #tpu.memory_space<hbm>>
        %dma_wait3A_600 = arith.constant 0 : i32
        %dma_wait3A_601 = arith.constant 0 : i32
        %dma_wait3A_602 = tpu.memref_slice %arg6[%mul3A_5, %dma_wait3A_600, %dma_wait3A_601] : memref<16384x26x64xf32, #tpu.memory_space<hbm>> -> memref<1x26x64xf32, #tpu.memory_space<hbm>>
        %dma_wait3A_603 = tpu.memref_squeeze %dma_wait3A_602 : memref<1x26x64xf32, #tpu.memory_space<hbm>> -> memref<26x64xf32, #tpu.memory_space<hbm>>
        %dma_wait3A_604 = arith.constant 0 : i32
        %dma_wait3A_605 = arith.constant 0 : i32
        %dma_wait3A_606 = tpu.memref_slice %arg14[%dma_wait3A_604, %dma_wait3A_605] : memref<104x64xf32, #tpu.memory_space<vmem>> -> memref<26x64xf32, #tpu.memory_space<vmem>>
        tpu.wait_dma2 semaphore(%arg20 : memref<!tpu.dma_semaphore, #tpu.memory_space<semaphore_mem>>) src(%dma_wait3A_606 : memref<26x64xf32, #tpu.memory_space<vmem>>) dst(%dma_wait3A_603 : memref<26x64xf32, #tpu.memory_space<hbm>>)
        %dma_wait3A_607 = arith.constant 0 : i32
        %dma_wait3A_608 = arith.constant 0 : i32
        %dma_wait3A_609 = tpu.memref_slice %arg14[%dma_wait3A_607, %dma_wait3A_608] : memref<104x64xf32, #tpu.memory_space<vmem>> -> memref<26x64xf32, #tpu.memory_space<vmem>>
        %dma_wait3A_610 = arith.constant 0 : i32
        %dma_wait3A_611 = arith.constant 0 : i32
        %dma_wait3A_612 = tpu.memref_slice %arg6[%mul3A_5, %dma_wait3A_610, %dma_wait3A_611] : memref<16384x26x64xf32, #tpu.memory_space<hbm>> -> memref<1x26x64xf32, #tpu.memory_space<hbm>>
        %dma_wait3A_613 = tpu.memref_squeeze %dma_wait3A_612 : memref<1x26x64xf32, #tpu.memory_space<hbm>> -> memref<26x64xf32, #tpu.memory_space<hbm>>
        %dma_wait3A_614 = arith.constant 0 : i32
        %dma_wait3A_615 = arith.constant 0 : i32
        %dma_wait3A_616 = tpu.memref_slice %arg6[%mul3A_5, %dma_wait3A_614, %dma_wait3A_615] : memref<16384x26x64xf32, #tpu.memory_space<hbm>> -> memref<1x26x64xf32, #tpu.memory_space<hbm>>
        %dma_wait3A_617 = tpu.memref_squeeze %dma_wait3A_616 : memref<1x26x64xf32, #tpu.memory_space<hbm>> -> memref<26x64xf32, #tpu.memory_space<hbm>>
        %dma_wait3A_618 = arith.constant 0 : i32
        %dma_wait3A_619 = arith.constant 0 : i32
        %dma_wait3A_620 = tpu.memref_slice %arg14[%dma_wait3A_618, %dma_wait3A_619] : memref<104x64xf32, #tpu.memory_space<vmem>> -> memref<26x64xf32, #tpu.memory_space<vmem>>
        tpu.wait_dma2 semaphore(%arg20 : memref<!tpu.dma_semaphore, #tpu.memory_space<semaphore_mem>>) src(%dma_wait3A_620 : memref<26x64xf32, #tpu.memory_space<vmem>>) dst(%dma_wait3A_617 : memref<26x64xf32, #tpu.memory_space<hbm>>)
      } else {
      }
      %mul3A_367 = arith.constant 104 : i32
      %mul3A_368 = arith.muli %add3A_354, %mul3A_367 : i32
      %scan3A_369 = arith.constant 0 : i32
      %scan3A_370 = arith.constant 0 : i32
      %scan3A_371 = arith.constant 104 : i32
      %scan3A_372 = arith.addi %scan3A_370, %scan3A_371 : i32
      %scan3A_373 = arith.constant 2 : i32
      scf.for %scan3A_565 = %scan3A_370 to %scan3A_372 step %scan3A_373  : i32 {
        %broadcast_in_dim3A = vector.broadcast %mul3A_368 : i32 to vector<16xi32>
        %add3A_566 = vector.broadcast %scan3A_565 : i32 to vector<16xi32>
        %add3A_567 = arith.addi %broadcast_in_dim3A, %add3A_566 : vector<16xi32>
        %gather3A = tpu.vector_load_idx %arg8[%add3A_567] : memref<13312xi32, #tpu.memory_space<vmem>>[vector<16xi32>], vector<16xi32>,
        %gt3A_568 = arith.constant 0 : i32
        %gt3A_569 = vector.broadcast %gt3A_568 : i32 to vector<16xi32>
        %gt3A_570 = arith.cmpi sgt, %gather3A, %gt3A_569 : vector<16xi32>
        %get3A_571 = arith.index_cast %scan3A_565 : i32 to index
        %get3A_572 = arith.constant 0 : index
        %get3A_573 = tpu.vector_load %arg12[%get3A_571, %get3A_572] {strides = array<i32>} : memref<104x128xf32, #tpu.memory_space<vmem>>, vector<16xf32>,
        %get3A_574 = arith.index_cast %scan3A_565 : i32 to index
        %get3A_575 = arith.constant 64 : index
        %get3A_576 = tpu.vector_load %arg12[%get3A_574, %get3A_575] {strides = array<i32>} : memref<104x128xf32, #tpu.memory_space<vmem>>, vector<16xf32>,
        %select_n3A = arith.select %gt3A_570, %get3A_576, %get3A_573 : vector<16xi1>, vector<16xf32>
        %mul3A_577 = arith.mulf %select_n3A, %get3A_3 : vector<16xf32>
        %swap3A = arith.index_cast %scan3A_565 : i32 to index
        %swap3A_578 = arith.constant 0 : index
        %swap3A_579 = tpu.vector_load %arg14[%swap3A, %swap3A_578] {strides = array<i32>} : memref<104x64xf32, #tpu.memory_space<vmem>>, vector<16xf32>,
        tpu.vector_store %arg14[%swap3A, %swap3A_578], %mul3A_577 {strides = array<i32>} : memref<104x64xf32, #tpu.memory_space<vmem>>, vector<16xf32>,
        %get3A_580 = arith.index_cast %scan3A_565 : i32 to index
        %get3A_581 = arith.constant 16 : index
        %get3A_582 = tpu.vector_load %arg12[%get3A_580, %get3A_581] {strides = array<i32>} : memref<104x128xf32, #tpu.memory_space<vmem>>, vector<16xf32>,
        %get3A_583 = arith.index_cast %scan3A_565 : i32 to index
        %get3A_584 = arith.constant 80 : index
        %get3A_585 = tpu.vector_load %arg12[%get3A_583, %get3A_584] {strides = array<i32>} : memref<104x128xf32, #tpu.memory_space<vmem>>, vector<16xf32>,
        %select_n3A_586 = arith.select %gt3A_570, %get3A_585, %get3A_582 : vector<16xi1>, vector<16xf32>
        %mul3A_587 = arith.mulf %select_n3A_586, %get3A_3 : vector<16xf32>
        %swap3A_588 = arith.index_cast %scan3A_565 : i32 to index
        %swap3A_589 = arith.constant 16 : index
        %swap3A_590 = tpu.vector_load %arg14[%swap3A_588, %swap3A_589] {strides = array<i32>} : memref<104x64xf32, #tpu.memory_space<vmem>>, vector<16xf32>,
        tpu.vector_store %arg14[%swap3A_588, %swap3A_589], %mul3A_587 {strides = array<i32>} : memref<104x64xf32, #tpu.memory_space<vmem>>, vector<16xf32>,
        %get3A_591 = arith.index_cast %scan3A_565 : i32 to index
        %get3A_592 = arith.constant 32 : index
        %get3A_593 = tpu.vector_load %arg12[%get3A_591, %get3A_592] {strides = array<i32>} : memref<104x128xf32, #tpu.memory_space<vmem>>, vector<16xf32>,
        %get3A_594 = arith.index_cast %scan3A_565 : i32 to index
        %get3A_595 = arith.constant 96 : index
        %get3A_596 = tpu.vector_load %arg12[%get3A_594, %get3A_595] {strides = array<i32>} : memref<104x128xf32, #tpu.memory_space<vmem>>, vector<16xf32>,
        %select_n3A_597 = arith.select %gt3A_570, %get3A_596, %get3A_593 : vector<16xi1>, vector<16xf32>
        %mul3A_598 = arith.mulf %select_n3A_597, %get3A_3 : vector<16xf32>
        %swap3A_599 = arith.index_cast %scan3A_565 : i32 to index
        %swap3A_600 = arith.constant 32 : index
        %swap3A_601 = tpu.vector_load %arg14[%swap3A_599, %swap3A_600] {strides = array<i32>} : memref<104x64xf32, #tpu.memory_space<vmem>>, vector<16xf32>,
        tpu.vector_store %arg14[%swap3A_599, %swap3A_600], %mul3A_598 {strides = array<i32>} : memref<104x64xf32, #tpu.memory_space<vmem>>, vector<16xf32>,
        %get3A_602 = arith.index_cast %scan3A_565 : i32 to index
        %get3A_603 = arith.constant 48 : index
        %get3A_604 = tpu.vector_load %arg12[%get3A_602, %get3A_603] {strides = array<i32>} : memref<104x128xf32, #tpu.memory_space<vmem>>, vector<16xf32>,
        %get3A_605 = arith.index_cast %scan3A_565 : i32 to index
        %get3A_606 = arith.constant 112 : index
        %get3A_607 = tpu.vector_load %arg12[%get3A_605, %get3A_606] {strides = array<i32>} : memref<104x128xf32, #tpu.memory_space<vmem>>, vector<16xf32>,
        %select_n3A_608 = arith.select %gt3A_570, %get3A_607, %get3A_604 : vector<16xi1>, vector<16xf32>
        %mul3A_609 = arith.mulf %select_n3A_608, %get3A_3 : vector<16xf32>
        %swap3A_610 = arith.index_cast %scan3A_565 : i32 to index
        %swap3A_611 = arith.constant 48 : index
        %swap3A_612 = tpu.vector_load %arg14[%swap3A_610, %swap3A_611] {strides = array<i32>} : memref<104x64xf32, #tpu.memory_space<vmem>>, vector<16xf32>,
        tpu.vector_store %arg14[%swap3A_610, %swap3A_611], %mul3A_609 {strides = array<i32>} : memref<104x64xf32, #tpu.memory_space<vmem>>, vector<16xf32>,
        %scan3A_613 = arith.constant 1 : i32
        %scan3A_614 = arith.addi %scan3A_565, %scan3A_613 : i32
        %broadcast_in_dim3A_615 = vector.broadcast %mul3A_368 : i32 to vector<16xi32>
        %add3A_616 = vector.broadcast %scan3A_614 : i32 to vector<16xi32>
        %add3A_617 = arith.addi %broadcast_in_dim3A_615, %add3A_616 : vector<16xi32>
        %gather3A_618 = tpu.vector_load_idx %arg8[%add3A_617] : memref<13312xi32, #tpu.memory_space<vmem>>[vector<16xi32>], vector<16xi32>,
        %gt3A_619 = arith.constant 0 : i32
        %gt3A_620 = vector.broadcast %gt3A_619 : i32 to vector<16xi32>
        %gt3A_621 = arith.cmpi sgt, %gather3A_618, %gt3A_620 : vector<16xi32>
        %get3A_622 = arith.index_cast %scan3A_614 : i32 to index
        %get3A_623 = arith.constant 0 : index
        %get3A_624 = tpu.vector_load %arg12[%get3A_622, %get3A_623] {strides = array<i32>} : memref<104x128xf32, #tpu.memory_space<vmem>>, vector<16xf32>,
        %get3A_625 = arith.index_cast %scan3A_614 : i32 to index
        %get3A_626 = arith.constant 64 : index
        %get3A_627 = tpu.vector_load %arg12[%get3A_625, %get3A_626] {strides = array<i32>} : memref<104x128xf32, #tpu.memory_space<vmem>>, vector<16xf32>,
        %select_n3A_628 = arith.select %gt3A_621, %get3A_627, %get3A_624 : vector<16xi1>, vector<16xf32>
        %mul3A_629 = arith.mulf %select_n3A_628, %get3A_3 : vector<16xf32>
        %swap3A_630 = arith.index_cast %scan3A_614 : i32 to index
        %swap3A_631 = arith.constant 0 : index
        %swap3A_632 = tpu.vector_load %arg14[%swap3A_630, %swap3A_631] {strides = array<i32>} : memref<104x64xf32, #tpu.memory_space<vmem>>, vector<16xf32>,
        tpu.vector_store %arg14[%swap3A_630, %swap3A_631], %mul3A_629 {strides = array<i32>} : memref<104x64xf32, #tpu.memory_space<vmem>>, vector<16xf32>,
        %get3A_633 = arith.index_cast %scan3A_614 : i32 to index
        %get3A_634 = arith.constant 16 : index
        %get3A_635 = tpu.vector_load %arg12[%get3A_633, %get3A_634] {strides = array<i32>} : memref<104x128xf32, #tpu.memory_space<vmem>>, vector<16xf32>,
        %get3A_636 = arith.index_cast %scan3A_614 : i32 to index
        %get3A_637 = arith.constant 80 : index
        %get3A_638 = tpu.vector_load %arg12[%get3A_636, %get3A_637] {strides = array<i32>} : memref<104x128xf32, #tpu.memory_space<vmem>>, vector<16xf32>,
        %select_n3A_639 = arith.select %gt3A_621, %get3A_638, %get3A_635 : vector<16xi1>, vector<16xf32>
        %mul3A_640 = arith.mulf %select_n3A_639, %get3A_3 : vector<16xf32>
        %swap3A_641 = arith.index_cast %scan3A_614 : i32 to index
        %swap3A_642 = arith.constant 16 : index
        %swap3A_643 = tpu.vector_load %arg14[%swap3A_641, %swap3A_642] {strides = array<i32>} : memref<104x64xf32, #tpu.memory_space<vmem>>, vector<16xf32>,
        tpu.vector_store %arg14[%swap3A_641, %swap3A_642], %mul3A_640 {strides = array<i32>} : memref<104x64xf32, #tpu.memory_space<vmem>>, vector<16xf32>,
        %get3A_644 = arith.index_cast %scan3A_614 : i32 to index
        %get3A_645 = arith.constant 32 : index
        %get3A_646 = tpu.vector_load %arg12[%get3A_644, %get3A_645] {strides = array<i32>} : memref<104x128xf32, #tpu.memory_space<vmem>>, vector<16xf32>,
        %get3A_647 = arith.index_cast %scan3A_614 : i32 to index
        %get3A_648 = arith.constant 96 : index
        %get3A_649 = tpu.vector_load %arg12[%get3A_647, %get3A_648] {strides = array<i32>} : memref<104x128xf32, #tpu.memory_space<vmem>>, vector<16xf32>,
        %select_n3A_650 = arith.select %gt3A_621, %get3A_649, %get3A_646 : vector<16xi1>, vector<16xf32>
        %mul3A_651 = arith.mulf %select_n3A_650, %get3A_3 : vector<16xf32>
        %swap3A_652 = arith.index_cast %scan3A_614 : i32 to index
        %swap3A_653 = arith.constant 32 : index
        %swap3A_654 = tpu.vector_load %arg14[%swap3A_652, %swap3A_653] {strides = array<i32>} : memref<104x64xf32, #tpu.memory_space<vmem>>, vector<16xf32>,
        tpu.vector_store %arg14[%swap3A_652, %swap3A_653], %mul3A_651 {strides = array<i32>} : memref<104x64xf32, #tpu.memory_space<vmem>>, vector<16xf32>,
        %get3A_655 = arith.index_cast %scan3A_614 : i32 to index
        %get3A_656 = arith.constant 48 : index
        %get3A_657 = tpu.vector_load %arg12[%get3A_655, %get3A_656] {strides = array<i32>} : memref<104x128xf32, #tpu.memory_space<vmem>>, vector<16xf32>,
        %get3A_658 = arith.index_cast %scan3A_614 : i32 to index
        %get3A_659 = arith.constant 112 : index
        %get3A_660 = tpu.vector_load %arg12[%get3A_658, %get3A_659] {strides = array<i32>} : memref<104x128xf32, #tpu.memory_space<vmem>>, vector<16xf32>,
        %select_n3A_661 = arith.select %gt3A_621, %get3A_660, %get3A_657 : vector<16xi1>, vector<16xf32>
        %mul3A_662 = arith.mulf %select_n3A_661, %get3A_3 : vector<16xf32>
        %swap3A_663 = arith.index_cast %scan3A_614 : i32 to index
        %swap3A_664 = arith.constant 48 : index
        %swap3A_665 = tpu.vector_load %arg14[%swap3A_663, %swap3A_664] {strides = array<i32>} : memref<104x64xf32, #tpu.memory_space<vmem>>, vector<16xf32>,
        tpu.vector_store %arg14[%swap3A_663, %swap3A_664], %mul3A_662 {strides = array<i32>} : memref<104x64xf32, #tpu.memory_space<vmem>>, vector<16xf32>,
      }
      %scan3A_374 = arith.constant 104 : i32
      %mul3A_375 = arith.constant 4 : i32
      %mul3A_376 = arith.muli %add3A_354, %mul3A_375 : i32
      %add3A_377 = arith.addi %mul3A_5, %mul3A_376 : i32
      %add3A_378 = arith.constant 0 : i32
      %add3A_379 = arith.addi %add3A_377, %add3A_378 : i32
      %dma_start3A_380 = arith.constant 0 : i32
      %dma_start3A_381 = arith.constant 0 : i32
      %dma_start3A_382 = tpu.memref_slice %arg14[%dma_start3A_380, %dma_start3A_381] : memref<104x64xf32, #tpu.memory_space<vmem>> -> memref<26x64xf32, #tpu.memory_space<vmem>>
      %dma_start3A_383 = arith.constant 0 : i32
      %dma_start3A_384 = arith.constant 0 : i32
      %dma_start3A_385 = tpu.memref_slice %arg6[%add3A_379, %dma_start3A_383, %dma_start3A_384] : memref<16384x26x64xf32, #tpu.memory_space<hbm>> -> memref<1x26x64xf32, #tpu.memory_space<hbm>>
      %dma_start3A_386 = tpu.memref_squeeze %dma_start3A_385 : memref<1x26x64xf32, #tpu.memory_space<hbm>> -> memref<26x64xf32, #tpu.memory_space<hbm>>
      %dma_start3A_387 = arith.constant 0 : i32
      %dma_start3A_388 = arith.constant 0 : i32
      %dma_start3A_389 = tpu.memref_slice %arg6[%add3A_379, %dma_start3A_387, %dma_start3A_388] : memref<16384x26x64xf32, #tpu.memory_space<hbm>> -> memref<1x26x64xf32, #tpu.memory_space<hbm>>
      %dma_start3A_390 = tpu.memref_squeeze %dma_start3A_389 : memref<1x26x64xf32, #tpu.memory_space<hbm>> -> memref<26x64xf32, #tpu.memory_space<hbm>>
      %dma_start3A_391 = arith.constant 0 : i32
      %dma_start3A_392 = arith.constant 0 : i32
      %dma_start3A_393 = tpu.memref_slice %arg14[%dma_start3A_391, %dma_start3A_392] : memref<104x64xf32, #tpu.memory_space<vmem>> -> memref<26x64xf32, #tpu.memory_space<vmem>>
      tpu.enqueue_dma source(%dma_start3A_393 : memref<26x64xf32, #tpu.memory_space<vmem>>) target(%dma_start3A_390 : memref<26x64xf32, #tpu.memory_space<hbm>>) target_semaphore(%arg20 : memref<!tpu.dma_semaphore, #tpu.memory_space<semaphore_mem>>)
      %mul3A_394 = arith.constant 4 : i32
      %mul3A_395 = arith.muli %add3A_354, %mul3A_394 : i32
      %add3A_396 = arith.addi %mul3A_5, %mul3A_395 : i32
      %add3A_397 = arith.constant 1 : i32
      %add3A_398 = arith.addi %add3A_396, %add3A_397 : i32
      %dma_start3A_399 = arith.constant 26 : i32
      %dma_start3A_400 = arith.constant 0 : i32
      %dma_start3A_401 = tpu.memref_slice %arg14[%dma_start3A_399, %dma_start3A_400] : memref<104x64xf32, #tpu.memory_space<vmem>> -> memref<26x64xf32, #tpu.memory_space<vmem>>
      %dma_start3A_402 = arith.constant 0 : i32
      %dma_start3A_403 = arith.constant 0 : i32
      %dma_start3A_404 = tpu.memref_slice %arg6[%add3A_398, %dma_start3A_402, %dma_start3A_403] : memref<16384x26x64xf32, #tpu.memory_space<hbm>> -> memref<1x26x64xf32, #tpu.memory_space<hbm>>
      %dma_start3A_405 = tpu.memref_squeeze %dma_start3A_404 : memref<1x26x64xf32, #tpu.memory_space<hbm>> -> memref<26x64xf32, #tpu.memory_space<hbm>>
      %dma_start3A_406 = arith.constant 0 : i32
      %dma_start3A_407 = arith.constant 0 : i32
      %dma_start3A_408 = tpu.memref_slice %arg6[%add3A_398, %dma_start3A_406, %dma_start3A_407] : memref<16384x26x64xf32, #tpu.memory_space<hbm>> -> memref<1x26x64xf32, #tpu.memory_space<hbm>>
      %dma_start3A_409 = tpu.memref_squeeze %dma_start3A_408 : memref<1x26x64xf32, #tpu.memory_space<hbm>> -> memref<26x64xf32, #tpu.memory_space<hbm>>
      %dma_start3A_410 = arith.constant 26 : i32
      %dma_start3A_411 = arith.constant 0 : i32
      %dma_start3A_412 = tpu.memref_slice %arg14[%dma_start3A_410, %dma_start3A_411] : memref<104x64xf32, #tpu.memory_space<vmem>> -> memref<26x64xf32, #tpu.memory_space<vmem>>
      tpu.enqueue_dma source(%dma_start3A_412 : memref<26x64xf32, #tpu.memory_space<vmem>>) target(%dma_start3A_409 : memref<26x64xf32, #tpu.memory_space<hbm>>) target_semaphore(%arg20 : memref<!tpu.dma_semaphore, #tpu.memory_space<semaphore_mem>>)
      %mul3A_413 = arith.constant 4 : i32
      %mul3A_414 = arith.muli %add3A_354, %mul3A_413 : i32
      %add3A_415 = arith.addi %mul3A_5, %mul3A_414 : i32
      %add3A_416 = arith.constant 2 : i32
      %add3A_417 = arith.addi %add3A_415, %add3A_416 : i32
      %dma_start3A_418 = arith.constant 52 : i32
      %dma_start3A_419 = arith.constant 0 : i32
      %dma_start3A_420 = tpu.memref_slice %arg14[%dma_start3A_418, %dma_start3A_419] : memref<104x64xf32, #tpu.memory_space<vmem>> -> memref<26x64xf32, #tpu.memory_space<vmem>>
      %dma_start3A_421 = arith.constant 0 : i32
      %dma_start3A_422 = arith.constant 0 : i32
      %dma_start3A_423 = tpu.memref_slice %arg6[%add3A_417, %dma_start3A_421, %dma_start3A_422] : memref<16384x26x64xf32, #tpu.memory_space<hbm>> -> memref<1x26x64xf32, #tpu.memory_space<hbm>>
      %dma_start3A_424 = tpu.memref_squeeze %dma_start3A_423 : memref<1x26x64xf32, #tpu.memory_space<hbm>> -> memref<26x64xf32, #tpu.memory_space<hbm>>
      %dma_start3A_425 = arith.constant 0 : i32
      %dma_start3A_426 = arith.constant 0 : i32
      %dma_start3A_427 = tpu.memref_slice %arg6[%add3A_417, %dma_start3A_425, %dma_start3A_426] : memref<16384x26x64xf32, #tpu.memory_space<hbm>> -> memref<1x26x64xf32, #tpu.memory_space<hbm>>
      %dma_start3A_428 = tpu.memref_squeeze %dma_start3A_427 : memref<1x26x64xf32, #tpu.memory_space<hbm>> -> memref<26x64xf32, #tpu.memory_space<hbm>>
      %dma_start3A_429 = arith.constant 52 : i32
      %dma_start3A_430 = arith.constant 0 : i32
      %dma_start3A_431 = tpu.memref_slice %arg14[%dma_start3A_429, %dma_start3A_430] : memref<104x64xf32, #tpu.memory_space<vmem>> -> memref<26x64xf32, #tpu.memory_space<vmem>>
      tpu.enqueue_dma source(%dma_start3A_431 : memref<26x64xf32, #tpu.memory_space<vmem>>) target(%dma_start3A_428 : memref<26x64xf32, #tpu.memory_space<hbm>>) target_semaphore(%arg20 : memref<!tpu.dma_semaphore, #tpu.memory_space<semaphore_mem>>)
      %mul3A_432 = arith.constant 4 : i32
      %mul3A_433 = arith.muli %add3A_354, %mul3A_432 : i32
      %add3A_434 = arith.addi %mul3A_5, %mul3A_433 : i32
      %add3A_435 = arith.constant 3 : i32
      %add3A_436 = arith.addi %add3A_434, %add3A_435 : i32
      %dma_start3A_437 = arith.constant 78 : i32
      %dma_start3A_438 = arith.constant 0 : i32
      %dma_start3A_439 = tpu.memref_slice %arg14[%dma_start3A_437, %dma_start3A_438] : memref<104x64xf32, #tpu.memory_space<vmem>> -> memref<26x64xf32, #tpu.memory_space<vmem>>
      %dma_start3A_440 = arith.constant 0 : i32
      %dma_start3A_441 = arith.constant 0 : i32
      %dma_start3A_442 = tpu.memref_slice %arg6[%add3A_436, %dma_start3A_440, %dma_start3A_441] : memref<16384x26x64xf32, #tpu.memory_space<hbm>> -> memref<1x26x64xf32, #tpu.memory_space<hbm>>
      %dma_start3A_443 = tpu.memref_squeeze %dma_start3A_442 : memref<1x26x64xf32, #tpu.memory_space<hbm>> -> memref<26x64xf32, #tpu.memory_space<hbm>>
      %dma_start3A_444 = arith.constant 0 : i32
      %dma_start3A_445 = arith.constant 0 : i32
      %dma_start3A_446 = tpu.memref_slice %arg6[%add3A_436, %dma_start3A_444, %dma_start3A_445] : memref<16384x26x64xf32, #tpu.memory_space<hbm>> -> memref<1x26x64xf32, #tpu.memory_space<hbm>>
      %dma_start3A_447 = tpu.memref_squeeze %dma_start3A_446 : memref<1x26x64xf32, #tpu.memory_space<hbm>> -> memref<26x64xf32, #tpu.memory_space<hbm>>
      %dma_start3A_448 = arith.constant 78 : i32
      %dma_start3A_449 = arith.constant 0 : i32
      %dma_start3A_450 = tpu.memref_slice %arg14[%dma_start3A_448, %dma_start3A_449] : memref<104x64xf32, #tpu.memory_space<vmem>> -> memref<26x64xf32, #tpu.memory_space<vmem>>
      tpu.enqueue_dma source(%dma_start3A_450 : memref<26x64xf32, #tpu.memory_space<vmem>>) target(%dma_start3A_447 : memref<26x64xf32, #tpu.memory_space<hbm>>) target_semaphore(%arg20 : memref<!tpu.dma_semaphore, #tpu.memory_space<semaphore_mem>>)
      %add3A_451 = arith.constant 4 : i32
      %add3A_452 = arith.addi %add3A_354, %add3A_451 : i32
      %lt3A_453 = arith.constant 128 : i32
      %lt3A_454 = arith.cmpi slt, %add3A_452, %lt3A_453 : i32
      %convert_element_type3A_455 = arith.extui %lt3A_454 : i1 to i32
      %cond3A_456 = arith.constant 0 : i32
      %cond3A_457 = arith.cmpi ne, %convert_element_type3A_455, %cond3A_456 : i32
      scf.if %cond3A_457 {
        %add3A_565 = arith.constant 4 : i32
        %add3A_566 = arith.addi %add3A_354, %add3A_565 : i32
        %mul3A_567 = arith.constant 104 : i32
        %mul3A_568 = arith.muli %add3A_566, %mul3A_567 : i32
        %dma_start3A_569 = tpu.memref_slice %arg7[%mul3A_568] : memref<13312xi32, #tpu.memory_space<vmem>> -> memref<104xi32, #tpu.memory_space<vmem>>
        %dma_start3A_570 = arith.constant 0 : i32
        %dma_start3A_571 = arith.constant 0 : i32
        %dma_start3A_572 = tpu.memref_slice %arg2[%dma_start3A_570, %dma_start3A_571] : memref<500000x128xf32, #tpu.memory_space<hbm>> -> memref<500000x128xf32, #tpu.memory_space<hbm>>
        tpu.enqueue_indirect_dma source(%dma_start3A_572 : memref<500000x128xf32, #tpu.memory_space<hbm>>) target(%arg12 : memref<104x128xf32, #tpu.memory_space<vmem>>) offsets(%dma_start3A_569 : memref<104xi32, #tpu.memory_space<vmem>>) semaphore(%arg18 : memref<!tpu.dma_semaphore, #tpu.memory_space<semaphore_mem>>)
      } else {
      }
      %mul3A_458 = arith.constant 4 : i32
      %mul3A_459 = arith.muli %scan3A_141, %mul3A_458 : i32
      %add3A_460 = arith.constant 3 : i32
      %add3A_461 = arith.addi %mul3A_459, %add3A_460 : i32
      %dma_wait3A_462 = arith.constant 0 : i32
      %dma_wait3A_463 = tpu.memref_slice %arg7[%dma_wait3A_462] : memref<13312xi32, #tpu.memory_space<vmem>> -> memref<104xi32, #tpu.memory_space<vmem>>
      %dma_wait3A_464 = arith.constant 0 : i32
      %dma_wait3A_465 = arith.constant 0 : i32
      %dma_wait3A_466 = tpu.memref_slice %arg2[%dma_wait3A_464, %dma_wait3A_465] : memref<500000x128xf32, #tpu.memory_space<hbm>> -> memref<500000x128xf32, #tpu.memory_space<hbm>>
      tpu.wait_indirect_dma semaphore(%arg19 : memref<!tpu.dma_semaphore, #tpu.memory_space<semaphore_mem>>) src(%dma_wait3A_466 : memref<500000x128xf32, #tpu.memory_space<hbm>>) dst(%arg13 : memref<104x128xf32, #tpu.memory_space<vmem>>)
      %gt3A_467 = arith.constant 0 : i32
      %gt3A_468 = arith.cmpi sgt, %scan3A_141, %gt3A_467 : i32
      %or3A_469 = arith.constant true
      %or3A_470 = arith.ori %gt3A_468, %or3A_469 : i1
      %convert_element_type3A_471 = arith.extui %or3A_470 : i1 to i32
      %cond3A_472 = arith.constant 0 : i32
      %cond3A_473 = arith.cmpi ne, %convert_element_type3A_471, %cond3A_472 : i32
      scf.if %cond3A_473 {
        %dma_wait3A_565 = arith.constant 0 : i32
        %dma_wait3A_566 = arith.constant 0 : i32
        %dma_wait3A_567 = tpu.memref_slice %arg15[%dma_wait3A_565, %dma_wait3A_566] : memref<104x64xf32, #tpu.memory_space<vmem>> -> memref<26x64xf32, #tpu.memory_space<vmem>>
        %dma_wait3A_568 = arith.constant 0 : i32
        %dma_wait3A_569 = arith.constant 0 : i32
        %dma_wait3A_570 = tpu.memref_slice %arg6[%mul3A_5, %dma_wait3A_568, %dma_wait3A_569] : memref<16384x26x64xf32, #tpu.memory_space<hbm>> -> memref<1x26x64xf32, #tpu.memory_space<hbm>>
        %dma_wait3A_571 = tpu.memref_squeeze %dma_wait3A_570 : memref<1x26x64xf32, #tpu.memory_space<hbm>> -> memref<26x64xf32, #tpu.memory_space<hbm>>
        %dma_wait3A_572 = arith.constant 0 : i32
        %dma_wait3A_573 = arith.constant 0 : i32
        %dma_wait3A_574 = tpu.memref_slice %arg6[%mul3A_5, %dma_wait3A_572, %dma_wait3A_573] : memref<16384x26x64xf32, #tpu.memory_space<hbm>> -> memref<1x26x64xf32, #tpu.memory_space<hbm>>
        %dma_wait3A_575 = tpu.memref_squeeze %dma_wait3A_574 : memref<1x26x64xf32, #tpu.memory_space<hbm>> -> memref<26x64xf32, #tpu.memory_space<hbm>>
        %dma_wait3A_576 = arith.constant 0 : i32
        %dma_wait3A_577 = arith.constant 0 : i32
        %dma_wait3A_578 = tpu.memref_slice %arg15[%dma_wait3A_576, %dma_wait3A_577] : memref<104x64xf32, #tpu.memory_space<vmem>> -> memref<26x64xf32, #tpu.memory_space<vmem>>
        tpu.wait_dma2 semaphore(%arg21 : memref<!tpu.dma_semaphore, #tpu.memory_space<semaphore_mem>>) src(%dma_wait3A_578 : memref<26x64xf32, #tpu.memory_space<vmem>>) dst(%dma_wait3A_575 : memref<26x64xf32, #tpu.memory_space<hbm>>)
        %dma_wait3A_579 = arith.constant 0 : i32
        %dma_wait3A_580 = arith.constant 0 : i32
        %dma_wait3A_581 = tpu.memref_slice %arg15[%dma_wait3A_579, %dma_wait3A_580] : memref<104x64xf32, #tpu.memory_space<vmem>> -> memref<26x64xf32, #tpu.memory_space<vmem>>
        %dma_wait3A_582 = arith.constant 0 : i32
        %dma_wait3A_583 = arith.constant 0 : i32
        %dma_wait3A_584 = tpu.memref_slice %arg6[%mul3A_5, %dma_wait3A_582, %dma_wait3A_583] : memref<16384x26x64xf32, #tpu.memory_space<hbm>> -> memref<1x26x64xf32, #tpu.memory_space<hbm>>
        %dma_wait3A_585 = tpu.memref_squeeze %dma_wait3A_584 : memref<1x26x64xf32, #tpu.memory_space<hbm>> -> memref<26x64xf32, #tpu.memory_space<hbm>>
        %dma_wait3A_586 = arith.constant 0 : i32
        %dma_wait3A_587 = arith.constant 0 : i32
        %dma_wait3A_588 = tpu.memref_slice %arg6[%mul3A_5, %dma_wait3A_586, %dma_wait3A_587] : memref<16384x26x64xf32, #tpu.memory_space<hbm>> -> memref<1x26x64xf32, #tpu.memory_space<hbm>>
        %dma_wait3A_589 = tpu.memref_squeeze %dma_wait3A_588 : memref<1x26x64xf32, #tpu.memory_space<hbm>> -> memref<26x64xf32, #tpu.memory_space<hbm>>
        %dma_wait3A_590 = arith.constant 0 : i32
        %dma_wait3A_591 = arith.constant 0 : i32
        %dma_wait3A_592 = tpu.memref_slice %arg15[%dma_wait3A_590, %dma_wait3A_591] : memref<104x64xf32, #tpu.memory_space<vmem>> -> memref<26x64xf32, #tpu.memory_space<vmem>>
        tpu.wait_dma2 semaphore(%arg21 : memref<!tpu.dma_semaphore, #tpu.memory_space<semaphore_mem>>) src(%dma_wait3A_592 : memref<26x64xf32, #tpu.memory_space<vmem>>) dst(%dma_wait3A_589 : memref<26x64xf32, #tpu.memory_space<hbm>>)
        %dma_wait3A_593 = arith.constant 0 : i32
        %dma_wait3A_594 = arith.constant 0 : i32
        %dma_wait3A_595 = tpu.memref_slice %arg15[%dma_wait3A_593, %dma_wait3A_594] : memref<104x64xf32, #tpu.memory_space<vmem>> -> memref<26x64xf32, #tpu.memory_space<vmem>>
        %dma_wait3A_596 = arith.constant 0 : i32
        %dma_wait3A_597 = arith.constant 0 : i32
        %dma_wait3A_598 = tpu.memref_slice %arg6[%mul3A_5, %dma_wait3A_596, %dma_wait3A_597] : memref<16384x26x64xf32, #tpu.memory_space<hbm>> -> memref<1x26x64xf32, #tpu.memory_space<hbm>>
        %dma_wait3A_599 = tpu.memref_squeeze %dma_wait3A_598 : memref<1x26x64xf32, #tpu.memory_space<hbm>> -> memref<26x64xf32, #tpu.memory_space<hbm>>
        %dma_wait3A_600 = arith.constant 0 : i32
        %dma_wait3A_601 = arith.constant 0 : i32
        %dma_wait3A_602 = tpu.memref_slice %arg6[%mul3A_5, %dma_wait3A_600, %dma_wait3A_601] : memref<16384x26x64xf32, #tpu.memory_space<hbm>> -> memref<1x26x64xf32, #tpu.memory_space<hbm>>
        %dma_wait3A_603 = tpu.memref_squeeze %dma_wait3A_602 : memref<1x26x64xf32, #tpu.memory_space<hbm>> -> memref<26x64xf32, #tpu.memory_space<hbm>>
        %dma_wait3A_604 = arith.constant 0 : i32
        %dma_wait3A_605 = arith.constant 0 : i32
        %dma_wait3A_606 = tpu.memref_slice %arg15[%dma_wait3A_604, %dma_wait3A_605] : memref<104x64xf32, #tpu.memory_space<vmem>> -> memref<26x64xf32, #tpu.memory_space<vmem>>
        tpu.wait_dma2 semaphore(%arg21 : memref<!tpu.dma_semaphore, #tpu.memory_space<semaphore_mem>>) src(%dma_wait3A_606 : memref<26x64xf32, #tpu.memory_space<vmem>>) dst(%dma_wait3A_603 : memref<26x64xf32, #tpu.memory_space<hbm>>)
        %dma_wait3A_607 = arith.constant 0 : i32
        %dma_wait3A_608 = arith.constant 0 : i32
        %dma_wait3A_609 = tpu.memref_slice %arg15[%dma_wait3A_607, %dma_wait3A_608] : memref<104x64xf32, #tpu.memory_space<vmem>> -> memref<26x64xf32, #tpu.memory_space<vmem>>
        %dma_wait3A_610 = arith.constant 0 : i32
        %dma_wait3A_611 = arith.constant 0 : i32
        %dma_wait3A_612 = tpu.memref_slice %arg6[%mul3A_5, %dma_wait3A_610, %dma_wait3A_611] : memref<16384x26x64xf32, #tpu.memory_space<hbm>> -> memref<1x26x64xf32, #tpu.memory_space<hbm>>
        %dma_wait3A_613 = tpu.memref_squeeze %dma_wait3A_612 : memref<1x26x64xf32, #tpu.memory_space<hbm>> -> memref<26x64xf32, #tpu.memory_space<hbm>>
        %dma_wait3A_614 = arith.constant 0 : i32
        %dma_wait3A_615 = arith.constant 0 : i32
        %dma_wait3A_616 = tpu.memref_slice %arg6[%mul3A_5, %dma_wait3A_614, %dma_wait3A_615] : memref<16384x26x64xf32, #tpu.memory_space<hbm>> -> memref<1x26x64xf32, #tpu.memory_space<hbm>>
        %dma_wait3A_617 = tpu.memref_squeeze %dma_wait3A_616 : memref<1x26x64xf32, #tpu.memory_space<hbm>> -> memref<26x64xf32, #tpu.memory_space<hbm>>
        %dma_wait3A_618 = arith.constant 0 : i32
        %dma_wait3A_619 = arith.constant 0 : i32
        %dma_wait3A_620 = tpu.memref_slice %arg15[%dma_wait3A_618, %dma_wait3A_619] : memref<104x64xf32, #tpu.memory_space<vmem>> -> memref<26x64xf32, #tpu.memory_space<vmem>>
        tpu.wait_dma2 semaphore(%arg21 : memref<!tpu.dma_semaphore, #tpu.memory_space<semaphore_mem>>) src(%dma_wait3A_620 : memref<26x64xf32, #tpu.memory_space<vmem>>) dst(%dma_wait3A_617 : memref<26x64xf32, #tpu.memory_space<hbm>>)
      } else {
      }
      %mul3A_474 = arith.constant 104 : i32
      %mul3A_475 = arith.muli %add3A_461, %mul3A_474 : i32
      %scan3A_476 = arith.constant 0 : i32
      %scan3A_477 = arith.constant 0 : i32
      %scan3A_478 = arith.constant 104 : i32
      %scan3A_479 = arith.addi %scan3A_477, %scan3A_478 : i32
      %scan3A_480 = arith.constant 2 : i32
      scf.for %scan3A_565 = %scan3A_477 to %scan3A_479 step %scan3A_480  : i32 {
        %broadcast_in_dim3A = vector.broadcast %mul3A_475 : i32 to vector<16xi32>
        %add3A_566 = vector.broadcast %scan3A_565 : i32 to vector<16xi32>
        %add3A_567 = arith.addi %broadcast_in_dim3A, %add3A_566 : vector<16xi32>
        %gather3A = tpu.vector_load_idx %arg8[%add3A_567] : memref<13312xi32, #tpu.memory_space<vmem>>[vector<16xi32>], vector<16xi32>,
        %gt3A_568 = arith.constant 0 : i32
        %gt3A_569 = vector.broadcast %gt3A_568 : i32 to vector<16xi32>
        %gt3A_570 = arith.cmpi sgt, %gather3A, %gt3A_569 : vector<16xi32>
        %get3A_571 = arith.index_cast %scan3A_565 : i32 to index
        %get3A_572 = arith.constant 0 : index
        %get3A_573 = tpu.vector_load %arg13[%get3A_571, %get3A_572] {strides = array<i32>} : memref<104x128xf32, #tpu.memory_space<vmem>>, vector<16xf32>,
        %get3A_574 = arith.index_cast %scan3A_565 : i32 to index
        %get3A_575 = arith.constant 64 : index
        %get3A_576 = tpu.vector_load %arg13[%get3A_574, %get3A_575] {strides = array<i32>} : memref<104x128xf32, #tpu.memory_space<vmem>>, vector<16xf32>,
        %select_n3A = arith.select %gt3A_570, %get3A_576, %get3A_573 : vector<16xi1>, vector<16xf32>
        %mul3A_577 = arith.mulf %select_n3A, %get3A_3 : vector<16xf32>
        %swap3A = arith.index_cast %scan3A_565 : i32 to index
        %swap3A_578 = arith.constant 0 : index
        %swap3A_579 = tpu.vector_load %arg15[%swap3A, %swap3A_578] {strides = array<i32>} : memref<104x64xf32, #tpu.memory_space<vmem>>, vector<16xf32>,
        tpu.vector_store %arg15[%swap3A, %swap3A_578], %mul3A_577 {strides = array<i32>} : memref<104x64xf32, #tpu.memory_space<vmem>>, vector<16xf32>,
        %get3A_580 = arith.index_cast %scan3A_565 : i32 to index
        %get3A_581 = arith.constant 16 : index
        %get3A_582 = tpu.vector_load %arg13[%get3A_580, %get3A_581] {strides = array<i32>} : memref<104x128xf32, #tpu.memory_space<vmem>>, vector<16xf32>,
        %get3A_583 = arith.index_cast %scan3A_565 : i32 to index
        %get3A_584 = arith.constant 80 : index
        %get3A_585 = tpu.vector_load %arg13[%get3A_583, %get3A_584] {strides = array<i32>} : memref<104x128xf32, #tpu.memory_space<vmem>>, vector<16xf32>,
        %select_n3A_586 = arith.select %gt3A_570, %get3A_585, %get3A_582 : vector<16xi1>, vector<16xf32>
        %mul3A_587 = arith.mulf %select_n3A_586, %get3A_3 : vector<16xf32>
        %swap3A_588 = arith.index_cast %scan3A_565 : i32 to index
        %swap3A_589 = arith.constant 16 : index
        %swap3A_590 = tpu.vector_load %arg15[%swap3A_588, %swap3A_589] {strides = array<i32>} : memref<104x64xf32, #tpu.memory_space<vmem>>, vector<16xf32>,
        tpu.vector_store %arg15[%swap3A_588, %swap3A_589], %mul3A_587 {strides = array<i32>} : memref<104x64xf32, #tpu.memory_space<vmem>>, vector<16xf32>,
        %get3A_591 = arith.index_cast %scan3A_565 : i32 to index
        %get3A_592 = arith.constant 32 : index
        %get3A_593 = tpu.vector_load %arg13[%get3A_591, %get3A_592] {strides = array<i32>} : memref<104x128xf32, #tpu.memory_space<vmem>>, vector<16xf32>,
        %get3A_594 = arith.index_cast %scan3A_565 : i32 to index
        %get3A_595 = arith.constant 96 : index
        %get3A_596 = tpu.vector_load %arg13[%get3A_594, %get3A_595] {strides = array<i32>} : memref<104x128xf32, #tpu.memory_space<vmem>>, vector<16xf32>,
        %select_n3A_597 = arith.select %gt3A_570, %get3A_596, %get3A_593 : vector<16xi1>, vector<16xf32>
        %mul3A_598 = arith.mulf %select_n3A_597, %get3A_3 : vector<16xf32>
        %swap3A_599 = arith.index_cast %scan3A_565 : i32 to index
        %swap3A_600 = arith.constant 32 : index
        %swap3A_601 = tpu.vector_load %arg15[%swap3A_599, %swap3A_600] {strides = array<i32>} : memref<104x64xf32, #tpu.memory_space<vmem>>, vector<16xf32>,
        tpu.vector_store %arg15[%swap3A_599, %swap3A_600], %mul3A_598 {strides = array<i32>} : memref<104x64xf32, #tpu.memory_space<vmem>>, vector<16xf32>,
        %get3A_602 = arith.index_cast %scan3A_565 : i32 to index
        %get3A_603 = arith.constant 48 : index
        %get3A_604 = tpu.vector_load %arg13[%get3A_602, %get3A_603] {strides = array<i32>} : memref<104x128xf32, #tpu.memory_space<vmem>>, vector<16xf32>,
        %get3A_605 = arith.index_cast %scan3A_565 : i32 to index
        %get3A_606 = arith.constant 112 : index
        %get3A_607 = tpu.vector_load %arg13[%get3A_605, %get3A_606] {strides = array<i32>} : memref<104x128xf32, #tpu.memory_space<vmem>>, vector<16xf32>,
        %select_n3A_608 = arith.select %gt3A_570, %get3A_607, %get3A_604 : vector<16xi1>, vector<16xf32>
        %mul3A_609 = arith.mulf %select_n3A_608, %get3A_3 : vector<16xf32>
        %swap3A_610 = arith.index_cast %scan3A_565 : i32 to index
        %swap3A_611 = arith.constant 48 : index
        %swap3A_612 = tpu.vector_load %arg15[%swap3A_610, %swap3A_611] {strides = array<i32>} : memref<104x64xf32, #tpu.memory_space<vmem>>, vector<16xf32>,
        tpu.vector_store %arg15[%swap3A_610, %swap3A_611], %mul3A_609 {strides = array<i32>} : memref<104x64xf32, #tpu.memory_space<vmem>>, vector<16xf32>,
        %scan3A_613 = arith.constant 1 : i32
        %scan3A_614 = arith.addi %scan3A_565, %scan3A_613 : i32
        %broadcast_in_dim3A_615 = vector.broadcast %mul3A_475 : i32 to vector<16xi32>
        %add3A_616 = vector.broadcast %scan3A_614 : i32 to vector<16xi32>
        %add3A_617 = arith.addi %broadcast_in_dim3A_615, %add3A_616 : vector<16xi32>
        %gather3A_618 = tpu.vector_load_idx %arg8[%add3A_617] : memref<13312xi32, #tpu.memory_space<vmem>>[vector<16xi32>], vector<16xi32>,
        %gt3A_619 = arith.constant 0 : i32
        %gt3A_620 = vector.broadcast %gt3A_619 : i32 to vector<16xi32>
        %gt3A_621 = arith.cmpi sgt, %gather3A_618, %gt3A_620 : vector<16xi32>
        %get3A_622 = arith.index_cast %scan3A_614 : i32 to index
        %get3A_623 = arith.constant 0 : index
        %get3A_624 = tpu.vector_load %arg13[%get3A_622, %get3A_623] {strides = array<i32>} : memref<104x128xf32, #tpu.memory_space<vmem>>, vector<16xf32>,
        %get3A_625 = arith.index_cast %scan3A_614 : i32 to index
        %get3A_626 = arith.constant 64 : index
        %get3A_627 = tpu.vector_load %arg13[%get3A_625, %get3A_626] {strides = array<i32>} : memref<104x128xf32, #tpu.memory_space<vmem>>, vector<16xf32>,
        %select_n3A_628 = arith.select %gt3A_621, %get3A_627, %get3A_624 : vector<16xi1>, vector<16xf32>
        %mul3A_629 = arith.mulf %select_n3A_628, %get3A_3 : vector<16xf32>
        %swap3A_630 = arith.index_cast %scan3A_614 : i32 to index
        %swap3A_631 = arith.constant 0 : index
        %swap3A_632 = tpu.vector_load %arg15[%swap3A_630, %swap3A_631] {strides = array<i32>} : memref<104x64xf32, #tpu.memory_space<vmem>>, vector<16xf32>,
        tpu.vector_store %arg15[%swap3A_630, %swap3A_631], %mul3A_629 {strides = array<i32>} : memref<104x64xf32, #tpu.memory_space<vmem>>, vector<16xf32>,
        %get3A_633 = arith.index_cast %scan3A_614 : i32 to index
        %get3A_634 = arith.constant 16 : index
        %get3A_635 = tpu.vector_load %arg13[%get3A_633, %get3A_634] {strides = array<i32>} : memref<104x128xf32, #tpu.memory_space<vmem>>, vector<16xf32>,
        %get3A_636 = arith.index_cast %scan3A_614 : i32 to index
        %get3A_637 = arith.constant 80 : index
        %get3A_638 = tpu.vector_load %arg13[%get3A_636, %get3A_637] {strides = array<i32>} : memref<104x128xf32, #tpu.memory_space<vmem>>, vector<16xf32>,
        %select_n3A_639 = arith.select %gt3A_621, %get3A_638, %get3A_635 : vector<16xi1>, vector<16xf32>
        %mul3A_640 = arith.mulf %select_n3A_639, %get3A_3 : vector<16xf32>
        %swap3A_641 = arith.index_cast %scan3A_614 : i32 to index
        %swap3A_642 = arith.constant 16 : index
        %swap3A_643 = tpu.vector_load %arg15[%swap3A_641, %swap3A_642] {strides = array<i32>} : memref<104x64xf32, #tpu.memory_space<vmem>>, vector<16xf32>,
        tpu.vector_store %arg15[%swap3A_641, %swap3A_642], %mul3A_640 {strides = array<i32>} : memref<104x64xf32, #tpu.memory_space<vmem>>, vector<16xf32>,
        %get3A_644 = arith.index_cast %scan3A_614 : i32 to index
        %get3A_645 = arith.constant 32 : index
        %get3A_646 = tpu.vector_load %arg13[%get3A_644, %get3A_645] {strides = array<i32>} : memref<104x128xf32, #tpu.memory_space<vmem>>, vector<16xf32>,
        %get3A_647 = arith.index_cast %scan3A_614 : i32 to index
        %get3A_648 = arith.constant 96 : index
        %get3A_649 = tpu.vector_load %arg13[%get3A_647, %get3A_648] {strides = array<i32>} : memref<104x128xf32, #tpu.memory_space<vmem>>, vector<16xf32>,
        %select_n3A_650 = arith.select %gt3A_621, %get3A_649, %get3A_646 : vector<16xi1>, vector<16xf32>
        %mul3A_651 = arith.mulf %select_n3A_650, %get3A_3 : vector<16xf32>
        %swap3A_652 = arith.index_cast %scan3A_614 : i32 to index
        %swap3A_653 = arith.constant 32 : index
        %swap3A_654 = tpu.vector_load %arg15[%swap3A_652, %swap3A_653] {strides = array<i32>} : memref<104x64xf32, #tpu.memory_space<vmem>>, vector<16xf32>,
        tpu.vector_store %arg15[%swap3A_652, %swap3A_653], %mul3A_651 {strides = array<i32>} : memref<104x64xf32, #tpu.memory_space<vmem>>, vector<16xf32>,
        %get3A_655 = arith.index_cast %scan3A_614 : i32 to index
        %get3A_656 = arith.constant 48 : index
        %get3A_657 = tpu.vector_load %arg13[%get3A_655, %get3A_656] {strides = array<i32>} : memref<104x128xf32, #tpu.memory_space<vmem>>, vector<16xf32>,
        %get3A_658 = arith.index_cast %scan3A_614 : i32 to index
        %get3A_659 = arith.constant 112 : index
        %get3A_660 = tpu.vector_load %arg13[%get3A_658, %get3A_659] {strides = array<i32>} : memref<104x128xf32, #tpu.memory_space<vmem>>, vector<16xf32>,
        %select_n3A_661 = arith.select %gt3A_621, %get3A_660, %get3A_657 : vector<16xi1>, vector<16xf32>
        %mul3A_662 = arith.mulf %select_n3A_661, %get3A_3 : vector<16xf32>
        %swap3A_663 = arith.index_cast %scan3A_614 : i32 to index
        %swap3A_664 = arith.constant 48 : index
        %swap3A_665 = tpu.vector_load %arg15[%swap3A_663, %swap3A_664] {strides = array<i32>} : memref<104x64xf32, #tpu.memory_space<vmem>>, vector<16xf32>,
        tpu.vector_store %arg15[%swap3A_663, %swap3A_664], %mul3A_662 {strides = array<i32>} : memref<104x64xf32, #tpu.memory_space<vmem>>, vector<16xf32>,
      }
      %scan3A_481 = arith.constant 104 : i32
      %mul3A_482 = arith.constant 4 : i32
      %mul3A_483 = arith.muli %add3A_461, %mul3A_482 : i32
      %add3A_484 = arith.addi %mul3A_5, %mul3A_483 : i32
      %add3A_485 = arith.constant 0 : i32
      %add3A_486 = arith.addi %add3A_484, %add3A_485 : i32
      %dma_start3A_487 = arith.constant 0 : i32
      %dma_start3A_488 = arith.constant 0 : i32
      %dma_start3A_489 = tpu.memref_slice %arg15[%dma_start3A_487, %dma_start3A_488] : memref<104x64xf32, #tpu.memory_space<vmem>> -> memref<26x64xf32, #tpu.memory_space<vmem>>
      %dma_start3A_490 = arith.constant 0 : i32
      %dma_start3A_491 = arith.constant 0 : i32
      %dma_start3A_492 = tpu.memref_slice %arg6[%add3A_486, %dma_start3A_490, %dma_start3A_491] : memref<16384x26x64xf32, #tpu.memory_space<hbm>> -> memref<1x26x64xf32, #tpu.memory_space<hbm>>
      %dma_start3A_493 = tpu.memref_squeeze %dma_start3A_492 : memref<1x26x64xf32, #tpu.memory_space<hbm>> -> memref<26x64xf32, #tpu.memory_space<hbm>>
      %dma_start3A_494 = arith.constant 0 : i32
      %dma_start3A_495 = arith.constant 0 : i32
      %dma_start3A_496 = tpu.memref_slice %arg6[%add3A_486, %dma_start3A_494, %dma_start3A_495] : memref<16384x26x64xf32, #tpu.memory_space<hbm>> -> memref<1x26x64xf32, #tpu.memory_space<hbm>>
      %dma_start3A_497 = tpu.memref_squeeze %dma_start3A_496 : memref<1x26x64xf32, #tpu.memory_space<hbm>> -> memref<26x64xf32, #tpu.memory_space<hbm>>
      %dma_start3A_498 = arith.constant 0 : i32
      %dma_start3A_499 = arith.constant 0 : i32
      %dma_start3A_500 = tpu.memref_slice %arg15[%dma_start3A_498, %dma_start3A_499] : memref<104x64xf32, #tpu.memory_space<vmem>> -> memref<26x64xf32, #tpu.memory_space<vmem>>
      tpu.enqueue_dma source(%dma_start3A_500 : memref<26x64xf32, #tpu.memory_space<vmem>>) target(%dma_start3A_497 : memref<26x64xf32, #tpu.memory_space<hbm>>) target_semaphore(%arg21 : memref<!tpu.dma_semaphore, #tpu.memory_space<semaphore_mem>>)
      %mul3A_501 = arith.constant 4 : i32
      %mul3A_502 = arith.muli %add3A_461, %mul3A_501 : i32
      %add3A_503 = arith.addi %mul3A_5, %mul3A_502 : i32
      %add3A_504 = arith.constant 1 : i32
      %add3A_505 = arith.addi %add3A_503, %add3A_504 : i32
      %dma_start3A_506 = arith.constant 26 : i32
      %dma_start3A_507 = arith.constant 0 : i32
      %dma_start3A_508 = tpu.memref_slice %arg15[%dma_start3A_506, %dma_start3A_507] : memref<104x64xf32, #tpu.memory_space<vmem>> -> memref<26x64xf32, #tpu.memory_space<vmem>>
      %dma_start3A_509 = arith.constant 0 : i32
      %dma_start3A_510 = arith.constant 0 : i32
      %dma_start3A_511 = tpu.memref_slice %arg6[%add3A_505, %dma_start3A_509, %dma_start3A_510] : memref<16384x26x64xf32, #tpu.memory_space<hbm>> -> memref<1x26x64xf32, #tpu.memory_space<hbm>>
      %dma_start3A_512 = tpu.memref_squeeze %dma_start3A_511 : memref<1x26x64xf32, #tpu.memory_space<hbm>> -> memref<26x64xf32, #tpu.memory_space<hbm>>
      %dma_start3A_513 = arith.constant 0 : i32
      %dma_start3A_514 = arith.constant 0 : i32
      %dma_start3A_515 = tpu.memref_slice %arg6[%add3A_505, %dma_start3A_513, %dma_start3A_514] : memref<16384x26x64xf32, #tpu.memory_space<hbm>> -> memref<1x26x64xf32, #tpu.memory_space<hbm>>
      %dma_start3A_516 = tpu.memref_squeeze %dma_start3A_515 : memref<1x26x64xf32, #tpu.memory_space<hbm>> -> memref<26x64xf32, #tpu.memory_space<hbm>>
      %dma_start3A_517 = arith.constant 26 : i32
      %dma_start3A_518 = arith.constant 0 : i32
      %dma_start3A_519 = tpu.memref_slice %arg15[%dma_start3A_517, %dma_start3A_518] : memref<104x64xf32, #tpu.memory_space<vmem>> -> memref<26x64xf32, #tpu.memory_space<vmem>>
      tpu.enqueue_dma source(%dma_start3A_519 : memref<26x64xf32, #tpu.memory_space<vmem>>) target(%dma_start3A_516 : memref<26x64xf32, #tpu.memory_space<hbm>>) target_semaphore(%arg21 : memref<!tpu.dma_semaphore, #tpu.memory_space<semaphore_mem>>)
      %mul3A_520 = arith.constant 4 : i32
      %mul3A_521 = arith.muli %add3A_461, %mul3A_520 : i32
      %add3A_522 = arith.addi %mul3A_5, %mul3A_521 : i32
      %add3A_523 = arith.constant 2 : i32
      %add3A_524 = arith.addi %add3A_522, %add3A_523 : i32
      %dma_start3A_525 = arith.constant 52 : i32
      %dma_start3A_526 = arith.constant 0 : i32
      %dma_start3A_527 = tpu.memref_slice %arg15[%dma_start3A_525, %dma_start3A_526] : memref<104x64xf32, #tpu.memory_space<vmem>> -> memref<26x64xf32, #tpu.memory_space<vmem>>
      %dma_start3A_528 = arith.constant 0 : i32
      %dma_start3A_529 = arith.constant 0 : i32
      %dma_start3A_530 = tpu.memref_slice %arg6[%add3A_524, %dma_start3A_528, %dma_start3A_529] : memref<16384x26x64xf32, #tpu.memory_space<hbm>> -> memref<1x26x64xf32, #tpu.memory_space<hbm>>
      %dma_start3A_531 = tpu.memref_squeeze %dma_start3A_530 : memref<1x26x64xf32, #tpu.memory_space<hbm>> -> memref<26x64xf32, #tpu.memory_space<hbm>>
      %dma_start3A_532 = arith.constant 0 : i32
      %dma_start3A_533 = arith.constant 0 : i32
      %dma_start3A_534 = tpu.memref_slice %arg6[%add3A_524, %dma_start3A_532, %dma_start3A_533] : memref<16384x26x64xf32, #tpu.memory_space<hbm>> -> memref<1x26x64xf32, #tpu.memory_space<hbm>>
      %dma_start3A_535 = tpu.memref_squeeze %dma_start3A_534 : memref<1x26x64xf32, #tpu.memory_space<hbm>> -> memref<26x64xf32, #tpu.memory_space<hbm>>
      %dma_start3A_536 = arith.constant 52 : i32
      %dma_start3A_537 = arith.constant 0 : i32
      %dma_start3A_538 = tpu.memref_slice %arg15[%dma_start3A_536, %dma_start3A_537] : memref<104x64xf32, #tpu.memory_space<vmem>> -> memref<26x64xf32, #tpu.memory_space<vmem>>
      tpu.enqueue_dma source(%dma_start3A_538 : memref<26x64xf32, #tpu.memory_space<vmem>>) target(%dma_start3A_535 : memref<26x64xf32, #tpu.memory_space<hbm>>) target_semaphore(%arg21 : memref<!tpu.dma_semaphore, #tpu.memory_space<semaphore_mem>>)
      %mul3A_539 = arith.constant 4 : i32
      %mul3A_540 = arith.muli %add3A_461, %mul3A_539 : i32
      %add3A_541 = arith.addi %mul3A_5, %mul3A_540 : i32
      %add3A_542 = arith.constant 3 : i32
      %add3A_543 = arith.addi %add3A_541, %add3A_542 : i32
      %dma_start3A_544 = arith.constant 78 : i32
      %dma_start3A_545 = arith.constant 0 : i32
      %dma_start3A_546 = tpu.memref_slice %arg15[%dma_start3A_544, %dma_start3A_545] : memref<104x64xf32, #tpu.memory_space<vmem>> -> memref<26x64xf32, #tpu.memory_space<vmem>>
      %dma_start3A_547 = arith.constant 0 : i32
      %dma_start3A_548 = arith.constant 0 : i32
      %dma_start3A_549 = tpu.memref_slice %arg6[%add3A_543, %dma_start3A_547, %dma_start3A_548] : memref<16384x26x64xf32, #tpu.memory_space<hbm>> -> memref<1x26x64xf32, #tpu.memory_space<hbm>>
      %dma_start3A_550 = tpu.memref_squeeze %dma_start3A_549 : memref<1x26x64xf32, #tpu.memory_space<hbm>> -> memref<26x64xf32, #tpu.memory_space<hbm>>
      %dma_start3A_551 = arith.constant 0 : i32
      %dma_start3A_552 = arith.constant 0 : i32
      %dma_start3A_553 = tpu.memref_slice %arg6[%add3A_543, %dma_start3A_551, %dma_start3A_552] : memref<16384x26x64xf32, #tpu.memory_space<hbm>> -> memref<1x26x64xf32, #tpu.memory_space<hbm>>
      %dma_start3A_554 = tpu.memref_squeeze %dma_start3A_553 : memref<1x26x64xf32, #tpu.memory_space<hbm>> -> memref<26x64xf32, #tpu.memory_space<hbm>>
      %dma_start3A_555 = arith.constant 78 : i32
      %dma_start3A_556 = arith.constant 0 : i32
      %dma_start3A_557 = tpu.memref_slice %arg15[%dma_start3A_555, %dma_start3A_556] : memref<104x64xf32, #tpu.memory_space<vmem>> -> memref<26x64xf32, #tpu.memory_space<vmem>>
      tpu.enqueue_dma source(%dma_start3A_557 : memref<26x64xf32, #tpu.memory_space<vmem>>) target(%dma_start3A_554 : memref<26x64xf32, #tpu.memory_space<hbm>>) target_semaphore(%arg21 : memref<!tpu.dma_semaphore, #tpu.memory_space<semaphore_mem>>)
      %add3A_558 = arith.constant 4 : i32
      %add3A_559 = arith.addi %add3A_461, %add3A_558 : i32
      %lt3A_560 = arith.constant 128 : i32
      %lt3A_561 = arith.cmpi slt, %add3A_559, %lt3A_560 : i32
      %convert_element_type3A_562 = arith.extui %lt3A_561 : i1 to i32
      %cond3A_563 = arith.constant 0 : i32
      %cond3A_564 = arith.cmpi ne, %convert_element_type3A_562, %cond3A_563 : i32
      scf.if %cond3A_564 {
        %add3A_565 = arith.constant 4 : i32
        %add3A_566 = arith.addi %add3A_461, %add3A_565 : i32
        %mul3A_567 = arith.constant 104 : i32
        %mul3A_568 = arith.muli %add3A_566, %mul3A_567 : i32
        %dma_start3A_569 = tpu.memref_slice %arg7[%mul3A_568] : memref<13312xi32, #tpu.memory_space<vmem>> -> memref<104xi32, #tpu.memory_space<vmem>>
        %dma_start3A_570 = arith.constant 0 : i32
        %dma_start3A_571 = arith.constant 0 : i32
        %dma_start3A_572 = tpu.memref_slice %arg2[%dma_start3A_570, %dma_start3A_571] : memref<500000x128xf32, #tpu.memory_space<hbm>> -> memref<500000x128xf32, #tpu.memory_space<hbm>>
        tpu.enqueue_indirect_dma source(%dma_start3A_572 : memref<500000x128xf32, #tpu.memory_space<hbm>>) target(%arg13 : memref<104x128xf32, #tpu.memory_space<vmem>>) offsets(%dma_start3A_569 : memref<104xi32, #tpu.memory_space<vmem>>) semaphore(%arg19 : memref<!tpu.dma_semaphore, #tpu.memory_space<semaphore_mem>>)
      } else {
      }
    }
    %scan3A_29 = arith.constant 32 : i32
    %dma_wait3A = arith.constant 0 : i32
    %dma_wait3A_30 = arith.constant 0 : i32
    %dma_wait3A_31 = tpu.memref_slice %arg14[%dma_wait3A, %dma_wait3A_30] : memref<104x64xf32, #tpu.memory_space<vmem>> -> memref<26x64xf32, #tpu.memory_space<vmem>>
    %dma_wait3A_32 = arith.constant 0 : i32
    %dma_wait3A_33 = arith.constant 0 : i32
    %dma_wait3A_34 = tpu.memref_slice %arg6[%mul3A_5, %dma_wait3A_32, %dma_wait3A_33] : memref<16384x26x64xf32, #tpu.memory_space<hbm>> -> memref<1x26x64xf32, #tpu.memory_space<hbm>>
    %dma_wait3A_35 = tpu.memref_squeeze %dma_wait3A_34 : memref<1x26x64xf32, #tpu.memory_space<hbm>> -> memref<26x64xf32, #tpu.memory_space<hbm>>
    %dma_wait3A_36 = arith.constant 0 : i32
    %dma_wait3A_37 = arith.constant 0 : i32
    %dma_wait3A_38 = tpu.memref_slice %arg6[%mul3A_5, %dma_wait3A_36, %dma_wait3A_37] : memref<16384x26x64xf32, #tpu.memory_space<hbm>> -> memref<1x26x64xf32, #tpu.memory_space<hbm>>
    %dma_wait3A_39 = tpu.memref_squeeze %dma_wait3A_38 : memref<1x26x64xf32, #tpu.memory_space<hbm>> -> memref<26x64xf32, #tpu.memory_space<hbm>>
    %dma_wait3A_40 = arith.constant 0 : i32
    %dma_wait3A_41 = arith.constant 0 : i32
    %dma_wait3A_42 = tpu.memref_slice %arg14[%dma_wait3A_40, %dma_wait3A_41] : memref<104x64xf32, #tpu.memory_space<vmem>> -> memref<26x64xf32, #tpu.memory_space<vmem>>
    tpu.wait_dma2 semaphore(%arg20 : memref<!tpu.dma_semaphore, #tpu.memory_space<semaphore_mem>>) src(%dma_wait3A_42 : memref<26x64xf32, #tpu.memory_space<vmem>>) dst(%dma_wait3A_39 : memref<26x64xf32, #tpu.memory_space<hbm>>)
    %dma_wait3A_43 = arith.constant 0 : i32
    %dma_wait3A_44 = arith.constant 0 : i32
    %dma_wait3A_45 = tpu.memref_slice %arg14[%dma_wait3A_43, %dma_wait3A_44] : memref<104x64xf32, #tpu.memory_space<vmem>> -> memref<26x64xf32, #tpu.memory_space<vmem>>
    %dma_wait3A_46 = arith.constant 0 : i32
    %dma_wait3A_47 = arith.constant 0 : i32
    %dma_wait3A_48 = tpu.memref_slice %arg6[%mul3A_5, %dma_wait3A_46, %dma_wait3A_47] : memref<16384x26x64xf32, #tpu.memory_space<hbm>> -> memref<1x26x64xf32, #tpu.memory_space<hbm>>
    %dma_wait3A_49 = tpu.memref_squeeze %dma_wait3A_48 : memref<1x26x64xf32, #tpu.memory_space<hbm>> -> memref<26x64xf32, #tpu.memory_space<hbm>>
    %dma_wait3A_50 = arith.constant 0 : i32
    %dma_wait3A_51 = arith.constant 0 : i32
    %dma_wait3A_52 = tpu.memref_slice %arg6[%mul3A_5, %dma_wait3A_50, %dma_wait3A_51] : memref<16384x26x64xf32, #tpu.memory_space<hbm>> -> memref<1x26x64xf32, #tpu.memory_space<hbm>>
    %dma_wait3A_53 = tpu.memref_squeeze %dma_wait3A_52 : memref<1x26x64xf32, #tpu.memory_space<hbm>> -> memref<26x64xf32, #tpu.memory_space<hbm>>
    %dma_wait3A_54 = arith.constant 0 : i32
    %dma_wait3A_55 = arith.constant 0 : i32
    %dma_wait3A_56 = tpu.memref_slice %arg14[%dma_wait3A_54, %dma_wait3A_55] : memref<104x64xf32, #tpu.memory_space<vmem>> -> memref<26x64xf32, #tpu.memory_space<vmem>>
    tpu.wait_dma2 semaphore(%arg20 : memref<!tpu.dma_semaphore, #tpu.memory_space<semaphore_mem>>) src(%dma_wait3A_56 : memref<26x64xf32, #tpu.memory_space<vmem>>) dst(%dma_wait3A_53 : memref<26x64xf32, #tpu.memory_space<hbm>>)
    %dma_wait3A_57 = arith.constant 0 : i32
    %dma_wait3A_58 = arith.constant 0 : i32
    %dma_wait3A_59 = tpu.memref_slice %arg14[%dma_wait3A_57, %dma_wait3A_58] : memref<104x64xf32, #tpu.memory_space<vmem>> -> memref<26x64xf32, #tpu.memory_space<vmem>>
    %dma_wait3A_60 = arith.constant 0 : i32
    %dma_wait3A_61 = arith.constant 0 : i32
    %dma_wait3A_62 = tpu.memref_slice %arg6[%mul3A_5, %dma_wait3A_60, %dma_wait3A_61] : memref<16384x26x64xf32, #tpu.memory_space<hbm>> -> memref<1x26x64xf32, #tpu.memory_space<hbm>>
    %dma_wait3A_63 = tpu.memref_squeeze %dma_wait3A_62 : memref<1x26x64xf32, #tpu.memory_space<hbm>> -> memref<26x64xf32, #tpu.memory_space<hbm>>
    %dma_wait3A_64 = arith.constant 0 : i32
    %dma_wait3A_65 = arith.constant 0 : i32
    %dma_wait3A_66 = tpu.memref_slice %arg6[%mul3A_5, %dma_wait3A_64, %dma_wait3A_65] : memref<16384x26x64xf32, #tpu.memory_space<hbm>> -> memref<1x26x64xf32, #tpu.memory_space<hbm>>
    %dma_wait3A_67 = tpu.memref_squeeze %dma_wait3A_66 : memref<1x26x64xf32, #tpu.memory_space<hbm>> -> memref<26x64xf32, #tpu.memory_space<hbm>>
    %dma_wait3A_68 = arith.constant 0 : i32
    %dma_wait3A_69 = arith.constant 0 : i32
    %dma_wait3A_70 = tpu.memref_slice %arg14[%dma_wait3A_68, %dma_wait3A_69] : memref<104x64xf32, #tpu.memory_space<vmem>> -> memref<26x64xf32, #tpu.memory_space<vmem>>
    tpu.wait_dma2 semaphore(%arg20 : memref<!tpu.dma_semaphore, #tpu.memory_space<semaphore_mem>>) src(%dma_wait3A_70 : memref<26x64xf32, #tpu.memory_space<vmem>>) dst(%dma_wait3A_67 : memref<26x64xf32, #tpu.memory_space<hbm>>)
    %dma_wait3A_71 = arith.constant 0 : i32
    %dma_wait3A_72 = arith.constant 0 : i32
    %dma_wait3A_73 = tpu.memref_slice %arg14[%dma_wait3A_71, %dma_wait3A_72] : memref<104x64xf32, #tpu.memory_space<vmem>> -> memref<26x64xf32, #tpu.memory_space<vmem>>
    %dma_wait3A_74 = arith.constant 0 : i32
    %dma_wait3A_75 = arith.constant 0 : i32
    %dma_wait3A_76 = tpu.memref_slice %arg6[%mul3A_5, %dma_wait3A_74, %dma_wait3A_75] : memref<16384x26x64xf32, #tpu.memory_space<hbm>> -> memref<1x26x64xf32, #tpu.memory_space<hbm>>
    %dma_wait3A_77 = tpu.memref_squeeze %dma_wait3A_76 : memref<1x26x64xf32, #tpu.memory_space<hbm>> -> memref<26x64xf32, #tpu.memory_space<hbm>>
    %dma_wait3A_78 = arith.constant 0 : i32
    %dma_wait3A_79 = arith.constant 0 : i32
    %dma_wait3A_80 = tpu.memref_slice %arg6[%mul3A_5, %dma_wait3A_78, %dma_wait3A_79] : memref<16384x26x64xf32, #tpu.memory_space<hbm>> -> memref<1x26x64xf32, #tpu.memory_space<hbm>>
    %dma_wait3A_81 = tpu.memref_squeeze %dma_wait3A_80 : memref<1x26x64xf32, #tpu.memory_space<hbm>> -> memref<26x64xf32, #tpu.memory_space<hbm>>
    %dma_wait3A_82 = arith.constant 0 : i32
    %dma_wait3A_83 = arith.constant 0 : i32
    %dma_wait3A_84 = tpu.memref_slice %arg14[%dma_wait3A_82, %dma_wait3A_83] : memref<104x64xf32, #tpu.memory_space<vmem>> -> memref<26x64xf32, #tpu.memory_space<vmem>>
    tpu.wait_dma2 semaphore(%arg20 : memref<!tpu.dma_semaphore, #tpu.memory_space<semaphore_mem>>) src(%dma_wait3A_84 : memref<26x64xf32, #tpu.memory_space<vmem>>) dst(%dma_wait3A_81 : memref<26x64xf32, #tpu.memory_space<hbm>>)
    %dma_wait3A_85 = arith.constant 0 : i32
    %dma_wait3A_86 = arith.constant 0 : i32
    %dma_wait3A_87 = tpu.memref_slice %arg15[%dma_wait3A_85, %dma_wait3A_86] : memref<104x64xf32, #tpu.memory_space<vmem>> -> memref<26x64xf32, #tpu.memory_space<vmem>>
    %dma_wait3A_88 = arith.constant 0 : i32
    %dma_wait3A_89 = arith.constant 0 : i32
    %dma_wait3A_90 = tpu.memref_slice %arg6[%mul3A_5, %dma_wait3A_88, %dma_wait3A_89] : memref<16384x26x64xf32, #tpu.memory_space<hbm>> -> memref<1x26x64xf32, #tpu.memory_space<hbm>>
    %dma_wait3A_91 = tpu.memref_squeeze %dma_wait3A_90 : memref<1x26x64xf32, #tpu.memory_space<hbm>> -> memref<26x64xf32, #tpu.memory_space<hbm>>
    %dma_wait3A_92 = arith.constant 0 : i32
    %dma_wait3A_93 = arith.constant 0 : i32
    %dma_wait3A_94 = tpu.memref_slice %arg6[%mul3A_5, %dma_wait3A_92, %dma_wait3A_93] : memref<16384x26x64xf32, #tpu.memory_space<hbm>> -> memref<1x26x64xf32, #tpu.memory_space<hbm>>
    %dma_wait3A_95 = tpu.memref_squeeze %dma_wait3A_94 : memref<1x26x64xf32, #tpu.memory_space<hbm>> -> memref<26x64xf32, #tpu.memory_space<hbm>>
    %dma_wait3A_96 = arith.constant 0 : i32
    %dma_wait3A_97 = arith.constant 0 : i32
    %dma_wait3A_98 = tpu.memref_slice %arg15[%dma_wait3A_96, %dma_wait3A_97] : memref<104x64xf32, #tpu.memory_space<vmem>> -> memref<26x64xf32, #tpu.memory_space<vmem>>
    tpu.wait_dma2 semaphore(%arg21 : memref<!tpu.dma_semaphore, #tpu.memory_space<semaphore_mem>>) src(%dma_wait3A_98 : memref<26x64xf32, #tpu.memory_space<vmem>>) dst(%dma_wait3A_95 : memref<26x64xf32, #tpu.memory_space<hbm>>)
    %dma_wait3A_99 = arith.constant 0 : i32
    %dma_wait3A_100 = arith.constant 0 : i32
    %dma_wait3A_101 = tpu.memref_slice %arg15[%dma_wait3A_99, %dma_wait3A_100] : memref<104x64xf32, #tpu.memory_space<vmem>> -> memref<26x64xf32, #tpu.memory_space<vmem>>
    %dma_wait3A_102 = arith.constant 0 : i32
    %dma_wait3A_103 = arith.constant 0 : i32
    %dma_wait3A_104 = tpu.memref_slice %arg6[%mul3A_5, %dma_wait3A_102, %dma_wait3A_103] : memref<16384x26x64xf32, #tpu.memory_space<hbm>> -> memref<1x26x64xf32, #tpu.memory_space<hbm>>
    %dma_wait3A_105 = tpu.memref_squeeze %dma_wait3A_104 : memref<1x26x64xf32, #tpu.memory_space<hbm>> -> memref<26x64xf32, #tpu.memory_space<hbm>>
    %dma_wait3A_106 = arith.constant 0 : i32
    %dma_wait3A_107 = arith.constant 0 : i32
    %dma_wait3A_108 = tpu.memref_slice %arg6[%mul3A_5, %dma_wait3A_106, %dma_wait3A_107] : memref<16384x26x64xf32, #tpu.memory_space<hbm>> -> memref<1x26x64xf32, #tpu.memory_space<hbm>>
    %dma_wait3A_109 = tpu.memref_squeeze %dma_wait3A_108 : memref<1x26x64xf32, #tpu.memory_space<hbm>> -> memref<26x64xf32, #tpu.memory_space<hbm>>
    %dma_wait3A_110 = arith.constant 0 : i32
    %dma_wait3A_111 = arith.constant 0 : i32
    %dma_wait3A_112 = tpu.memref_slice %arg15[%dma_wait3A_110, %dma_wait3A_111] : memref<104x64xf32, #tpu.memory_space<vmem>> -> memref<26x64xf32, #tpu.memory_space<vmem>>
    tpu.wait_dma2 semaphore(%arg21 : memref<!tpu.dma_semaphore, #tpu.memory_space<semaphore_mem>>) src(%dma_wait3A_112 : memref<26x64xf32, #tpu.memory_space<vmem>>) dst(%dma_wait3A_109 : memref<26x64xf32, #tpu.memory_space<hbm>>)
    %dma_wait3A_113 = arith.constant 0 : i32
    %dma_wait3A_114 = arith.constant 0 : i32
    %dma_wait3A_115 = tpu.memref_slice %arg15[%dma_wait3A_113, %dma_wait3A_114] : memref<104x64xf32, #tpu.memory_space<vmem>> -> memref<26x64xf32, #tpu.memory_space<vmem>>
    %dma_wait3A_116 = arith.constant 0 : i32
    %dma_wait3A_117 = arith.constant 0 : i32
    %dma_wait3A_118 = tpu.memref_slice %arg6[%mul3A_5, %dma_wait3A_116, %dma_wait3A_117] : memref<16384x26x64xf32, #tpu.memory_space<hbm>> -> memref<1x26x64xf32, #tpu.memory_space<hbm>>
    %dma_wait3A_119 = tpu.memref_squeeze %dma_wait3A_118 : memref<1x26x64xf32, #tpu.memory_space<hbm>> -> memref<26x64xf32, #tpu.memory_space<hbm>>
    %dma_wait3A_120 = arith.constant 0 : i32
    %dma_wait3A_121 = arith.constant 0 : i32
    %dma_wait3A_122 = tpu.memref_slice %arg6[%mul3A_5, %dma_wait3A_120, %dma_wait3A_121] : memref<16384x26x64xf32, #tpu.memory_space<hbm>> -> memref<1x26x64xf32, #tpu.memory_space<hbm>>
    %dma_wait3A_123 = tpu.memref_squeeze %dma_wait3A_122 : memref<1x26x64xf32, #tpu.memory_space<hbm>> -> memref<26x64xf32, #tpu.memory_space<hbm>>
    %dma_wait3A_124 = arith.constant 0 : i32
    %dma_wait3A_125 = arith.constant 0 : i32
    %dma_wait3A_126 = tpu.memref_slice %arg15[%dma_wait3A_124, %dma_wait3A_125] : memref<104x64xf32, #tpu.memory_space<vmem>> -> memref<26x64xf32, #tpu.memory_space<vmem>>
    tpu.wait_dma2 semaphore(%arg21 : memref<!tpu.dma_semaphore, #tpu.memory_space<semaphore_mem>>) src(%dma_wait3A_126 : memref<26x64xf32, #tpu.memory_space<vmem>>) dst(%dma_wait3A_123 : memref<26x64xf32, #tpu.memory_space<hbm>>)
    %dma_wait3A_127 = arith.constant 0 : i32
    %dma_wait3A_128 = arith.constant 0 : i32
    %dma_wait3A_129 = tpu.memref_slice %arg15[%dma_wait3A_127, %dma_wait3A_128] : memref<104x64xf32, #tpu.memory_space<vmem>> -> memref<26x64xf32, #tpu.memory_space<vmem>>
    %dma_wait3A_130 = arith.constant 0 : i32
    %dma_wait3A_131 = arith.constant 0 : i32
    %dma_wait3A_132 = tpu.memref_slice %arg6[%mul3A_5, %dma_wait3A_130, %dma_wait3A_131] : memref<16384x26x64xf32, #tpu.memory_space<hbm>> -> memref<1x26x64xf32, #tpu.memory_space<hbm>>
    %dma_wait3A_133 = tpu.memref_squeeze %dma_wait3A_132 : memref<1x26x64xf32, #tpu.memory_space<hbm>> -> memref<26x64xf32, #tpu.memory_space<hbm>>
    %dma_wait3A_134 = arith.constant 0 : i32
    %dma_wait3A_135 = arith.constant 0 : i32
    %dma_wait3A_136 = tpu.memref_slice %arg6[%mul3A_5, %dma_wait3A_134, %dma_wait3A_135] : memref<16384x26x64xf32, #tpu.memory_space<hbm>> -> memref<1x26x64xf32, #tpu.memory_space<hbm>>
    %dma_wait3A_137 = tpu.memref_squeeze %dma_wait3A_136 : memref<1x26x64xf32, #tpu.memory_space<hbm>> -> memref<26x64xf32, #tpu.memory_space<hbm>>
    %dma_wait3A_138 = arith.constant 0 : i32
    %dma_wait3A_139 = arith.constant 0 : i32
    %dma_wait3A_140 = tpu.memref_slice %arg15[%dma_wait3A_138, %dma_wait3A_139] : memref<104x64xf32, #tpu.memory_space<vmem>> -> memref<26x64xf32, #tpu.memory_space<vmem>>
    tpu.wait_dma2 semaphore(%arg21 : memref<!tpu.dma_semaphore, #tpu.memory_space<semaphore_mem>>) src(%dma_wait3A_140 : memref<26x64xf32, #tpu.memory_space<vmem>>) dst(%dma_wait3A_137 : memref<26x64xf32, #tpu.memory_space<hbm>>)
    return
  }
}

module attributes {stable_mosaic.version = 14 : i64} {
  func.func @_sigma_body(%arg0: i32, %arg1: memref<4000x128xf32, #tpu.memory_space<vmem>>, %arg2: memref<1x1x4000xf32, #tpu.memory_space<vmem>>, %arg3: memref<1x1x4000xf32, #tpu.memory_space<vmem>>, %arg4: memref<8x128xf32, #tpu.memory_space<vmem>>, %arg5: memref<128x128xf32, #tpu.memory_space<vmem>>, %arg6: memref<1x128xf32, #tpu.memory_space<vmem>>, %arg7: memref<1x128xf32, #tpu.memory_space<vmem>>) attributes {dimension_semantics = [#tpu.dimension_semantics<arbitrary>], iteration_bounds = array<i64: 125>, scalar_prefetch = 0 : i64, scratch_operands = 3 : i64, tpu.core_type = #tpu.core_type<tc>, window_params = [{transform_indices = @transform_0, window_bounds = array<i64: 4000, 128>}, {transform_indices = @transform_1, window_bounds = array<i64: 1, 1, 4000>}, {transform_indices = @transform_2, window_bounds = array<i64: 1, 1, 4000>}, {pipeline_mode = #tpu.pipeline_mode<synchronous>, transform_indices = @transform_3, window_bounds = array<i64: 8, 128>}]} {
    %eq3A = arith.constant 0 : i32
    %eq3A_0 = arith.cmpi eq, %arg0, %eq3A : i32
    %convert_element_type3A = arith.extui %eq3A_0 : i1 to i32
    %cond3A = arith.constant 0 : i32
    %cond3A_1 = arith.cmpi ne, %convert_element_type3A, %cond3A : i32
    scf.if %cond3A_1 {
      %broadcast_in_dim3A = arith.constant 0.000000e+00 : f32
      %broadcast_in_dim3A_42 = vector.broadcast %broadcast_in_dim3A : f32 to vector<128x128xf32>
      %swap3A_43 = arith.constant 0 : index
      %swap3A_44 = arith.constant 0 : index
      %swap3A_45 = vector.load %arg5[%swap3A_43, %swap3A_44] : memref<128x128xf32, #tpu.memory_space<vmem>>, vector<128x128xf32>
      tpu.vector_store %arg5[%swap3A_43, %swap3A_44], %broadcast_in_dim3A_42 {strides = array<i32>} : memref<128x128xf32, #tpu.memory_space<vmem>>, vector<128x128xf32>,
      %broadcast_in_dim3A_46 = arith.constant 0.000000e+00 : f32
      %broadcast_in_dim3A_47 = vector.broadcast %broadcast_in_dim3A_46 : f32 to vector<1x128xf32>
      %swap3A_48 = arith.constant 0 : index
      %swap3A_49 = arith.constant 0 : index
      %swap3A_50 = vector.load %arg6[%swap3A_48, %swap3A_49] : memref<1x128xf32, #tpu.memory_space<vmem>>, vector<1x128xf32>
      tpu.vector_store %arg6[%swap3A_48, %swap3A_49], %broadcast_in_dim3A_47 {strides = array<i32>} : memref<1x128xf32, #tpu.memory_space<vmem>>, vector<1x128xf32>,
      %broadcast_in_dim3A_51 = arith.constant 0.000000e+00 : f32
      %broadcast_in_dim3A_52 = vector.broadcast %broadcast_in_dim3A_51 : f32 to vector<1x128xf32>
      %swap3A_53 = arith.constant 0 : index
      %swap3A_54 = arith.constant 0 : index
      %swap3A_55 = vector.load %arg7[%swap3A_53, %swap3A_54] : memref<1x128xf32, #tpu.memory_space<vmem>>, vector<1x128xf32>
      tpu.vector_store %arg7[%swap3A_53, %swap3A_54], %broadcast_in_dim3A_52 {strides = array<i32>} : memref<1x128xf32, #tpu.memory_space<vmem>>, vector<1x128xf32>,
    } else {
    }
    %get3A = arith.constant 0 : index
    %get3A_2 = arith.constant 0 : index
    %get3A_3 = vector.load %arg1[%get3A, %get3A_2] : memref<4000x128xf32, #tpu.memory_space<vmem>>, vector<4000x128xf32>
    %get3A_4 = arith.constant 0 : index
    %get3A_5 = arith.constant 0 : index
    %get3A_6 = arith.constant 0 : index
    %get3A_7 = vector.load %arg2[%get3A_4, %get3A_5, %get3A_6] : memref<1x1x4000xf32, #tpu.memory_space<vmem>>, vector<1x1x4000xf32>
    %reshape3A = vector.shape_cast %get3A_7 : vector<1x1x4000xf32> to vector<1x4000xf32>
    %get3A_8 = arith.constant 0 : index
    %get3A_9 = arith.constant 0 : index
    %get3A_10 = arith.constant 0 : index
    %get3A_11 = vector.load %arg3[%get3A_8, %get3A_9, %get3A_10] : memref<1x1x4000xf32, #tpu.memory_space<vmem>>, vector<1x1x4000xf32>
    %reshape3A_12 = vector.shape_cast %get3A_11 : vector<1x1x4000xf32> to vector<1x4000xf32>
    %get3A_13 = arith.constant 0 : index
    %get3A_14 = arith.constant 0 : index
    %get3A_15 = vector.load %arg5[%get3A_13, %get3A_14] : memref<128x128xf32, #tpu.memory_space<vmem>>, vector<128x128xf32>
    %dot_general3A = arith.constant dense<0.000000e+00> : vector<128x128xf32>
    %dot_general3A_16 = tpu.matmul %get3A_3, %get3A_3, %dot_general3A {dimension_numbers = #tpu.dot_dimension_numbers<[0], [0], [1], [1], [0, 1, 1, 1], [], []>, transpose_lhs_hint = false} : vector<4000x128xf32>, vector<4000x128xf32>, vector<128x128xf32> -> vector<128x128xf32>
    %add3A = arith.addf %get3A_15, %dot_general3A_16 : vector<128x128xf32>
    %swap3A = arith.constant 0 : index
    %swap3A_17 = arith.constant 0 : index
    %swap3A_18 = vector.load %arg5[%swap3A, %swap3A_17] : memref<128x128xf32, #tpu.memory_space<vmem>>, vector<128x128xf32>
    tpu.vector_store %arg5[%swap3A, %swap3A_17], %add3A {strides = array<i32>} : memref<128x128xf32, #tpu.memory_space<vmem>>, vector<128x128xf32>,
    %get3A_19 = arith.constant 0 : index
    %get3A_20 = arith.constant 0 : index
    %get3A_21 = vector.load %arg6[%get3A_19, %get3A_20] : memref<1x128xf32, #tpu.memory_space<vmem>>, vector<1x128xf32>
    %dot_general3A_22 = arith.constant dense<0.000000e+00> : vector<1x128xf32>
    %dot_general3A_23 = tpu.matmul %reshape3A, %get3A_3, %dot_general3A_22 {dimension_numbers = #tpu.dot_dimension_numbers<[1], [0], [0], [1], [0, 0, 1, 1], [], []>, transpose_lhs_hint = false} : vector<1x4000xf32>, vector<4000x128xf32>, vector<1x128xf32> -> vector<1x128xf32>
    %add3A_24 = arith.addf %get3A_21, %dot_general3A_23 : vector<1x128xf32>
    %swap3A_25 = arith.constant 0 : index
    %swap3A_26 = arith.constant 0 : index
    %swap3A_27 = vector.load %arg6[%swap3A_25, %swap3A_26] : memref<1x128xf32, #tpu.memory_space<vmem>>, vector<1x128xf32>
    tpu.vector_store %arg6[%swap3A_25, %swap3A_26], %add3A_24 {strides = array<i32>} : memref<1x128xf32, #tpu.memory_space<vmem>>, vector<1x128xf32>,
    %get3A_28 = arith.constant 0 : index
    %get3A_29 = arith.constant 0 : index
    %get3A_30 = vector.load %arg7[%get3A_28, %get3A_29] : memref<1x128xf32, #tpu.memory_space<vmem>>, vector<1x128xf32>
    %dot_general3A_31 = arith.constant dense<0.000000e+00> : vector<1x128xf32>
    %dot_general3A_32 = tpu.matmul %reshape3A_12, %get3A_3, %dot_general3A_31 {dimension_numbers = #tpu.dot_dimension_numbers<[1], [0], [0], [1], [0, 0, 1, 1], [], []>, transpose_lhs_hint = false} : vector<1x4000xf32>, vector<4000x128xf32>, vector<1x128xf32> -> vector<1x128xf32>
    %add3A_33 = arith.addf %get3A_30, %dot_general3A_32 : vector<1x128xf32>
    %swap3A_34 = arith.constant 0 : index
    %swap3A_35 = arith.constant 0 : index
    %swap3A_36 = vector.load %arg7[%swap3A_34, %swap3A_35] : memref<1x128xf32, #tpu.memory_space<vmem>>, vector<1x128xf32>
    tpu.vector_store %arg7[%swap3A_34, %swap3A_35], %add3A_33 {strides = array<i32>} : memref<1x128xf32, #tpu.memory_space<vmem>>, vector<1x128xf32>,
    %eq3A_37 = arith.constant 124 : i32
    %eq3A_38 = arith.cmpi eq, %arg0, %eq3A_37 : i32
    %convert_element_type3A_39 = arith.extui %eq3A_38 : i1 to i32
    %cond3A_40 = arith.constant 0 : i32
    %cond3A_41 = arith.cmpi ne, %convert_element_type3A_39, %cond3A_40 : i32
    scf.if %cond3A_41 {
      %get3A_42 = arith.constant 0 : index
      %get3A_43 = arith.constant 0 : index
      %get3A_44 = vector.load %arg6[%get3A_42, %get3A_43] : memref<1x128xf32, #tpu.memory_space<vmem>>, vector<1x64xf32>
      %get3A_45 = arith.constant 0 : index
      %get3A_46 = arith.constant 64 : index
      %get3A_47 = vector.load %arg7[%get3A_45, %get3A_46] : memref<1x128xf32, #tpu.memory_space<vmem>>, vector<1x64xf32>
      %add3A_48 = arith.addf %get3A_44, %get3A_47 : vector<1x64xf32>
      %get3A_49 = arith.constant 0 : index
      %get3A_50 = arith.constant 0 : index
      %get3A_51 = vector.load %arg5[%get3A_49, %get3A_50] : memref<128x128xf32, #tpu.memory_space<vmem>>, vector<64x64xf32>
      %get3A_52 = arith.constant 64 : index
      %get3A_53 = arith.constant 64 : index
      %get3A_54 = vector.load %arg5[%get3A_52, %get3A_53] : memref<128x128xf32, #tpu.memory_space<vmem>>, vector<64x64xf32>
      %add3A_55 = arith.addf %get3A_51, %get3A_54 : vector<64x64xf32>
      %mul3A = arith.mulf %add3A_48, %add3A_48 : vector<1x64xf32>
      %reduce_sum3A = vector.shape_cast %mul3A : vector<1x64xf32> to vector<1x1x64xf32>
      %reduce_sum3A_56 = arith.constant dense<0.000000e+00> : vector<1xf32>
      %reduce_sum3A_57 = vector.multi_reduction <add>, %reduce_sum3A, %reduce_sum3A_56 [1, 2] : vector<1x1x64xf32> to vector<1xf32>
      %reduce_sum3A_58 = vector.shape_cast %reduce_sum3A_57 : vector<1xf32> to vector<1x1x1xf32>
      %reduce_sum3A_59 = vector.extract %reduce_sum3A_58[0, 0, 0] : f32 from vector<1x1x1xf32>
      %sqrt3A = math.sqrt %reduce_sum3A_59 : f32
      %add3A_60 = arith.constant 9.99999996E-13 : f32
      %add3A_61 = arith.addf %sqrt3A, %add3A_60 : f32
      %div3A = vector.broadcast %add3A_61 : f32 to vector<1x64xf32>
      %div3A_62 = arith.divf %add3A_48, %div3A : vector<1x64xf32>
      %dot_general3A_63 = arith.constant dense<0.000000e+00> : vector<1x64xf32>
      %dot_general3A_64 = tpu.matmul %div3A_62, %add3A_55, %dot_general3A_63 {dimension_numbers = #tpu.dot_dimension_numbers<[1], [0], [0], [1], [0, 0, 1, 1], [], []>, transpose_lhs_hint = false} : vector<1x64xf32>, vector<64x64xf32>, vector<1x64xf32> -> vector<1x64xf32>
      %mul3A_65 = arith.mulf %dot_general3A_64, %div3A_62 : vector<1x64xf32>
      %reduce_sum3A_66 = vector.shape_cast %mul3A_65 : vector<1x64xf32> to vector<1x1x64xf32>
      %reduce_sum3A_67 = arith.constant dense<0.000000e+00> : vector<1xf32>
      %reduce_sum3A_68 = vector.multi_reduction <add>, %reduce_sum3A_66, %reduce_sum3A_67 [1, 2] : vector<1x1x64xf32> to vector<1xf32>
      %reduce_sum3A_69 = vector.shape_cast %reduce_sum3A_68 : vector<1xf32> to vector<1x1x1xf32>
      %reduce_sum3A_70 = vector.extract %reduce_sum3A_69[0, 0, 0] : f32 from vector<1x1x1xf32>
      %sqrt3A_71 = math.sqrt %reduce_sum3A_70 : f32
      %add3A_72 = arith.constant 9.99999996E-13 : f32
      %add3A_73 = arith.addf %sqrt3A_71, %add3A_72 : f32
      %div3A_74 = arith.divf %reduce_sum3A_70, %add3A_73 : f32
      %div3A_75 = arith.constant 1.000000e+00 : f32
      %div3A_76 = arith.divf %div3A_75, %div3A_74 : f32
      %broadcast_in_dim3A = vector.broadcast %div3A_76 : f32 to vector<8x128xf32>
      %swap3A_77 = arith.constant 0 : index
      %swap3A_78 = arith.constant 0 : index
      %swap3A_79 = vector.load %arg4[%swap3A_77, %swap3A_78] : memref<8x128xf32, #tpu.memory_space<vmem>>, vector<8x128xf32>
      tpu.vector_store %arg4[%swap3A_77, %swap3A_78], %broadcast_in_dim3A {strides = array<i32>} : memref<8x128xf32, #tpu.memory_space<vmem>>, vector<8x128xf32>,
    } else {
    }
    return
  }
  func.func @transform_0(%arg0: i32) -> (i32, i32) {
    %c0_i32 = arith.constant 0 : i32
    %c0_i32_0 = arith.constant 0 : i32
    return %arg0, %c0_i32 : i32, i32
  }
  func.func @transform_1(%arg0: i32) -> (i32, i32, i32) {
    %c0_i32 = arith.constant 0 : i32
    %c0_i32_0 = arith.constant 0 : i32
    %c0_i32_1 = arith.constant 0 : i32
    return %arg0, %c0_i32, %c0_i32_0 : i32, i32, i32
  }
  func.func @transform_2(%arg0: i32) -> (i32, i32, i32) {
    %c0_i32 = arith.constant 0 : i32
    %c0_i32_0 = arith.constant 0 : i32
    %c0_i32_1 = arith.constant 0 : i32
    return %arg0, %c0_i32, %c0_i32_0 : i32, i32, i32
  }
  func.func @transform_3(%arg0: i32) -> (i32, i32) {
    %c0_i32 = arith.constant 0 : i32
    %c0_i32_0 = arith.constant 0 : i32
    %c0_i32_1 = arith.constant 0 : i32
    return %c0_i32, %c0_i32_0 : i32, i32
  }
}

</mosaic_0001>

<sc_bundles>
// kernel: kernel.4.cloned.1.call-start
scs
__scs_entry_jumppad:
0x0: {  	(pc) =	sbr.rel $0x88, $3  }
0x1: {  	(tag) =	ssettag $0x0;
	lr =	simm.s32 $0x1  }
0x2: {  	[smem:$0x3F9E] =	sst lr;
	_ =	strace $0xD0000000  }
0x3: {  	_ = 	snop  }
0x4: {  	_ = 	snop  }
0x5: {  	_ = 	snop  }
0x6: {  	_ = 	snop  }
0x7: {  	_ = 	snop  }
__scs_overlays_trampoline_lowered:
0x8: {  	[smem:$0x3FAD] =	sst s0  }
0x9: {  	[smem:$0x3FAE] =	sst s1  }
0xa: {  	[smem:$0x3FAF] =	sst s2  }
0xb: {  	[smem:$0x3FB0] =	sst s3  }
0xc: {  	[smem:$0x3FB1] =	sst s4  }
0xd: {  	[smem:$0x3FB2] =	sst s5  }
0xe: {  	[smem:$0x3FB3] =	sst s6  }
0xf: {  	[smem:$0x3FB4] =	sst s7  }
0x10: {  	[smem:$0x3FB5] =	sst s8  }
0x11: {  	[smem:$0x3FB6] =	sst s9;
	s0 =	simm.s32 @!p0 $0x0  }
0x12: {  	s1 =	sld [smem:$0x3F9C];
	s0 =	simm.s32 @p0 $0x1  }
0x13: {  	[smem:$0x3FB7] =	sst s0;
	s0 =	simm.s32 @!p1 $0x0  }
0x14: {  	s2 =	sld [smem:$0x3F9B];
	s0 =	simm.s32 @p1 $0x1  }
0x15: {  	[smem:$0x3FB8] =	sst s0;
	s0 =	simm.s32 @!p2 $0x0  }
0x16: {  	s3 =	sld [smem:$0x3FDB];
	s0 =	simm.s32 @p2 $0x1  }
0x17: {  	s4 =	simm.s32 $0x1BF5;
	[smem:$0x3FBA] =	sst s0  }
0x18: {  	s0 =	sld [smem:$0x3F9D];
	_ =	swait.ge [sflag:s4], $0x0  }
0x19: {  	s7 =	sld [smem:$0x3F9E]  }
0x1a: {  	s8 =	sadd.s32 $0xFFFFE003, lr  }
0x1b: {  	s9 =	sadd.s32 $0xFFFFFEF7, lr;
	s5 =	simm.s32 $0xFFFFFFFF;
	p2 =	slt.u32 s8, $0xFFFFF086  }
0x1c: {  	p1 =	slt.u32 s9, $0xF7A;
	s5 =	simm.s32 @!p2 $0x0  }
0x1d: {  	s5 =	simm.s32 @p1 $0x1;
	p0 =	seq.s32 s7, s2  }
0x1e: {  	s7 =	smul.u32 @!p0 $0xF7A, s2;
	p2 =	seq.s32 @!p0 s5, $0x0  }
0x1f: {  	s9 =	smul.u32 $0xF7A, s1;
	s8 =	simm.s32 @!p0 $0x1BF5;
	p2 =	por !p2, p0  }
0x20: {  	[sflag:s8] =	ssyncset.s32 @!p0 $0xFFFFF086;
	s6 =	sadd.s32 @!p0 s3, s7;
	s7 =	simm.s32 @!p0 $0x108  }
0x21: {  	s3 =	sadd.s32 s3, s9;
	s6 =	sadd.s32 @!p0 $0x88, s6;
	s7 =	simm.s32 @p2 $0x1082  }
0x22: {  	[simem:s7], [sflag:s8] =	dma.local @!p0 [hbm:s6], $0xF7A  }
0x23: {  	s9 =	sor.u32 $0xD0000000, s2;
	s6 =	simm.s32 $0x108;
	_ =	swait.ge @!p0 [sflag:s8], $0x0  }
0x24: {  	s3 =	sadd.s32 $0x88, s3;
	s6 =	simm.s32 @!p1 $0x1082;
	[sflag:s4] =	ssyncset.s32 $0xFFFFF086  }
0x25: {  	[simem:s6], [sflag:s4] =	dma.local [hbm:s3], $0xF7A  }
0x26: {  	[smem:$0x3F9E] =	sst s1;
	(tag) =	ssettag s2;
	_ =	strace s9  }
0x27: {  	s1 =	sld [smem:$0x3FAE]  }
0x28: {  	s2 =	sld [smem:$0x3FAF]  }
0x29: {  	s4 =	sld [smem:$0x3FB1]  }
0x2a: {  	p0 =	seq.s32 s5, $0x0;
	s5 =	sld [smem:$0x3FB2]  }
0x2b: {  	s6 =	sld [smem:$0x3FB3]  }
0x2c: {  	s7 =	sld [smem:$0x3FB4]  }
0x2d: {  	s3 =	simm.s32 $0x108;
	s8 =	sld [smem:$0x3FB5]  }
0x2e: {  	s3 =	simm.s32 @!p0 $0x1082;
	s9 =	sld [smem:$0x3FB6]  }
0x2f: {  	lr =	sadd.s32 s0, s3;
	s0 =	sld [smem:$0x3FAD]  }
0x30: {  	s3 =	sld [smem:$0x3FB0]  }
0x31: {  	[smem:$0x3FB9] =	sst s10  }
0x32: {  	s10 =	sld [smem:$0x3FB7];
	_ =	sdelay $0x3  }
0x33: {  	p0 =	seq.s32 s10, $0x1;
	s10 =	sld [smem:$0x3FB9];
	_ =	sdelay $0x3  }
0x34: {  	[smem:$0x3FB9] =	sst s10  }
0x35: {  	s10 =	sld [smem:$0x3FB8];
	_ =	sdelay $0x3  }
0x36: {  	p1 =	seq.s32 s10, $0x1;
	s10 =	sld [smem:$0x3FB9];
	_ =	sdelay $0x3  }
0x37: {  	[smem:$0x3FB9] =	sst s10  }
0x38: {  	s10 =	sld [smem:$0x3FBA]  }
0x39: {  	_ = 	snop;
	(pc) =	sbr.ind lr, $3  }
0x3a: {  	_ = 	snop  }
0x3b: {  	_ = 	snop  }
0x3c: {  	p2 =	seq.s32 s10, $0x1;
	s10 =	sld [smem:$0x3FB9]  }
0x3d: {  	_ =	shalt  }
0x3e: {  	_ =	shalt  }
0x3f: {  	_ =	shalt  }
0x40: {  	_ =	shalt  }
0x41: {  	_ =	shalt  }
0x42: {  	_ =	shalt  }
0x43: {  	_ =	shalt  }
0x44: {  	_ =	shalt  }
0x45: {  	_ =	shalt  }
0x46: {  	_ =	shalt  }
0x47: {  	_ =	shalt  }
0x48: {  	_ =	shalt  }
0x49: {  	_ =	shalt  }
0x4a: {  	_ =	shalt  }
0x4b: {  	_ =	shalt  }
0x4c: {  	_ =	shalt  }
0x4d: {  	_ =	shalt  }
0x4e: {  	_ =	shalt  }
0x4f: {  	_ =	shalt  }
0x50: {  	_ =	shalt  }
0x51: {  	_ =	shalt  }
0x52: {  	_ =	shalt  }
0x53: {  	_ =	shalt  }
0x54: {  	_ =	shalt  }
0x55: {  	_ =	shalt  }
0x56: {  	_ =	shalt  }
0x57: {  	_ =	shalt  }
0x58: {  	_ =	shalt  }
0x59: {  	_ =	shalt  }
0x5a: {  	_ =	shalt  }
0x5b: {  	_ =	shalt  }
0x5c: {  	_ =	shalt  }
0x5d: {  	_ =	shalt  }
0x5e: {  	_ =	shalt  }
0x5f: {  	_ =	shalt  }
0x60: {  	_ =	shalt  }
0x61: {  	_ =	shalt  }
0x62: {  	_ =	shalt  }
0x63: {  	_ =	shalt  }
0x64: {  	_ =	shalt  }
0x65: {  	_ =	shalt  }
0x66: {  	_ =	shalt  }
0x67: {  	_ =	shalt  }
0x68: {  	_ =	shalt  }
0x69: {  	_ =	shalt  }
0x6a: {  	_ =	shalt  }
0x6b: {  	_ =	shalt  }
0x6c: {  	_ =	shalt  }
0x6d: {  	_ =	shalt  }
0x6e: {  	_ =	shalt  }
0x6f: {  	_ =	shalt  }
0x70: {  	_ =	shalt  }
0x71: {  	_ =	shalt  }
0x72: {  	_ =	shalt  }
0x73: {  	_ =	shalt  }
0x74: {  	_ =	shalt  }
0x75: {  	_ =	shalt  }
0x76: {  	_ =	shalt  }
0x77: {  	_ =	shalt  }
0x78: {  	_ =	shalt  }
0x79: {  	_ =	shalt  }
0x7a: {  	_ =	shalt  }
0x7b: {  	_ =	shalt  }
0x7c: {  	_ =	shalt  }
0x7d: {  	_ =	shalt  }
0x7e: {  	_ =	shalt  }
0x7f: {  	_ =	shalt  }
0x80: {  	_ =	shalt  }
0x81: {  	_ =	shalt  }
0x82: {  	_ =	shalt  }
0x83: {  	_ =	shalt  }
0x84: {  	_ =	shalt  }
0x85: {  	_ =	shalt  }
0x86: {  	_ =	shalt  }
0x87: {  	_ =	shalt  }
.Lfunc_end0:
.L_simem_size_0:
called_computation_lowered:
.L_overlay_start_0:
0x88: {  	s2 =	sld [smem:$0x3FD9]  }
0x89: {  	s3 =	sld [smem:$0x3FFE];
	_ =	sdelay $0x1  }
0x8a: {  	s1 =	srdreg.scid  }
0x8b: {  	s0 =	sand.u32 $0x1, s1  }
0x8c: {  	s17 =	sshll.u32 s0, $0xA;
	s2 =	sadd.s32 s3, s2  }
0x8d: {  	s2 =	sadd.s32 s2, s17  }
0x8e: {  	[smem:$0x3FC5] =	sst s2  }
0x8f: {  	_ = 	snop  }
0x90: {  	s2 =	sld [smem:$0x3FD0];
	(tm) =	ssettm $0x1  }
0x91: {  	s18 =	sld [smem:$0x3FFB];
	_ =	sdelay $0x3  }
0x92: {  	_ =	strace s18  }
0x93: {  	s3 =	sld [smem:$0x3FFC];
	_ =	sdelay $0x3  }
0x94: {  	_ =	strace s3  }
0x95: {  	s3 =	sld [smem:$0x3FFD];
	_ =	sdelay $0x3  }
0x96: {  	_ =	strace s3  }
0x97: {  	_ =	strace $0x8FFFFFFF  }
0x98: {  	s19 =	sld [smem:$0x3FDB];
	_ =	sdelay $0x1  }
0x99: {  	s4 =	simm.s32 $_scs_section_size  }
0x9a: {  	s5 =	simm.s32 $_size__tile_overlayer_lowered;
	s6 =	simm.s32 $_tile_overlayer_lowered  }
0x9b: {  	s22 =	simm.s32 $0x1BFF;
	s21 =	sshll.u32 s6, $0x1;
	s3 =	sadd.s32 s4, s19  }
0x9c: {  	s7 =	simm.s32 $0x0;
	s20 =	sshll.u32 s5, $0x1;
	s5 =	sadd.s32 s21, s3  }
0x9d: {  	[timem:s7], [sflag:s22] =	dma.local [hbm:s5], s20  }
0x9e: {  	_ =	swait.ge [sflag:s22], s20  }
0x9f: {  	s4 =	ssub.s32 $0x0, s20;
	[sflag:s22] =	ssyncset.done $0x0  }
0xa0: {  	[sflag:s22] =	ssyncadd.s32 s4;
	_ =	sdelay $0x1  }
0xa1: {  	s23 =	simm.s32 $0x1B8B  }
0xa2: {  	_ =	swait.ge [sflag:s23], $0x1  }
0xa3: {  	[sflag:s23] =	ssyncset.done $0x0  }
0xa4: {  	s25 =	simm.s32 $0x1B8E;
	s24 =	sld [smem:$0x3FFE];
	[sflag:s23] =	ssyncadd.s32 $0xFFFFFFFF  }
0xa5: {  	s26 =	simm.s32 $execute0_lowered;
	[smem:$0x3FD2] =	sst s25  }
0xa6: {  	s5 =	sshll.u32 s26, $0x1;
	_ =	strace $0x80000046;
	[dreg:$0x1] =	wrdreg $0xFFFFFFFF  }
0xa7: {  	s28 =	simm.s32 $_size_execute0_lowered;
	s3 =	sadd.s32 s3, s5;
	[dreg:$0x0] =	wrdreg $0x0  }
0xa8: {  	s5 =	sshll.u32 s28, $0x1;
	[dreg:$0x2] =	wrdreg s3  }
0xa9: {  	[dreg:$0x3] =	wrdreg s5  }
0xaa: {  	[dreg:$0x4] =	wrdreg $0xC0  }
0xab: {  	_ =	task [dreg:s7], $0x5FFFF  }
0xac: {  	[dreg:$0x1] =	wrdreg $0xFFFFFFFF  }
0xad: {  	[dreg:$0x0] =	wrdreg $0x60  }
0xae: {  	[dreg:$0x2] =	wrdreg s24  }
0xaf: {  	[dreg:$0x3] =	wrdreg s2  }
0xb0: {  	[dreg:$0x4] =	wrdreg $0x9  }
0xb1: {  	_ =	task.clear_ibuf [dreg:s7], $0x5FFFF;
	_ =	strace $0x90000046  }
0xb2: {  	s29 =	simm.s32 $0x9;
	_ =	strace $0x80000048  }
0xb3: {  	_ =	swait.ge [sflag:s29], $0x1  }
0xb4: {  	[sflag:s29] =	ssyncadd.s32 $0xFFFFFFFF  }
0xb5: {  	_ =	strace $0x90000048  }
0xb6: {  	_ =	sfence  }
0xb7: {  	s30 =	sld [smem:$0x0];
	_ =	sdelay $0x2  }
0xb8: {  	s31 =	sshll.u32 s1, $0xD;
	s1 =	sshrl.u32 s1, $0x2  }
0xb9: {  	s3 =	sand.u32 $0x4000, s31;
	s1 =	sadd.s32 s1, s30  }
0xba: {  	s0 =	sor.u32 s3, s0;
	s1 =	sshll.u32 s1, $0x11  }
0xbb: {  	s0 =	sor.u32 s1, s0  }
0xbc: {  	s0 =	sadd.s32 $0x8F2B, s0  }
0xbd: {  	[sflag:s0] =	ssyncadd.remote.s32 $0x1  }
0xbe: {  	_ =	sfence.sel $0xFFFF  }
0xbf: {  	[dreg:$0x0] =	wrdreg $0xFFFFFFFF;
	(pc) =	sbr.abs _section_cstart, $3  }
0xc0: {  	[dreg:$0x1] =	wrdreg $0xFFFFFFFF  }
0xc1: {  	_ =	task.clear_ibuf [dreg:s7], $0x2FFFF;
	_ =	strace $0x9FFFFFFF  }
0xc2: {  	(tm) =	ssettm $0x7FFFFFFF  }
0xc3: {  	_ =	shalt  }
tec
execute0_lowered:
.L_overlay_start_1:
0x0: {  	(tag) =	ssettag $0x1  }
0x1: {  	s11 =	rddreg [dreg:$0x0];
	s0 =	srdreg.scid  }
0x2: {  	s2 =	stileid.u32;
	s1 =	rddreg [dreg:$0x1]  }
0x3: {  	s3 =	simm.s32 $0x0;
	s14 =	simm.s32 $0x3400;
	s23 =	simm.s32 $0x1  }
0x4: {  	s25 =	simm.s32 $0x13880;
	s28 =	simm.s32 $0x15F80;
	s29 =	simm.s32 $0x2  }
0x5: {  	s30 =	simm.s32 $0x16C80;
	s31 =	simm.s32 $0x17980;
	s15 =	simm.s32 $0x3  }
0x6: {  	s17 =	simm.s32 $0x5;
	s18 =	simm.s32 $0x4;
	s19 =	simm.s32 $0x6  }
0x7: {  	s0 =	sand.u32 $0x1, s0;
	s2 =	sshll.u32 s2, $0x1;
	[smem:$0x7FF] =	sst s3  }
0x8: {  	s4 =	sadd.s32 $0xF42400, s11;
	s5 =	sadd.s32 $0xD200, s11;
	s9 =	sadd.s32 $0xD400, s11  }
0x9: {  	s10 =	sadd.s32 $0xD600, s11;
	s2 =	sor.u32 s0, s2;
	s0 =	ssub.s32 $0x2, s0  }
0xa: {  	_ =	strace $0x80000047;
	s6 =	smul.u32 $0x680, s2;
	s8 =	sshrl.u32 s0, $0x1  }
.Ltmp0:
0xb: {  	s0 =	ssub.s32 s0, s8;
	s8 =	sshll.u32 s2, $0x12;
	(pc) =	sbr.rel .LBB2_1-.Ltmp0, $4  }
0xc: {  	s7 =	sadd.s32 s6, s11;
	s1 =	sadd.s32 s1, s6;
	s11 =	sadd.s32 $0xD800, s11  }
0xd: {  	s0 =	smax.u32 s0, $0x1;
	s6 =	simm.s32 $0x0;
	[dreg:$0x3] =	wrdreg s1  }
0xe: {  	s26 =	sadd.s32 $0x200, s7;
	[dreg:$0x5] =	wrdreg s0;
	s1 =	simm.s32 $0x18680  }
0xf: {  	s0 =	simm.s32 $0x19380;
	[dreg:$0x4] =	wrdreg s26;
	s26 =	simm.s32 $0x14580  }
.LBB2_12:
0x10: {  	_ =	swait.ge [sflag:s17], $0xD00  }
0x11: {  	[sflag:s17] =	ssyncset.done $0x0  }
0x12: {  	[sflag:s17] =	ssyncadd.s32 $0xFFFFF300  }
0x13: {  	_ =	swait.ge [sflag:s17], $0xD00  }
0x14: {  	[sflag:s17] =	ssyncset.done $0x0  }
0x15: {  	[sflag:s17] =	ssyncadd.s32 $0xFFFFF300  }
0x16: {  	_ =	swait.ge [sflag:s17], $0xD00  }
0x17: {  	[sflag:s17] =	ssyncset.done $0x0  }
0x18: {  	[sflag:s17] =	ssyncadd.s32 $0xFFFFF300  }
0x19: {  	_ =	swait.ge [sflag:s17], $0xD00  }
0x1a: {  	[sflag:s17] =	ssyncset.done $0x0  }
0x1b: {  	[sflag:s17] =	ssyncadd.s32 $0xFFFFF300  }
0x1c: {  	_ =	swait.ge [sflag:s19], $0xD00  }
0x1d: {  	[sflag:s19] =	ssyncset.done $0x0  }
0x1e: {  	[sflag:s19] =	ssyncadd.s32 $0xFFFFF300  }
0x1f: {  	_ =	swait.ge [sflag:s19], $0xD00  }
0x20: {  	[sflag:s19] =	ssyncset.done $0x0  }
0x21: {  	[sflag:s19] =	ssyncadd.s32 $0xFFFFF300  }
0x22: {  	_ =	swait.ge [sflag:s19], $0xD00  }
0x23: {  	[sflag:s19] =	ssyncset.done $0x0  }
0x24: {  	[sflag:s19] =	ssyncadd.s32 $0xFFFFF300  }
0x25: {  	_ =	swait.ge [sflag:s19], $0xD00  }
0x26: {  	s6 =	rddreg [dreg:$0x6]  }
0x27: {  	s2 =	rddreg [dreg:$0x5];
	s6 =	sadd.s32 $0x1, s6  }
0x28: {  	p0 =	sne.s32 s6, s2  }
.Ltmp1:
0x29: {  	_ = 	snop;
	(pc) =	sbr.rel @!p0 .LBB2_13-.Ltmp1, $3  }
0x2a: {  	_ =	sdelay $0x1  }
0x2b: {  	[sflag:s19] =	ssyncset.done $0x0  }
0x2c: {  	[sflag:s19] =	ssyncadd.s32 $0xFFFFF300  }
.LBB2_1:
0x2d: {  	[dreg:$0x6] =	wrdreg s6  }
0x2e: {  	s2 =	rddreg [dreg:$0x3];
	s21 =	simm.s32 $0x7  }
0x2f: {  	[tilespmem:s3], [sflag:$0x7] =	stream.linear.gather [hbm4b:s2+s3], $0x3400, $0x38;
	[tilespmem:$0x1A080] =	vst v63  }
0x30: {  	_ =	swait.ge [sflag:s21], $0x3400  }
0x31: {  	[sflag:s21] =	ssyncset.done $0x0  }
0x32: {  	s22 =	rddreg [dreg:$0x4];
	[sflag:s21] =	ssyncadd.s32 $0xFFFFCC00  }
0x33: {  	[tilespmem:s14], [sflag:$0x7] =	stream.linear.gather [hbm4b:s22+s3], $0x3400, $0x38;
	[tilespmem:$0x1A080] =	vst v63  }
0x34: {  	_ =	swait.ge [sflag:s21], $0x3400  }
0x35: {  	[sflag:s21] =	ssyncset.done $0x0  }
0x36: {  	[sflag:s21] =	ssyncadd.s32 $0xFFFFCC00  }
0x37: {  	s7 =	simm.s32 $0x6800;
	s24 =	rddreg [dreg:$0x0]  }
0x38: {  	[tilespmem:s7], [sflag:$0x7] =	stream.linear.gather [hbm4b:s24+s3], $0x80, $0x38;
	[tilespmem:$0x1A080] =	vst v63  }
0x39: {  	_ =	swait.ge [sflag:s21], $0x80  }
0x3a: {  	[sflag:s21] =	ssyncset.done $0x0  }
0x3b: {  	s12 =	simm.s32 $0x68;
	s13 =	simm.s32 $0x6880;
	[sflag:s21] =	ssyncadd.s32 $0xFFFFFF80  }
0x3c: {  	v0 =	vld [tilespmem:$0x6800];
	[tilespmem:s13], [sflag:$0x1] =	stream.indirect.gather [hbm4b:s4+s12], $0x80, s3, s12, $0xb8  }
0x3d: {  	s16 =	simm.s32 $0x9C80  }
0x3e: {  	[tilespmem:s16], [sflag:$0x2] =	stream.indirect.gather [hbm4b:s4+s12], $0x80, s12, s12, $0xb8;
	[tilespmem:$0x1A080] =	vst v63  }
0x3f: {  	s20 =	simm.s32 $0xD0;
	s21 =	simm.s32 $0xD080  }
0x40: {  	[tilespmem:s21], [sflag:$0x3] =	stream.indirect.gather [hbm4b:s4+s12], $0x80, s20, s12, $0xb8;
	[tilespmem:$0x1A080] =	vst v63  }
0x41: {  	s22 =	simm.s32 $0x138;
	s24 =	simm.s32 $0x10480;
	s21 =	simm.s32 $0x0  }
0x42: {  	[tilespmem:s24], [sflag:$0x4] =	stream.indirect.gather [hbm4b:s4+s12], $0x80, s22, s12, $0xb8;
	[tilespmem:$0x1A080] =	vst v63  }
.LBB2_2:
0x43: {  	_ =	swait.ge [sflag:s23], $0x3400  }
0x44: {  	p1 =	seq.s32 s21, $0x0;
	[sflag:s23] =	ssyncset.done $0x0  }
0x45: {  	s2 =	simm.s32 @!p1 $0x5;
	[sflag:s23] =	ssyncadd.s32 $0xFFFFCC00  }
0x46: {  	_ =	swait.ge @!p1 [sflag:s2], $0xD00  }
0x47: {  	s6 =	smul.u32 $0x1A0, s21;
	[sflag:s2] =	ssyncset.done @!p1 $0x0  }
0x48: {  	[sflag:s2] =	ssyncadd.s32 @!p1 $0xFFFFF300  }
0x49: {  	s13 =	sadd.s32 $0x0, s6;
	_ =	swait.ge @!p1 [sflag:s2], $0xD00  }
0x4a: {  	v1 =	vmov s13;
	[sflag:s2] =	ssyncset.done @!p1 $0x0  }
0x4b: {  	v1 =	vand.u32 $0xFFFFFFFE, v1;
	[sflag:s2] =	ssyncadd.s32 @!p1 $0xFFFFF300  }
0x4c: {  	v1 =	vbroadcast v1, $0x0;
	_ =	swait.ge @!p1 [sflag:s2], $0xD00  }
0x4d: {  	[sflag:s2] =	ssyncset.done @!p1 $0x0  }
0x4e: {  	[sflag:s2] =	ssyncadd.s32 @!p1 $0xFFFFF300  }
0x4f: {  	_ =	swait.ge @!p1 [sflag:s2], $0xD00  }
0x50: {  	[sflag:s2] =	ssyncset.done @!p1 $0x0  }
0x51: {  	[sflag:s2] =	ssyncadd.s32 @!p1 $0xFFFFF300  }
0x52: {  	s12 =	simm.s32 $0x6900;
	v1 =	vld.idx.msk [tilespmem:v1+s14+$0x0], $0xffff  }
0x53: {  	v2 =	vld [tilespmem:s12+$0xFFFFFFC0]  }
0x54: {  	v3 =	vld [tilespmem:s12+$0xFFFFFF80];
	_ =	sdelay $0x3  }
0x55: {  	vm0 =	vgt.s32 v1, $0x0  }
0x56: {  	v1 =	vsel vm0, v2, v3  }
0x57: {  	v1 =	vmul.f32 v1, v0  }
0x58: {  	s7 =	simm.s32 $0x13900  }
0x59: {  	[tilespmem:s7+$0xFFFFFF80] =	vst v1  }
0x5a: {  	v1 =	vld [tilespmem:s12+$0xFFFFFF90]  }
0x5b: {  	v2 =	vld [tilespmem:s12+$0xFFFFFFD0];
	_ =	sdelay $0x4  }
0x5c: {  	v1 =	vsel vm0, v2, v1  }
0x5d: {  	v1 =	vmul.f32 v1, v0;
	_ =	sdelay $0x1  }
0x5e: {  	[tilespmem:s7+$0xFFFFFF90] =	vst v1  }
0x5f: {  	v1 =	vld [tilespmem:s12+$0xFFFFFFA0]  }
0x60: {  	v2 =	vld [tilespmem:s12+$0xFFFFFFE0];
	_ =	sdelay $0x4  }
0x61: {  	v1 =	vsel vm0, v2, v1  }
0x62: {  	v1 =	vmul.f32 v1, v0;
	_ =	sdelay $0x1  }
0x63: {  	[tilespmem:s7+$0xFFFFFFA0] =	vst v1  }
0x64: {  	v1 =	vld [tilespmem:s12+$0xFFFFFFB0]  }
0x65: {  	v2 =	vld [tilespmem:s12+$0xFFFFFFF0];
	_ =	sdelay $0x2  }
0x66: {  	s20 =	sadd.s32 $0x1, s13  }
0x67: {  	v3 =	vmov s20  }
0x68: {  	v1 =	vsel vm0, v2, v1  }
0x69: {  	v1 =	vmul.f32 v1, v0;
	_ =	sdelay $0x1  }
0x6a: {  	[tilespmem:s7+$0xFFFFFFB0] =	vst v1  }
0x6b: {  	v1 =	vld.idx.msk [tilespmem:v3+s14+$0x0], $0xffff  }
0x6c: {  	v2 =	vld [tilespmem:s12+$0x0]  }
0x6d: {  	v3 =	vld [tilespmem:s12+$0x40];
	_ =	sdelay $0x3  }
0x6e: {  	vm0 =	vgt.s32 v1, $0x0  }
0x6f: {  	v1 =	vsel vm0, v3, v2  }
0x70: {  	v1 =	vmul.f32 v1, v0;
	_ =	sdelay $0x1  }
0x71: {  	[tilespmem:s7+$0x0] =	vst v1  }
0x72: {  	v1 =	vld [tilespmem:s12+$0x10]  }
0x73: {  	v2 =	vld [tilespmem:s12+$0x50];
	_ =	sdelay $0x4  }
0x74: {  	v1 =	vsel vm0, v2, v1  }
0x75: {  	v1 =	vmul.f32 v1, v0;
	_ =	sdelay $0x1  }
0x76: {  	[tilespmem:s7+$0x10] =	vst v1  }
0x77: {  	v1 =	vld [tilespmem:s12+$0x20]  }
0x78: {  	v2 =	vld [tilespmem:s12+$0x60];
	_ =	sdelay $0x4  }
0x79: {  	v1 =	vsel vm0, v2, v1  }
0x7a: {  	v1 =	vmul.f32 v1, v0;
	_ =	sdelay $0x1  }
0x7b: {  	[tilespmem:s7+$0x20] =	vst v1  }
0x7c: {  	s24 =	simm.s32 $0x4;
	s22 =	sadd.s32 $0x2, s6;
	v1 =	vld [tilespmem:s12+$0x30]  }
0x7d: {  	s13 =	simm.s32 $0x13900;
	s2 =	sshll.u32 s21, $0x2;
	v3 =	vmov s22;
	s22 =	sadd.s32 $0x1, s22;
	v2 =	vld [tilespmem:s12+$0x70]  }
.LBB2_3:
0x7e: {  	s7 =	sadd.s32 $0x100, s7  }
0x7f: {  	v3 =	vand.u32 $0xFFFFFFFE, v3;
	s12 =	sadd.s32 $0x100, s12;
	s16 =	smov.u32 s24;
	s20 =	sadd.s32 $0x2, s24  }
0x80: {  	p0 =	slt.u32 s24, $0x66;
	v3 =	vbroadcast v3, $0x0;
	_ =	sdelay $0x2  }
0x81: {  	v1 =	vsel vm0, v2, v1  }
0x82: {  	v1 =	vmul.f32 v1, v0;
	_ =	sdelay $0x1  }
0x83: {  	[tilespmem:s13+$0x30] =	vst v1;
	s13 =	smov.u32 s7  }
0x84: {  	v1 =	vld.idx.msk [tilespmem:v3+s14+$0x0], $0xffff  }
0x85: {  	v2 =	vld [tilespmem:s12+$0xFFFFFFC0]  }
0x86: {  	v3 =	vld [tilespmem:s12+$0xFFFFFF80];
	_ =	sdelay $0x3  }
0x87: {  	vm0 =	vgt.s32 v1, $0x0  }
0x88: {  	v1 =	vsel vm0, v2, v3  }
0x89: {  	v1 =	vmul.f32 v1, v0;
	_ =	sdelay $0x1  }
0x8a: {  	[tilespmem:s7+$0xFFFFFF80] =	vst v1  }
0x8b: {  	v1 =	vld [tilespmem:s12+$0xFFFFFF90]  }
0x8c: {  	v2 =	vld [tilespmem:s12+$0xFFFFFFD0];
	_ =	sdelay $0x4  }
0x8d: {  	v1 =	vsel vm0, v2, v1  }
0x8e: {  	v1 =	vmul.f32 v1, v0;
	_ =	sdelay $0x1  }
0x8f: {  	[tilespmem:s7+$0xFFFFFF90] =	vst v1  }
0x90: {  	v1 =	vld [tilespmem:s12+$0xFFFFFFA0]  }
0x91: {  	v2 =	vld [tilespmem:s12+$0xFFFFFFE0];
	_ =	sdelay $0x4  }
0x92: {  	v1 =	vsel vm0, v2, v1  }
0x93: {  	v1 =	vmul.f32 v1, v0;
	_ =	sdelay $0x1  }
0x94: {  	[tilespmem:s7+$0xFFFFFFA0] =	vst v1  }
0x95: {  	v1 =	vld [tilespmem:s12+$0xFFFFFFB0]  }
0x96: {  	v2 =	vld [tilespmem:s12+$0xFFFFFFF0];
	_ =	sdelay $0x3  }
0x97: {  	v3 =	vmov s22  }
0x98: {  	v1 =	vsel vm0, v2, v1  }
0x99: {  	v1 =	vmul.f32 v1, v0;
	_ =	sdelay $0x1  }
0x9a: {  	[tilespmem:s7+$0xFFFFFFB0] =	vst v1  }
0x9b: {  	v1 =	vld.idx.msk [tilespmem:v3+s14+$0x0], $0xffff  }
0x9c: {  	v2 =	vld [tilespmem:s12+$0x0]  }
0x9d: {  	v3 =	vld [tilespmem:s12+$0x40];
	_ =	sdelay $0x3  }
0x9e: {  	vm0 =	vgt.s32 v1, $0x0  }
0x9f: {  	v1 =	vsel vm0, v3, v2  }
0xa0: {  	v1 =	vmul.f32 v1, v0;
	_ =	sdelay $0x1  }
0xa1: {  	[tilespmem:s7+$0x0] =	vst v1  }
0xa2: {  	v1 =	vld [tilespmem:s12+$0x10]  }
0xa3: {  	v2 =	vld [tilespmem:s12+$0x50];
	_ =	sdelay $0x4  }
0xa4: {  	v1 =	vsel vm0, v2, v1  }
0xa5: {  	v1 =	vmul.f32 v1, v0;
	_ =	sdelay $0x1  }
0xa6: {  	[tilespmem:s7+$0x10] =	vst v1  }
0xa7: {  	v1 =	vld [tilespmem:s12+$0x20]  }
0xa8: {  	v2 =	vld [tilespmem:s12+$0x60];
	_ =	sdelay $0x4  }
0xa9: {  	v1 =	vsel vm0, v2, v1  }
.Ltmp2:
0xaa: {  	v1 =	vmul.f32 v1, v0;
	(pc) =	sbr.rel @p0 .LBB2_3-.Ltmp2, $4  }
0xab: {  	_ = 	snop  }
0xac: {  	[tilespmem:s7+$0x20] =	vst v1  }
0xad: {  	s16 =	sadd.s32 s6, s16;
	v1 =	vld [tilespmem:s12+$0x30]  }
0xae: {  	s24 =	smov.u32 s20;
	s22 =	sadd.s32 $0x1, s16;
	v3 =	vmov s16;
	v2 =	vld [tilespmem:s12+$0x70]  }
0xaf: {  	_ = 	snop  }
0xb0: {  	v3 =	vand.u32 $0xFFFFFFFE, v3  }
0xb1: {  	v3 =	vbroadcast v3, $0x0;
	_ =	sdelay $0x1  }
0xb2: {  	v1 =	vsel vm0, v2, v1  }
0xb3: {  	v1 =	vmul.f32 v1, v0;
	_ =	sdelay $0x1  }
0xb4: {  	[tilespmem:s13+$0x30] =	vst v1  }
0xb5: {  	s6 =	sadd.s32 $0x100, s12;
	v1 =	vld.idx.msk [tilespmem:v3+s14+$0x0], $0xffff  }
0xb6: {  	v2 =	vld [tilespmem:s6+$0xFFFFFFC0]  }
0xb7: {  	v3 =	vld [tilespmem:s6+$0xFFFFFF80];
	_ =	sdelay $0x3  }
0xb8: {  	vm0 =	vgt.s32 v1, $0x0  }
0xb9: {  	v1 =	vsel vm0, v2, v3  }
0xba: {  	v1 =	vmul.f32 v1, v0  }
0xbb: {  	s7 =	sadd.s32 $0x100, s7  }
0xbc: {  	[tilespmem:s7+$0xFFFFFF80] =	vst v1  }
0xbd: {  	v1 =	vld [tilespmem:s6+$0xFFFFFF90]  }
0xbe: {  	v2 =	vld [tilespmem:s6+$0xFFFFFFD0];
	_ =	sdelay $0x4  }
0xbf: {  	v1 =	vsel vm0, v2, v1  }
0xc0: {  	v1 =	vmul.f32 v1, v0;
	_ =	sdelay $0x1  }
0xc1: {  	[tilespmem:s7+$0xFFFFFF90] =	vst v1  }
0xc2: {  	v1 =	vld [tilespmem:s6+$0xFFFFFFA0]  }
0xc3: {  	v2 =	vld [tilespmem:s6+$0xFFFFFFE0];
	_ =	sdelay $0x4  }
0xc4: {  	v1 =	vsel vm0, v2, v1  }
0xc5: {  	v1 =	vmul.f32 v1, v0;
	_ =	sdelay $0x1  }
0xc6: {  	[tilespmem:s7+$0xFFFFFFA0] =	vst v1  }
0xc7: {  	v1 =	vld [tilespmem:s6+$0xFFFFFFB0]  }
0xc8: {  	v2 =	vld [tilespmem:s6+$0xFFFFFFF0];
	_ =	sdelay $0x3  }
0xc9: {  	v3 =	vmov s22  }
0xca: {  	v1 =	vsel vm0, v2, v1  }
0xcb: {  	v1 =	vmul.f32 v1, v0;
	_ =	sdelay $0x1  }
0xcc: {  	[tilespmem:s7+$0xFFFFFFB0] =	vst v1  }
0xcd: {  	v1 =	vld.idx.msk [tilespmem:v3+s14+$0x0], $0xffff  }
0xce: {  	v2 =	vld [tilespmem:s6+$0x0]  }
0xcf: {  	v3 =	vld [tilespmem:s6+$0x40];
	_ =	sdelay $0x3  }
0xd0: {  	vm0 =	vgt.s32 v1, $0x0  }
0xd1: {  	v1 =	vsel vm0, v3, v2  }
0xd2: {  	v1 =	vmul.f32 v1, v0;
	_ =	sdelay $0x1  }
0xd3: {  	[tilespmem:s7+$0x0] =	vst v1  }
0xd4: {  	v1 =	vld [tilespmem:s6+$0x10]  }
0xd5: {  	v2 =	vld [tilespmem:s6+$0x50];
	_ =	sdelay $0x4  }
0xd6: {  	v1 =	vsel vm0, v2, v1  }
0xd7: {  	v1 =	vmul.f32 v1, v0;
	_ =	sdelay $0x1  }
0xd8: {  	[tilespmem:s7+$0x10] =	vst v1  }
0xd9: {  	v1 =	vld [tilespmem:s6+$0x20]  }
0xda: {  	v2 =	vld [tilespmem:s6+$0x60];
	_ =	sdelay $0x4  }
0xdb: {  	v1 =	vsel vm0, v2, v1  }
0xdc: {  	v1 =	vmul.f32 v1, v0;
	_ =	sdelay $0x1  }
0xdd: {  	[tilespmem:s7+$0x20] =	vst v1  }
0xde: {  	v1 =	vld [tilespmem:s6+$0x30]  }
0xdf: {  	v2 =	vld [tilespmem:s6+$0x70];
	_ =	sdelay $0x4  }
0xe0: {  	v1 =	vsel vm0, v2, v1  }
0xe1: {  	s16 =	sshll.u32 s21, $0xD;
	v1 =	vmul.f32 v1, v0  }
0xe2: {  	s6 =	sadd.s32 s8, s16  }
0xe3: {  	s20 =	sadd.s32 s5, s6;
	[tilespmem:s7+$0x30] =	vst v1  }
0xe4: {  	[hbm4b:s20+s3] =	stream.linear.scatter [tilespmem:s25], [sflag:$0x5], $0xD00, $0x38;
	[tilespmem:$0x1A080] =	vst v63  }
0xe5: {  	s22 =	sadd.s32 s6, s9  }
0xe6: {  	[hbm4b:s22+s3] =	stream.linear.scatter [tilespmem:s26], [sflag:$0x5], $0xD00, $0x38;
	[tilespmem:$0x1A080] =	vst v63  }
0xe7: {  	p0 =	seq.s32 s21, $0x1F;
	s24 =	sadd.s32 s6, s10;
	s25 =	simm.s32 $0x15280  }
0xe8: {  	[hbm4b:s24+s3] =	stream.linear.scatter [tilespmem:s25], [sflag:$0x5], $0xD00, $0x38;
	[tilespmem:$0x1A080] =	vst v63  }
0xe9: {  	s6 =	sadd.s32 s6, s11;
	s7 =	smul.u32 @!p0 $0x680, s21  }
0xea: {  	[hbm4b:s6+s3] =	stream.linear.scatter [tilespmem:s28], [sflag:$0x5], $0xD00, $0x38;
	[tilespmem:$0x1A080] =	vst v63  }
0xeb: {  	s6 =	sshra.s32 @!p0 s7, $0x2  }
0xec: {  	s12 =	simm.s32 @!p0 $0x68;
	s13 =	simm.s32 @!p0 $0x6880;
	s7 =	sadd.s32 @!p0 $0x1A0, s6  }
0xed: {  	[tilespmem:s13], [sflag:$0x1] =	stream.indirect.gather @!p0 [hbm4b:s4+s12], $0x80, s7, s12, $0xb8;
	[tilespmem:$0x1A080] =	vst v63  }
0xee: {  	_ =	swait.ge [sflag:s29], $0x3400  }
0xef: {  	[sflag:s29] =	ssyncset.done $0x0  }
0xf0: {  	s13 =	simm.s32 @!p1 $0x6;
	[sflag:s29] =	ssyncadd.s32 $0xFFFFCC00  }
0xf1: {  	s7 =	sor.u32 $0x1, s2;
	_ =	swait.ge @!p1 [sflag:s13], $0xD00  }
0xf2: {  	s12 =	smul.u32 $0x68, s7;
	[sflag:s13] =	ssyncset.done @!p1 $0x0  }
0xf3: {  	[sflag:s13] =	ssyncadd.s32 @!p1 $0xFFFFF300  }
0xf4: {  	s16 =	sadd.s32 $0x0, s12;
	_ =	swait.ge @!p1 [sflag:s13], $0xD00  }
0xf5: {  	v1 =	vmov s16;
	[sflag:s13] =	ssyncset.done @!p1 $0x0  }
0xf6: {  	v1 =	vand.u32 $0xFFFFFFFE, v1;
	[sflag:s13] =	ssyncadd.s32 @!p1 $0xFFFFF300  }
0xf7: {  	v1 =	vbroadcast v1, $0x0;
	_ =	swait.ge @!p1 [sflag:s13], $0xD00  }
0xf8: {  	[sflag:s13] =	ssyncset.done @!p1 $0x0  }
0xf9: {  	[sflag:s13] =	ssyncadd.s32 @!p1 $0xFFFFF300  }
0xfa: {  	_ =	swait.ge @!p1 [sflag:s13], $0xD00  }
0xfb: {  	[sflag:s13] =	ssyncset.done @!p1 $0x0  }
0xfc: {  	[sflag:s13] =	ssyncadd.s32 @!p1 $0xFFFFF300  }
0xfd: {  	s20 =	simm.s32 $0x9D00;
	v1 =	vld.idx.msk [tilespmem:v1+s14+$0x0], $0xffff  }
0xfe: {  	v2 =	vld [tilespmem:s20+$0xFFFFFFC0]  }
0xff: {  	v3 =	vld [tilespmem:s20+$0xFFFFFF80];
	_ =	sdelay $0x3  }
0x100: {  	vm0 =	vgt.s32 v1, $0x0  }
0x101: {  	v1 =	vsel vm0, v2, v3  }
0x102: {  	v1 =	vmul.f32 v1, v0  }
0x103: {  	s13 =	simm.s32 $0x16D00  }
0x104: {  	[tilespmem:s13+$0xFFFFFF80] =	vst v1  }
0x105: {  	v1 =	vld [tilespmem:s20+$0xFFFFFF90]  }
0x106: {  	v2 =	vld [tilespmem:s20+$0xFFFFFFD0];
	_ =	sdelay $0x4  }
0x107: {  	v1 =	vsel vm0, v2, v1  }
0x108: {  	v1 =	vmul.f32 v1, v0;
	_ =	sdelay $0x1  }
0x109: {  	[tilespmem:s13+$0xFFFFFF90] =	vst v1  }
0x10a: {  	v1 =	vld [tilespmem:s20+$0xFFFFFFA0]  }
0x10b: {  	v2 =	vld [tilespmem:s20+$0xFFFFFFE0];
	_ =	sdelay $0x4  }
0x10c: {  	v1 =	vsel vm0, v2, v1  }
0x10d: {  	v1 =	vmul.f32 v1, v0;
	_ =	sdelay $0x1  }
0x10e: {  	[tilespmem:s13+$0xFFFFFFA0] =	vst v1  }
0x10f: {  	v1 =	vld [tilespmem:s20+$0xFFFFFFB0]  }
0x110: {  	v2 =	vld [tilespmem:s20+$0xFFFFFFF0];
	_ =	sdelay $0x2  }
0x111: {  	s16 =	sadd.s32 $0x1, s16  }
0x112: {  	v3 =	vmov s16  }
0x113: {  	v1 =	vsel vm0, v2, v1  }
0x114: {  	v1 =	vmul.f32 v1, v0;
	_ =	sdelay $0x1  }
0x115: {  	[tilespmem:s13+$0xFFFFFFB0] =	vst v1  }
0x116: {  	v1 =	vld.idx.msk [tilespmem:v3+s14+$0x0], $0xffff  }
0x117: {  	v2 =	vld [tilespmem:s20+$0x0]  }
0x118: {  	v3 =	vld [tilespmem:s20+$0x40];
	_ =	sdelay $0x3  }
0x119: {  	vm0 =	vgt.s32 v1, $0x0  }
0x11a: {  	v1 =	vsel vm0, v3, v2  }
0x11b: {  	v1 =	vmul.f32 v1, v0;
	_ =	sdelay $0x1  }
0x11c: {  	[tilespmem:s13+$0x0] =	vst v1  }
0x11d: {  	v1 =	vld [tilespmem:s20+$0x10]  }
0x11e: {  	v2 =	vld [tilespmem:s20+$0x50];
	_ =	sdelay $0x4  }
0x11f: {  	v1 =	vsel vm0, v2, v1  }
0x120: {  	v1 =	vmul.f32 v1, v0;
	_ =	sdelay $0x1  }
0x121: {  	[tilespmem:s13+$0x10] =	vst v1  }
0x122: {  	v1 =	vld [tilespmem:s20+$0x20]  }
0x123: {  	v2 =	vld [tilespmem:s20+$0x60];
	_ =	sdelay $0x4  }
0x124: {  	v1 =	vsel vm0, v2, v1  }
0x125: {  	v1 =	vmul.f32 v1, v0;
	_ =	sdelay $0x1  }
0x126: {  	[tilespmem:s13+$0x20] =	vst v1  }
0x127: {  	s26 =	sadd.s32 $0x2, s12;
	v1 =	vld [tilespmem:s20+$0x30]  }
0x128: {  	s22 =	simm.s32 $0x16D00;
	s25 =	sadd.s32 $0x1, s26;
	s16 =	simm.s32 $0x4;
	v3 =	vmov s26;
	v2 =	vld [tilespmem:s20+$0x70]  }
.LBB2_5:
0x129: {  	s13 =	sadd.s32 $0x100, s13  }
0x12a: {  	v3 =	vand.u32 $0xFFFFFFFE, v3;
	s20 =	sadd.s32 $0x100, s20;
	s24 =	smov.u32 s16;
	s26 =	sadd.s32 $0x2, s16  }
0x12b: {  	p1 =	slt.u32 s16, $0x66;
	v3 =	vbroadcast v3, $0x0;
	_ =	sdelay $0x2  }
0x12c: {  	v1 =	vsel vm0, v2, v1  }
0x12d: {  	v1 =	vmul.f32 v1, v0;
	_ =	sdelay $0x1  }
0x12e: {  	[tilespmem:s22+$0x30] =	vst v1;
	s22 =	smov.u32 s13  }
0x12f: {  	v1 =	vld.idx.msk [tilespmem:v3+s14+$0x0], $0xffff  }
0x130: {  	v2 =	vld [tilespmem:s20+$0xFFFFFFC0]  }
0x131: {  	v3 =	vld [tilespmem:s20+$0xFFFFFF80];
	_ =	sdelay $0x3  }
0x132: {  	vm0 =	vgt.s32 v1, $0x0  }
0x133: {  	v1 =	vsel vm0, v2, v3  }
0x134: {  	v1 =	vmul.f32 v1, v0;
	_ =	sdelay $0x1  }
0x135: {  	[tilespmem:s13+$0xFFFFFF80] =	vst v1  }
0x136: {  	v1 =	vld [tilespmem:s20+$0xFFFFFF90]  }
0x137: {  	v2 =	vld [tilespmem:s20+$0xFFFFFFD0];
	_ =	sdelay $0x4  }
0x138: {  	v1 =	vsel vm0, v2, v1  }
0x139: {  	v1 =	vmul.f32 v1, v0;
	_ =	sdelay $0x1  }
0x13a: {  	[tilespmem:s13+$0xFFFFFF90] =	vst v1  }
0x13b: {  	v1 =	vld [tilespmem:s20+$0xFFFFFFA0]  }
0x13c: {  	v2 =	vld [tilespmem:s20+$0xFFFFFFE0];
	_ =	sdelay $0x4  }
0x13d: {  	v1 =	vsel vm0, v2, v1  }
0x13e: {  	v1 =	vmul.f32 v1, v0;
	_ =	sdelay $0x1  }
0x13f: {  	[tilespmem:s13+$0xFFFFFFA0] =	vst v1  }
0x140: {  	v1 =	vld [tilespmem:s20+$0xFFFFFFB0]  }
0x141: {  	v2 =	vld [tilespmem:s20+$0xFFFFFFF0];
	_ =	sdelay $0x3  }
0x142: {  	v3 =	vmov s25  }
0x143: {  	v1 =	vsel vm0, v2, v1  }
0x144: {  	v1 =	vmul.f32 v1, v0;
	_ =	sdelay $0x1  }
0x145: {  	[tilespmem:s13+$0xFFFFFFB0] =	vst v1  }
0x146: {  	v1 =	vld.idx.msk [tilespmem:v3+s14+$0x0], $0xffff  }
0x147: {  	v2 =	vld [tilespmem:s20+$0x0]  }
0x148: {  	v3 =	vld [tilespmem:s20+$0x40];
	_ =	sdelay $0x3  }
0x149: {  	vm0 =	vgt.s32 v1, $0x0  }
0x14a: {  	v1 =	vsel vm0, v3, v2  }
0x14b: {  	v1 =	vmul.f32 v1, v0;
	_ =	sdelay $0x1  }
0x14c: {  	[tilespmem:s13+$0x0] =	vst v1  }
0x14d: {  	v1 =	vld [tilespmem:s20+$0x10]  }
0x14e: {  	v2 =	vld [tilespmem:s20+$0x50];
	_ =	sdelay $0x4  }
0x14f: {  	v1 =	vsel vm0, v2, v1  }
0x150: {  	v1 =	vmul.f32 v1, v0;
	_ =	sdelay $0x1  }
0x151: {  	[tilespmem:s13+$0x10] =	vst v1  }
0x152: {  	v1 =	vld [tilespmem:s20+$0x20]  }
0x153: {  	v2 =	vld [tilespmem:s20+$0x60];
	_ =	sdelay $0x4  }
0x154: {  	v1 =	vsel vm0, v2, v1  }
.Ltmp3:
0x155: {  	v1 =	vmul.f32 v1, v0;
	(pc) =	sbr.rel @p1 .LBB2_5-.Ltmp3, $4  }
0x156: {  	_ = 	snop  }
0x157: {  	[tilespmem:s13+$0x20] =	vst v1  }
0x158: {  	s16 =	sadd.s32 s12, s24;
	v1 =	vld [tilespmem:s20+$0x30]  }
0x159: {  	s25 =	sadd.s32 $0x1, s16;
	v3 =	vmov s16;
	s16 =	smov.u32 s26;
	v2 =	vld [tilespmem:s20+$0x70]  }
0x15a: {  	_ = 	snop  }
0x15b: {  	v3 =	vand.u32 $0xFFFFFFFE, v3  }
0x15c: {  	v3 =	vbroadcast v3, $0x0;
	_ =	sdelay $0x1  }
0x15d: {  	v1 =	vsel vm0, v2, v1  }
0x15e: {  	v1 =	vmul.f32 v1, v0;
	_ =	sdelay $0x1  }
0x15f: {  	[tilespmem:s22+$0x30] =	vst v1  }
0x160: {  	s12 =	sadd.s32 $0x100, s20;
	v1 =	vld.idx.msk [tilespmem:v3+s14+$0x0], $0xffff  }
0x161: {  	v2 =	vld [tilespmem:s12+$0xFFFFFFC0]  }
0x162: {  	v3 =	vld [tilespmem:s12+$0xFFFFFF80];
	_ =	sdelay $0x3  }
0x163: {  	vm0 =	vgt.s32 v1, $0x0  }
0x164: {  	v1 =	vsel vm0, v2, v3  }
0x165: {  	v1 =	vmul.f32 v1, v0  }
0x166: {  	s13 =	sadd.s32 $0x100, s13  }
0x167: {  	[tilespmem:s13+$0xFFFFFF80] =	vst v1  }
0x168: {  	v1 =	vld [tilespmem:s12+$0xFFFFFF90]  }
0x169: {  	v2 =	vld [tilespmem:s12+$0xFFFFFFD0];
	_ =	sdelay $0x4  }
0x16a: {  	v1 =	vsel vm0, v2, v1  }
0x16b: {  	v1 =	vmul.f32 v1, v0;
	_ =	sdelay $0x1  }
0x16c: {  	[tilespmem:s13+$0xFFFFFF90] =	vst v1  }
0x16d: {  	v1 =	vld [tilespmem:s12+$0xFFFFFFA0]  }
0x16e: {  	v2 =	vld [tilespmem:s12+$0xFFFFFFE0];
	_ =	sdelay $0x4  }
0x16f: {  	v1 =	vsel vm0, v2, v1  }
0x170: {  	v1 =	vmul.f32 v1, v0;
	_ =	sdelay $0x1  }
0x171: {  	[tilespmem:s13+$0xFFFFFFA0] =	vst v1  }
0x172: {  	v1 =	vld [tilespmem:s12+$0xFFFFFFB0]  }
0x173: {  	v2 =	vld [tilespmem:s12+$0xFFFFFFF0];
	_ =	sdelay $0x3  }
0x174: {  	v3 =	vmov s25  }
0x175: {  	v1 =	vsel vm0, v2, v1  }
0x176: {  	v1 =	vmul.f32 v1, v0;
	_ =	sdelay $0x1  }
0x177: {  	[tilespmem:s13+$0xFFFFFFB0] =	vst v1  }
0x178: {  	v1 =	vld.idx.msk [tilespmem:v3+s14+$0x0], $0xffff  }
0x179: {  	v2 =	vld [tilespmem:s12+$0x0]  }
0x17a: {  	v3 =	vld [tilespmem:s12+$0x40];
	_ =	sdelay $0x3  }
0x17b: {  	vm0 =	vgt.s32 v1, $0x0  }
0x17c: {  	v1 =	vsel vm0, v3, v2  }
0x17d: {  	v1 =	vmul.f32 v1, v0;
	_ =	sdelay $0x1  }
0x17e: {  	[tilespmem:s13+$0x0] =	vst v1  }
0x17f: {  	v1 =	vld [tilespmem:s12+$0x10]  }
0x180: {  	v2 =	vld [tilespmem:s12+$0x50];
	_ =	sdelay $0x4  }
0x181: {  	v1 =	vsel vm0, v2, v1  }
0x182: {  	v1 =	vmul.f32 v1, v0;
	_ =	sdelay $0x1  }
0x183: {  	[tilespmem:s13+$0x10] =	vst v1  }
0x184: {  	v1 =	vld [tilespmem:s12+$0x20]  }
0x185: {  	v2 =	vld [tilespmem:s12+$0x60];
	_ =	sdelay $0x4  }
0x186: {  	v1 =	vsel vm0, v2, v1  }
0x187: {  	v1 =	vmul.f32 v1, v0;
	_ =	sdelay $0x1  }
0x188: {  	[tilespmem:s13+$0x20] =	vst v1  }
0x189: {  	v1 =	vld [tilespmem:s12+$0x30]  }
0x18a: {  	v2 =	vld [tilespmem:s12+$0x70];
	_ =	sdelay $0x4  }
0x18b: {  	v1 =	vsel vm0, v2, v1  }
0x18c: {  	s7 =	sshll.u32 s7, $0xB;
	v1 =	vmul.f32 v1, v0  }
0x18d: {  	s7 =	sadd.s32 s8, s7  }
0x18e: {  	s20 =	sadd.s32 s5, s7;
	[tilespmem:s13+$0x30] =	vst v1  }
0x18f: {  	[hbm4b:s20+s3] =	stream.linear.scatter [tilespmem:s30], [sflag:$0x6], $0xD00, $0x38;
	[tilespmem:$0x1A080] =	vst v63  }
0x190: {  	s22 =	sadd.s32 s7, s9  }
0x191: {  	[hbm4b:s22+s3] =	stream.linear.scatter [tilespmem:s31], [sflag:$0x6], $0xD00, $0x38;
	[tilespmem:$0x1A080] =	vst v63  }
0x192: {  	s24 =	sadd.s32 s7, s10  }
0x193: {  	[hbm4b:s24+s3] =	stream.linear.scatter [tilespmem:s1], [sflag:$0x6], $0xD00, $0x38;
	[tilespmem:$0x1A080] =	vst v63  }
0x194: {  	s7 =	sadd.s32 s7, s11  }
0x195: {  	[hbm4b:s7+s3] =	stream.linear.scatter [tilespmem:s0], [sflag:$0x6], $0xD00, $0x38;
	[tilespmem:$0x1A080] =	vst v63  }
0x196: {  	s12 =	simm.s32 @!p0 $0x68;
	s13 =	simm.s32 @!p0 $0x9C80;
	s7 =	sadd.s32 @!p0 $0x208, s6  }
0x197: {  	[tilespmem:s13], [sflag:$0x2] =	stream.indirect.gather @!p0 [hbm4b:s4+s12], $0x80, s7, s12, $0xb8;
	[tilespmem:$0x1A080] =	vst v63  }
0x198: {  	_ =	swait.ge [sflag:s15], $0x3400  }
0x199: {  	[sflag:s15] =	ssyncset.done $0x0  }
0x19a: {  	[sflag:s15] =	ssyncadd.s32 $0xFFFFCC00  }
0x19b: {  	s7 =	sor.u32 $0x2, s2;
	_ =	swait.ge [sflag:s17], $0xD00  }
0x19c: {  	s12 =	smul.u32 $0x68, s7;
	[sflag:s17] =	ssyncset.done $0x0  }
0x19d: {  	[sflag:s17] =	ssyncadd.s32 $0xFFFFF300  }
0x19e: {  	s16 =	sadd.s32 $0x0, s12;
	_ =	swait.ge [sflag:s17], $0xD00  }
0x19f: {  	v1 =	vmov s16;
	[sflag:s17] =	ssyncset.done $0x0  }
0x1a0: {  	v1 =	vand.u32 $0xFFFFFFFE, v1;
	[sflag:s17] =	ssyncadd.s32 $0xFFFFF300  }
0x1a1: {  	v1 =	vbroadcast v1, $0x0;
	_ =	swait.ge [sflag:s17], $0xD00  }
0x1a2: {  	[sflag:s17] =	ssyncset.done $0x0  }
0x1a3: {  	[sflag:s17] =	ssyncadd.s32 $0xFFFFF300  }
0x1a4: {  	_ =	swait.ge [sflag:s17], $0xD00  }
0x1a5: {  	[sflag:s17] =	ssyncset.done $0x0  }
0x1a6: {  	[sflag:s17] =	ssyncadd.s32 $0xFFFFF300  }
0x1a7: {  	s20 =	simm.s32 $0xD100;
	v1 =	vld.idx.msk [tilespmem:v1+s14+$0x0], $0xffff  }
0x1a8: {  	v2 =	vld [tilespmem:s20+$0xFFFFFFC0]  }
0x1a9: {  	v3 =	vld [tilespmem:s20+$0xFFFFFF80];
	_ =	sdelay $0x3  }
0x1aa: {  	vm0 =	vgt.s32 v1, $0x0  }
0x1ab: {  	v1 =	vsel vm0, v2, v3  }
0x1ac: {  	v1 =	vmul.f32 v1, v0  }
0x1ad: {  	s13 =	simm.s32 $0x13900  }
0x1ae: {  	[tilespmem:s13+$0xFFFFFF80] =	vst v1  }
0x1af: {  	v1 =	vld [tilespmem:s20+$0xFFFFFF90]  }
0x1b0: {  	v2 =	vld [tilespmem:s20+$0xFFFFFFD0];
	_ =	sdelay $0x4  }
0x1b1: {  	v1 =	vsel vm0, v2, v1  }
0x1b2: {  	v1 =	vmul.f32 v1, v0;
	_ =	sdelay $0x1  }
0x1b3: {  	[tilespmem:s13+$0xFFFFFF90] =	vst v1  }
0x1b4: {  	v1 =	vld [tilespmem:s20+$0xFFFFFFA0]  }
0x1b5: {  	v2 =	vld [tilespmem:s20+$0xFFFFFFE0];
	_ =	sdelay $0x4  }
0x1b6: {  	v1 =	vsel vm0, v2, v1  }
0x1b7: {  	v1 =	vmul.f32 v1, v0;
	_ =	sdelay $0x1  }
0x1b8: {  	[tilespmem:s13+$0xFFFFFFA0] =	vst v1  }
0x1b9: {  	v1 =	vld [tilespmem:s20+$0xFFFFFFB0]  }
0x1ba: {  	v2 =	vld [tilespmem:s20+$0xFFFFFFF0];
	_ =	sdelay $0x2  }
0x1bb: {  	s16 =	sadd.s32 $0x1, s16  }
0x1bc: {  	v3 =	vmov s16  }
0x1bd: {  	v1 =	vsel vm0, v2, v1  }
0x1be: {  	v1 =	vmul.f32 v1, v0;
	_ =	sdelay $0x1  }
0x1bf: {  	[tilespmem:s13+$0xFFFFFFB0] =	vst v1  }
0x1c0: {  	v1 =	vld.idx.msk [tilespmem:v3+s14+$0x0], $0xffff  }
0x1c1: {  	v2 =	vld [tilespmem:s20+$0x0]  }
0x1c2: {  	v3 =	vld [tilespmem:s20+$0x40];
	_ =	sdelay $0x3  }
0x1c3: {  	vm0 =	vgt.s32 v1, $0x0  }
0x1c4: {  	v1 =	vsel vm0, v3, v2  }
0x1c5: {  	v1 =	vmul.f32 v1, v0;
	_ =	sdelay $0x1  }
0x1c6: {  	[tilespmem:s13+$0x0] =	vst v1  }
0x1c7: {  	v1 =	vld [tilespmem:s20+$0x10]  }
0x1c8: {  	v2 =	vld [tilespmem:s20+$0x50];
	_ =	sdelay $0x4  }
0x1c9: {  	v1 =	vsel vm0, v2, v1  }
0x1ca: {  	v1 =	vmul.f32 v1, v0;
	_ =	sdelay $0x1  }
0x1cb: {  	[tilespmem:s13+$0x10] =	vst v1  }
0x1cc: {  	v1 =	vld [tilespmem:s20+$0x20]  }
0x1cd: {  	v2 =	vld [tilespmem:s20+$0x60];
	_ =	sdelay $0x4  }
0x1ce: {  	v1 =	vsel vm0, v2, v1  }
0x1cf: {  	v1 =	vmul.f32 v1, v0;
	_ =	sdelay $0x1  }
0x1d0: {  	[tilespmem:s13+$0x20] =	vst v1  }
0x1d1: {  	s25 =	sadd.s32 $0x2, s12;
	v1 =	vld [tilespmem:s20+$0x30]  }
0x1d2: {  	s26 =	simm.s32 $0x4;
	s22 =	simm.s32 $0x13900;
	v3 =	vmov s25;
	s25 =	sadd.s32 $0x1, s25;
	v2 =	vld [tilespmem:s20+$0x70]  }
.LBB2_7:
0x1d3: {  	s13 =	sadd.s32 $0x100, s13  }
0x1d4: {  	v3 =	vand.u32 $0xFFFFFFFE, v3;
	s20 =	sadd.s32 $0x100, s20;
	s24 =	smov.u32 s26;
	s16 =	sadd.s32 $0x2, s26  }
0x1d5: {  	p1 =	slt.u32 s26, $0x66;
	v3 =	vbroadcast v3, $0x0;
	_ =	sdelay $0x2  }
0x1d6: {  	v1 =	vsel vm0, v2, v1  }
0x1d7: {  	v1 =	vmul.f32 v1, v0;
	_ =	sdelay $0x1  }
0x1d8: {  	[tilespmem:s22+$0x30] =	vst v1;
	s22 =	smov.u32 s13  }
0x1d9: {  	v1 =	vld.idx.msk [tilespmem:v3+s14+$0x0], $0xffff  }
0x1da: {  	v2 =	vld [tilespmem:s20+$0xFFFFFFC0]  }
0x1db: {  	v3 =	vld [tilespmem:s20+$0xFFFFFF80];
	_ =	sdelay $0x3  }
0x1dc: {  	vm0 =	vgt.s32 v1, $0x0  }
0x1dd: {  	v1 =	vsel vm0, v2, v3  }
0x1de: {  	v1 =	vmul.f32 v1, v0;
	_ =	sdelay $0x1  }
0x1df: {  	[tilespmem:s13+$0xFFFFFF80] =	vst v1  }
0x1e0: {  	v1 =	vld [tilespmem:s20+$0xFFFFFF90]  }
0x1e1: {  	v2 =	vld [tilespmem:s20+$0xFFFFFFD0];
	_ =	sdelay $0x4  }
0x1e2: {  	v1 =	vsel vm0, v2, v1  }
0x1e3: {  	v1 =	vmul.f32 v1, v0;
	_ =	sdelay $0x1  }
0x1e4: {  	[tilespmem:s13+$0xFFFFFF90] =	vst v1  }
0x1e5: {  	v1 =	vld [tilespmem:s20+$0xFFFFFFA0]  }
0x1e6: {  	v2 =	vld [tilespmem:s20+$0xFFFFFFE0];
	_ =	sdelay $0x4  }
0x1e7: {  	v1 =	vsel vm0, v2, v1  }
0x1e8: {  	v1 =	vmul.f32 v1, v0;
	_ =	sdelay $0x1  }
0x1e9: {  	[tilespmem:s13+$0xFFFFFFA0] =	vst v1  }
0x1ea: {  	v1 =	vld [tilespmem:s20+$0xFFFFFFB0]  }
0x1eb: {  	v2 =	vld [tilespmem:s20+$0xFFFFFFF0];
	_ =	sdelay $0x3  }
0x1ec: {  	v3 =	vmov s25  }
0x1ed: {  	v1 =	vsel vm0, v2, v1  }
0x1ee: {  	v1 =	vmul.f32 v1, v0;
	_ =	sdelay $0x1  }
0x1ef: {  	[tilespmem:s13+$0xFFFFFFB0] =	vst v1  }
0x1f0: {  	v1 =	vld.idx.msk [tilespmem:v3+s14+$0x0], $0xffff  }
0x1f1: {  	v2 =	vld [tilespmem:s20+$0x0]  }
0x1f2: {  	v3 =	vld [tilespmem:s20+$0x40];
	_ =	sdelay $0x3  }
0x1f3: {  	vm0 =	vgt.s32 v1, $0x0  }
0x1f4: {  	v1 =	vsel vm0, v3, v2  }
0x1f5: {  	v1 =	vmul.f32 v1, v0;
	_ =	sdelay $0x1  }
0x1f6: {  	[tilespmem:s13+$0x0] =	vst v1  }
0x1f7: {  	v1 =	vld [tilespmem:s20+$0x10]  }
0x1f8: {  	v2 =	vld [tilespmem:s20+$0x50];
	_ =	sdelay $0x4  }
0x1f9: {  	v1 =	vsel vm0, v2, v1  }
0x1fa: {  	v1 =	vmul.f32 v1, v0;
	_ =	sdelay $0x1  }
0x1fb: {  	[tilespmem:s13+$0x10] =	vst v1  }
0x1fc: {  	v1 =	vld [tilespmem:s20+$0x20]  }
0x1fd: {  	v2 =	vld [tilespmem:s20+$0x60];
	_ =	sdelay $0x4  }
0x1fe: {  	v1 =	vsel vm0, v2, v1  }
.Ltmp4:
0x1ff: {  	v1 =	vmul.f32 v1, v0;
	(pc) =	sbr.rel @p1 .LBB2_7-.Ltmp4, $4  }
0x200: {  	_ = 	snop  }
0x201: {  	[tilespmem:s13+$0x20] =	vst v1  }
0x202: {  	s24 =	sadd.s32 s12, s24;
	v1 =	vld [tilespmem:s20+$0x30]  }
0x203: {  	s26 =	smov.u32 s16;
	s25 =	sadd.s32 $0x1, s24;
	v3 =	vmov s24;
	v2 =	vld [tilespmem:s20+$0x70]  }
0x204: {  	_ = 	snop  }
0x205: {  	v3 =	vand.u32 $0xFFFFFFFE, v3  }
0x206: {  	v3 =	vbroadcast v3, $0x0;
	_ =	sdelay $0x1  }
0x207: {  	v1 =	vsel vm0, v2, v1  }
0x208: {  	v1 =	vmul.f32 v1, v0;
	_ =	sdelay $0x1  }
0x209: {  	[tilespmem:s22+$0x30] =	vst v1  }
0x20a: {  	s12 =	sadd.s32 $0x100, s20;
	v1 =	vld.idx.msk [tilespmem:v3+s14+$0x0], $0xffff  }
0x20b: {  	v2 =	vld [tilespmem:s12+$0xFFFFFFC0]  }
0x20c: {  	v3 =	vld [tilespmem:s12+$0xFFFFFF80];
	_ =	sdelay $0x3  }
0x20d: {  	vm0 =	vgt.s32 v1, $0x0  }
0x20e: {  	v1 =	vsel vm0, v2, v3  }
0x20f: {  	v1 =	vmul.f32 v1, v0  }
0x210: {  	s13 =	sadd.s32 $0x100, s13  }
0x211: {  	[tilespmem:s13+$0xFFFFFF80] =	vst v1  }
0x212: {  	v1 =	vld [tilespmem:s12+$0xFFFFFF90]  }
0x213: {  	v2 =	vld [tilespmem:s12+$0xFFFFFFD0];
	_ =	sdelay $0x4  }
0x214: {  	v1 =	vsel vm0, v2, v1  }
0x215: {  	v1 =	vmul.f32 v1, v0;
	_ =	sdelay $0x1  }
0x216: {  	[tilespmem:s13+$0xFFFFFF90] =	vst v1  }
0x217: {  	v1 =	vld [tilespmem:s12+$0xFFFFFFA0]  }
0x218: {  	v2 =	vld [tilespmem:s12+$0xFFFFFFE0];
	_ =	sdelay $0x4  }
0x219: {  	v1 =	vsel vm0, v2, v1  }
0x21a: {  	v1 =	vmul.f32 v1, v0;
	_ =	sdelay $0x1  }
0x21b: {  	[tilespmem:s13+$0xFFFFFFA0] =	vst v1  }
0x21c: {  	v1 =	vld [tilespmem:s12+$0xFFFFFFB0]  }
0x21d: {  	v2 =	vld [tilespmem:s12+$0xFFFFFFF0];
	_ =	sdelay $0x3  }
0x21e: {  	v3 =	vmov s25  }
0x21f: {  	v1 =	vsel vm0, v2, v1  }
0x220: {  	v1 =	vmul.f32 v1, v0;
	_ =	sdelay $0x1  }
0x221: {  	[tilespmem:s13+$0xFFFFFFB0] =	vst v1  }
0x222: {  	v1 =	vld.idx.msk [tilespmem:v3+s14+$0x0], $0xffff  }
0x223: {  	v2 =	vld [tilespmem:s12+$0x0]  }
0x224: {  	v3 =	vld [tilespmem:s12+$0x40];
	_ =	sdelay $0x3  }
0x225: {  	vm0 =	vgt.s32 v1, $0x0  }
0x226: {  	v1 =	vsel vm0, v3, v2  }
0x227: {  	v1 =	vmul.f32 v1, v0;
	_ =	sdelay $0x1  }
0x228: {  	[tilespmem:s13+$0x0] =	vst v1  }
0x229: {  	v1 =	vld [tilespmem:s12+$0x10]  }
0x22a: {  	v2 =	vld [tilespmem:s12+$0x50];
	_ =	sdelay $0x4  }
0x22b: {  	v1 =	vsel vm0, v2, v1  }
0x22c: {  	v1 =	vmul.f32 v1, v0;
	_ =	sdelay $0x1  }
0x22d: {  	[tilespmem:s13+$0x10] =	vst v1  }
0x22e: {  	v1 =	vld [tilespmem:s12+$0x20]  }
0x22f: {  	v2 =	vld [tilespmem:s12+$0x60];
	_ =	sdelay $0x4  }
0x230: {  	v1 =	vsel vm0, v2, v1  }
0x231: {  	v1 =	vmul.f32 v1, v0;
	_ =	sdelay $0x1  }
0x232: {  	[tilespmem:s13+$0x20] =	vst v1  }
0x233: {  	v1 =	vld [tilespmem:s12+$0x30]  }
0x234: {  	v2 =	vld [tilespmem:s12+$0x70];
	_ =	sdelay $0x4  }
0x235: {  	v1 =	vsel vm0, v2, v1  }
0x236: {  	s7 =	sshll.u32 s7, $0xB;
	v1 =	vmul.f32 v1, v0  }
0x237: {  	s7 =	sadd.s32 s8, s7  }
0x238: {  	s22 =	sadd.s32 s5, s7;
	s25 =	simm.s32 $0x13880;
	[tilespmem:s13+$0x30] =	vst v1  }
0x239: {  	[hbm4b:s22+s3] =	stream.linear.scatter [tilespmem:s25], [sflag:$0x5], $0xD00, $0x38;
	[tilespmem:$0x1A080] =	vst v63  }
0x23a: {  	s26 =	simm.s32 $0x14580;
	s24 =	sadd.s32 s7, s9  }
0x23b: {  	[hbm4b:s24+s3] =	stream.linear.scatter [tilespmem:s26], [sflag:$0x5], $0xD00, $0x38;
	[tilespmem:$0x1A080] =	vst v63  }
0x23c: {  	s16 =	simm.s32 $0x15280;
	s13 =	sadd.s32 s7, s10  }
0x23d: {  	[hbm4b:s13+s3] =	stream.linear.scatter [tilespmem:s16], [sflag:$0x5], $0xD00, $0x38;
	[tilespmem:$0x1A080] =	vst v63  }
0x23e: {  	s7 =	sadd.s32 s7, s11  }
0x23f: {  	[hbm4b:s7+s3] =	stream.linear.scatter [tilespmem:s28], [sflag:$0x5], $0xD00, $0x38;
	[tilespmem:$0x1A080] =	vst v63  }
0x240: {  	s6 =	sadd.s32 @!p0 $0x270, s6;
	s12 =	simm.s32 @!p0 $0xD080;
	s7 =	simm.s32 @!p0 $0x68  }
0x241: {  	[tilespmem:s12], [sflag:$0x3] =	stream.indirect.gather @!p0 [hbm4b:s4+s7], $0x80, s6, s7, $0xb8;
	[tilespmem:$0x1A080] =	vst v63  }
0x242: {  	_ =	swait.ge [sflag:s18], $0x3400  }
0x243: {  	[sflag:s18] =	ssyncset.done $0x0  }
0x244: {  	[sflag:s18] =	ssyncadd.s32 $0xFFFFCC00  }
0x245: {  	s2 =	sor.u32 $0x3, s2;
	_ =	swait.ge [sflag:s19], $0xD00  }
0x246: {  	s6 =	smul.u32 $0x68, s2;
	[sflag:s19] =	ssyncset.done $0x0  }
0x247: {  	[sflag:s19] =	ssyncadd.s32 $0xFFFFF300  }
0x248: {  	s20 =	sadd.s32 $0x0, s6;
	_ =	swait.ge [sflag:s19], $0xD00  }
0x249: {  	v1 =	vmov s20;
	[sflag:s19] =	ssyncset.done $0x0  }
0x24a: {  	v1 =	vand.u32 $0xFFFFFFFE, v1;
	[sflag:s19] =	ssyncadd.s32 $0xFFFFF300  }
0x24b: {  	v1 =	vbroadcast v1, $0x0;
	_ =	swait.ge [sflag:s19], $0xD00  }
0x24c: {  	[sflag:s19] =	ssyncset.done $0x0  }
0x24d: {  	[sflag:s19] =	ssyncadd.s32 $0xFFFFF300  }
0x24e: {  	_ =	swait.ge [sflag:s19], $0xD00  }
0x24f: {  	[sflag:s19] =	ssyncset.done $0x0  }
0x250: {  	[sflag:s19] =	ssyncadd.s32 $0xFFFFF300  }
0x251: {  	s12 =	simm.s32 $0x10500;
	v1 =	vld.idx.msk [tilespmem:v1+s14+$0x0], $0xffff  }
0x252: {  	v2 =	vld [tilespmem:s12+$0xFFFFFFC0]  }
0x253: {  	v3 =	vld [tilespmem:s12+$0xFFFFFF80];
	_ =	sdelay $0x3  }
0x254: {  	vm0 =	vgt.s32 v1, $0x0  }
0x255: {  	v1 =	vsel vm0, v2, v3  }
0x256: {  	v1 =	vmul.f32 v1, v0  }
0x257: {  	s7 =	simm.s32 $0x16D00  }
0x258: {  	[tilespmem:s7+$0xFFFFFF80] =	vst v1  }
0x259: {  	v1 =	vld [tilespmem:s12+$0xFFFFFF90]  }
0x25a: {  	v2 =	vld [tilespmem:s12+$0xFFFFFFD0];
	_ =	sdelay $0x4  }
0x25b: {  	v1 =	vsel vm0, v2, v1  }
0x25c: {  	v1 =	vmul.f32 v1, v0;
	_ =	sdelay $0x1  }
0x25d: {  	[tilespmem:s7+$0xFFFFFF90] =	vst v1  }
0x25e: {  	v1 =	vld [tilespmem:s12+$0xFFFFFFA0]  }
0x25f: {  	v2 =	vld [tilespmem:s12+$0xFFFFFFE0];
	_ =	sdelay $0x4  }
0x260: {  	v1 =	vsel vm0, v2, v1  }
0x261: {  	v1 =	vmul.f32 v1, v0;
	_ =	sdelay $0x1  }
0x262: {  	[tilespmem:s7+$0xFFFFFFA0] =	vst v1  }
0x263: {  	v1 =	vld [tilespmem:s12+$0xFFFFFFB0]  }
0x264: {  	v2 =	vld [tilespmem:s12+$0xFFFFFFF0];
	_ =	sdelay $0x2  }
0x265: {  	s13 =	sadd.s32 $0x1, s20  }
0x266: {  	v3 =	vmov s13  }
0x267: {  	v1 =	vsel vm0, v2, v1  }
0x268: {  	v1 =	vmul.f32 v1, v0;
	_ =	sdelay $0x1  }
0x269: {  	[tilespmem:s7+$0xFFFFFFB0] =	vst v1  }
0x26a: {  	v1 =	vld.idx.msk [tilespmem:v3+s14+$0x0], $0xffff  }
0x26b: {  	v2 =	vld [tilespmem:s12+$0x0]  }
0x26c: {  	v3 =	vld [tilespmem:s12+$0x40];
	_ =	sdelay $0x3  }
0x26d: {  	vm0 =	vgt.s32 v1, $0x0  }
0x26e: {  	v1 =	vsel vm0, v3, v2  }
0x26f: {  	v1 =	vmul.f32 v1, v0;
	_ =	sdelay $0x1  }
0x270: {  	[tilespmem:s7+$0x0] =	vst v1  }
0x271: {  	v1 =	vld [tilespmem:s12+$0x10]  }
0x272: {  	v2 =	vld [tilespmem:s12+$0x50];
	_ =	sdelay $0x4  }
0x273: {  	v1 =	vsel vm0, v2, v1  }
0x274: {  	v1 =	vmul.f32 v1, v0;
	_ =	sdelay $0x1  }
0x275: {  	[tilespmem:s7+$0x10] =	vst v1  }
0x276: {  	v1 =	vld [tilespmem:s12+$0x20]  }
0x277: {  	v2 =	vld [tilespmem:s12+$0x60];
	_ =	sdelay $0x4  }
0x278: {  	v1 =	vsel vm0, v2, v1  }
0x279: {  	v1 =	vmul.f32 v1, v0;
	_ =	sdelay $0x1  }
0x27a: {  	[tilespmem:s7+$0x20] =	vst v1  }
0x27b: {  	s22 =	sadd.s32 $0x2, s6;
	v1 =	vld [tilespmem:s12+$0x30]  }
0x27c: {  	s24 =	simm.s32 $0x4;
	s13 =	simm.s32 $0x16D00;
	v3 =	vmov s22;
	s22 =	sadd.s32 $0x1, s22;
	v2 =	vld [tilespmem:s12+$0x70]  }
.LBB2_9:
0x27d: {  	s7 =	sadd.s32 $0x100, s7  }
0x27e: {  	v3 =	vand.u32 $0xFFFFFFFE, v3;
	s12 =	sadd.s32 $0x100, s12;
	s20 =	smov.u32 s24;
	s16 =	sadd.s32 $0x2, s24  }
0x27f: {  	p1 =	slt.u32 s24, $0x66;
	v3 =	vbroadcast v3, $0x0;
	_ =	sdelay $0x2  }
0x280: {  	v1 =	vsel vm0, v2, v1  }
0x281: {  	v1 =	vmul.f32 v1, v0;
	_ =	sdelay $0x1  }
0x282: {  	[tilespmem:s13+$0x30] =	vst v1;
	s13 =	smov.u32 s7  }
0x283: {  	v1 =	vld.idx.msk [tilespmem:v3+s14+$0x0], $0xffff  }
0x284: {  	v2 =	vld [tilespmem:s12+$0xFFFFFFC0]  }
0x285: {  	v3 =	vld [tilespmem:s12+$0xFFFFFF80];
	_ =	sdelay $0x3  }
0x286: {  	vm0 =	vgt.s32 v1, $0x0  }
0x287: {  	v1 =	vsel vm0, v2, v3  }
0x288: {  	v1 =	vmul.f32 v1, v0;
	_ =	sdelay $0x1  }
0x289: {  	[tilespmem:s7+$0xFFFFFF80] =	vst v1  }
0x28a: {  	v1 =	vld [tilespmem:s12+$0xFFFFFF90]  }
0x28b: {  	v2 =	vld [tilespmem:s12+$0xFFFFFFD0];
	_ =	sdelay $0x4  }
0x28c: {  	v1 =	vsel vm0, v2, v1  }
0x28d: {  	v1 =	vmul.f32 v1, v0;
	_ =	sdelay $0x1  }
0x28e: {  	[tilespmem:s7+$0xFFFFFF90] =	vst v1  }
0x28f: {  	v1 =	vld [tilespmem:s12+$0xFFFFFFA0]  }
0x290: {  	v2 =	vld [tilespmem:s12+$0xFFFFFFE0];
	_ =	sdelay $0x4  }
0x291: {  	v1 =	vsel vm0, v2, v1  }
0x292: {  	v1 =	vmul.f32 v1, v0;
	_ =	sdelay $0x1  }
0x293: {  	[tilespmem:s7+$0xFFFFFFA0] =	vst v1  }
0x294: {  	v1 =	vld [tilespmem:s12+$0xFFFFFFB0]  }
0x295: {  	v2 =	vld [tilespmem:s12+$0xFFFFFFF0];
	_ =	sdelay $0x3  }
0x296: {  	v3 =	vmov s22  }
0x297: {  	v1 =	vsel vm0, v2, v1  }
0x298: {  	v1 =	vmul.f32 v1, v0;
	_ =	sdelay $0x1  }
0x299: {  	[tilespmem:s7+$0xFFFFFFB0] =	vst v1  }
0x29a: {  	v1 =	vld.idx.msk [tilespmem:v3+s14+$0x0], $0xffff  }
0x29b: {  	v2 =	vld [tilespmem:s12+$0x0]  }
0x29c: {  	v3 =	vld [tilespmem:s12+$0x40];
	_ =	sdelay $0x3  }
0x29d: {  	vm0 =	vgt.s32 v1, $0x0  }
0x29e: {  	v1 =	vsel vm0, v3, v2  }
0x29f: {  	v1 =	vmul.f32 v1, v0;
	_ =	sdelay $0x1  }
0x2a0: {  	[tilespmem:s7+$0x0] =	vst v1  }
0x2a1: {  	v1 =	vld [tilespmem:s12+$0x10]  }
0x2a2: {  	v2 =	vld [tilespmem:s12+$0x50];
	_ =	sdelay $0x4  }
0x2a3: {  	v1 =	vsel vm0, v2, v1  }
0x2a4: {  	v1 =	vmul.f32 v1, v0;
	_ =	sdelay $0x1  }
0x2a5: {  	[tilespmem:s7+$0x10] =	vst v1  }
0x2a6: {  	v1 =	vld [tilespmem:s12+$0x20]  }
0x2a7: {  	v2 =	vld [tilespmem:s12+$0x60];
	_ =	sdelay $0x4  }
0x2a8: {  	v1 =	vsel vm0, v2, v1  }
.Ltmp5:
0x2a9: {  	v1 =	vmul.f32 v1, v0;
	(pc) =	sbr.rel @p1 .LBB2_9-.Ltmp5, $4  }
0x2aa: {  	_ = 	snop  }
0x2ab: {  	[tilespmem:s7+$0x20] =	vst v1  }
0x2ac: {  	s20 =	sadd.s32 s6, s20;
	v1 =	vld [tilespmem:s12+$0x30]  }
0x2ad: {  	s24 =	smov.u32 s16;
	s22 =	sadd.s32 $0x1, s20;
	v3 =	vmov s20;
	v2 =	vld [tilespmem:s12+$0x70]  }
0x2ae: {  	_ = 	snop  }
0x2af: {  	v3 =	vand.u32 $0xFFFFFFFE, v3  }
0x2b0: {  	v3 =	vbroadcast v3, $0x0;
	_ =	sdelay $0x1  }
0x2b1: {  	v1 =	vsel vm0, v2, v1  }
0x2b2: {  	v1 =	vmul.f32 v1, v0;
	_ =	sdelay $0x1  }
0x2b3: {  	[tilespmem:s13+$0x30] =	vst v1  }
0x2b4: {  	s6 =	sadd.s32 $0x100, s12;
	v1 =	vld.idx.msk [tilespmem:v3+s14+$0x0], $0xffff  }
0x2b5: {  	v2 =	vld [tilespmem:s6+$0xFFFFFFC0]  }
0x2b6: {  	v3 =	vld [tilespmem:s6+$0xFFFFFF80];
	_ =	sdelay $0x3  }
0x2b7: {  	vm14 =	vgt.s32 v1, $0x0  }
0x2b8: {  	v1 =	vsel vm14, v2, v3  }
0x2b9: {  	v1 =	vmul.f32 v1, v0  }
0x2ba: {  	s7 =	sadd.s32 $0x100, s7  }
0x2bb: {  	[tilespmem:s7+$0xFFFFFF80] =	vst v1  }
0x2bc: {  	v1 =	vld [tilespmem:s6+$0xFFFFFF90]  }
0x2bd: {  	v2 =	vld [tilespmem:s6+$0xFFFFFFD0];
	_ =	sdelay $0x4  }
0x2be: {  	v1 =	vsel vm14, v2, v1  }
0x2bf: {  	v1 =	vmul.f32 v1, v0;
	_ =	sdelay $0x1  }
0x2c0: {  	[tilespmem:s7+$0xFFFFFF90] =	vst v1  }
0x2c1: {  	v1 =	vld [tilespmem:s6+$0xFFFFFFA0]  }
0x2c2: {  	v2 =	vld [tilespmem:s6+$0xFFFFFFE0];
	_ =	sdelay $0x4  }
0x2c3: {  	v1 =	vsel vm14, v2, v1  }
0x2c4: {  	v1 =	vmul.f32 v1, v0;
	_ =	sdelay $0x1  }
0x2c5: {  	[tilespmem:s7+$0xFFFFFFA0] =	vst v1  }
0x2c6: {  	v1 =	vld [tilespmem:s6+$0xFFFFFFB0]  }
0x2c7: {  	v2 =	vld [tilespmem:s6+$0xFFFFFFF0];
	_ =	sdelay $0x3  }
0x2c8: {  	v3 =	vmov s22  }
0x2c9: {  	v1 =	vsel vm14, v2, v1  }
0x2ca: {  	v1 =	vmul.f32 v1, v0;
	_ =	sdelay $0x1  }
0x2cb: {  	[tilespmem:s7+$0xFFFFFFB0] =	vst v1  }
0x2cc: {  	v1 =	vld.idx.msk [tilespmem:v3+s14+$0x0], $0xffff  }
0x2cd: {  	v2 =	vld [tilespmem:s6+$0x0]  }
0x2ce: {  	v3 =	vld [tilespmem:s6+$0x40];
	_ =	sdelay $0x3  }
0x2cf: {  	vm15 =	vgt.s32 v1, $0x0  }
0x2d0: {  	v1 =	vsel vm15, v3, v2  }
0x2d1: {  	v1 =	vmul.f32 v1, v0;
	_ =	sdelay $0x1  }
0x2d2: {  	[tilespmem:s7+$0x0] =	vst v1  }
0x2d3: {  	v1 =	vld [tilespmem:s6+$0x10]  }
0x2d4: {  	v2 =	vld [tilespmem:s6+$0x50];
	_ =	sdelay $0x4  }
0x2d5: {  	v1 =	vsel vm15, v2, v1  }
0x2d6: {  	v1 =	vmul.f32 v1, v0;
	_ =	sdelay $0x1  }
0x2d7: {  	[tilespmem:s7+$0x10] =	vst v1  }
0x2d8: {  	v1 =	vld [tilespmem:s6+$0x20]  }
0x2d9: {  	v2 =	vld [tilespmem:s6+$0x60];
	_ =	sdelay $0x4  }
0x2da: {  	v1 =	vsel vm15, v2, v1  }
0x2db: {  	v1 =	vmul.f32 v1, v0;
	_ =	sdelay $0x1  }
0x2dc: {  	[tilespmem:s7+$0x20] =	vst v1  }
0x2dd: {  	v1 =	vld [tilespmem:s6+$0x30]  }
0x2de: {  	v2 =	vld [tilespmem:s6+$0x70];
	_ =	sdelay $0x4  }
0x2df: {  	v1 =	vsel vm15, v2, v1  }
0x2e0: {  	s2 =	sshll.u32 s2, $0xB;
	v1 =	vmul.f32 v1, v0  }
0x2e1: {  	s2 =	sadd.s32 s8, s2  }
0x2e2: {  	s20 =	sadd.s32 s5, s2;
	[tilespmem:s7+$0x30] =	vst v1  }
0x2e3: {  	[hbm4b:s20+s3] =	stream.linear.scatter [tilespmem:s30], [sflag:$0x6], $0xD00, $0x38;
	[tilespmem:$0x1A080] =	vst v63  }
0x2e4: {  	s22 =	sadd.s32 s2, s9  }
0x2e5: {  	[hbm4b:s22+s3] =	stream.linear.scatter [tilespmem:s31], [sflag:$0x6], $0xD00, $0x38;
	[tilespmem:$0x1A080] =	vst v63  }
.Ltmp6:
0x2e6: {  	_ = 	snop;
	(pc) =	sbr.rel @p0 .LBB2_12-.Ltmp6, $4  }
0x2e7: {  	s24 =	sadd.s32 s2, s10  }
0x2e8: {  	[hbm4b:s24+s3] =	stream.linear.scatter [tilespmem:s1], [sflag:$0x6], $0xD00, $0x38;
	[tilespmem:$0x1A080] =	vst v63  }
0x2e9: {  	s2 =	sadd.s32 s2, s11  }
0x2ea: {  	[hbm4b:s2+s3] =	stream.linear.scatter [tilespmem:s0], [sflag:$0x6], $0xD00, $0x38;
	[tilespmem:$0x1A080] =	vst v63  }
0x2eb: {  	s2 =	smul.u32 $0x680, s21  }
.Ltmp7:
0x2ec: {  	_ = 	snop;
	(pc) =	sbr.rel .LBB2_2-.Ltmp7, $4  }
0x2ed: {  	_ = 	snop  }
0x2ee: {  	s6 =	simm.s32 $0x68;
	s2 =	sshra.s32 s2, $0x2  }
0x2ef: {  	s7 =	simm.s32 $0x10480;
	s21 =	sadd.s32 $0x1, s21;
	s2 =	sadd.s32 $0x2D8, s2  }
0x2f0: {  	[tilespmem:s7], [sflag:$0x4] =	stream.indirect.gather [hbm4b:s4+s6], $0x80, s2, s6, $0xb8;
	[tilespmem:$0x1A080] =	vst v63  }
.LBB2_13:
0x2f1: {  	_ =	sfence.sel $0x180000  }
0x2f2: {  	[bflag:$0x0] =	sbarrier.arrive $0xFFFF  }
0x2f3: {  	_ =	strace $0x90000047  }
0x2f4: {  	s0 =	stileid.u32;
	[bflag:$0x2] =	sbarrier.arrive $0xFFFF  }
0x2f5: {  	p0 =	sne.s32 s0, $0x0;
	s0 =	rddreg [dreg:$0x2]  }
0x2f6: {  	s0 =	sadd.s32 @!p0 $0x100000, s0  }
0x2f7: {  	[sflag:s0] =	ssyncadd.tile.s32 @!p0 $0x1;
	_ =	shalt  }
.Lfunc_end2:
_tile_overlayer_lowered:
.L_overlay_start_2:
0x2f8: {  	(tag) =	ssettag $0x2  }
0x2f9: {  	s0 =	rddreg [dreg:$0x0];
	s2 =	stileid.u32  }
0x2fa: {  	s1 =	rddreg [dreg:$0x1];
	p0 =	sne.s32 s2, $0x0  }
0x2fb: {  	s3 =	rddreg [dreg:$0x2];
	[bflag:$0x3] =	sbarrier.arrive $0xFFFF;
	s2 =	simm.s32 @!p0 $0x1C07  }
0x2fc: {  	[timem:s3], [sflag:s2] =	dma.local @!p0 [hbm:s0], s1  }
0x2fd: {  	s0 =	simm.s32 @!p0 $0x7  }
0x2fe: {  	_ =	swait.ge @!p0 [sflag:s0], s1  }
0x2ff: {  	s1 =	ssub.s32 @!p0 $0x0, s1;
	[sflag:s0] =	ssyncset.done @!p0 $0x0  }
0x300: {  	[sflag:s0] =	ssyncadd.s32 @!p0 s1  }
0x301: {  	[bflag:$0x3] =	sbarrier.arrive $0xFFFF  }
0x302: {  	_ =	shalt  }

</sc_bundles>
